<compile_context>
chip_gen: v7x
topology: tpu7x:2x2x1
jax: 0.10.2.dev20260603
libtpu: 0.0.44.dev20260713+nightly
codegen_flags: <defaults>
</compile_context>

<pallas_src>
import jax
import jax.numpy as jnp
from jax import lax
from jax.experimental import pallas as pl
from jax.experimental.pallas import tpu as pltpu
import jax.experimental.pallas.tpu_sc as plsc

N = 10000
E = 320000
IN = 128
NC = 2
NS = 16
B = 80
IBLK = 5
NBLK1 = E // (NS * IBLK * B)
NBLK2 = E // (NC * NS * IBLK * B)
NPAD = 10112
NPT = NPAD // NS
DND = 640
DPT = DND // NS


def _lane():
    return lax.broadcasted_iota(jnp.int32, (16,), 0)


def _perm(v, k):
    return v.at[_lane() ^ k].get(mode="promise_in_bounds", unique_indices=True)


def _lanesum(v):
    for k in (1, 2, 4, 8):
        v = v + _perm(v, k)
    return v


def _proj_body(x_ref, w_ref, b_ref, o_ref):
    o_ref[...] = (
        jnp.dot(x_ref[...], w_ref[...], preferred_element_type=jnp.float32)
        + b_ref[...]
    )


def _stage_a(x, w, b):
    return pl.pallas_call(
        _proj_body,
        grid=(10,),
        in_specs=[
            pl.BlockSpec((1000, IN), lambda i: (i, 0)),
            pl.BlockSpec((IN, 512), lambda i: (0, 0)),
            pl.BlockSpec((1, 512), lambda i: (0, 0)),
        ],
        out_specs=pl.BlockSpec((1000, 512), lambda i: (i, 0)),
        out_shape=jax.ShapeDtypeStruct((N, 512), jnp.float32),
    )(x, w, b)


def _gat1_body(src_hbm, dst_hbm, xl_hbm, xr_hbm, att_hbm, zero_hbm,
               num_out, den_out,
               srcv, dstv, dgv, dhv, xlg, xrg, msg, attv,
               num_sp, den_sp, sem1, sem2):
    c = lax.axis_index("c")
    s = lax.axis_index("s")
    lane = lax.broadcasted_iota(jnp.int32, (16,), 0)
    pltpu.sync_copy(zero_hbm.at[pl.ds(s * NPT, NPT)],
                    num_sp.at[pl.ds(s * NPT, NPT)])
    pltpu.sync_copy(zero_hbm.at[pl.ds(s * DPT, DPT)],
                    den_sp.at[pl.ds(s * DPT, DPT)])
    pltpu.sync_copy(att_hbm.at[pl.ds(c * 8, 8)], attv)
    plsc.subcore_barrier()
    off = c * N

    def _blk(t, _):
        pltpu.sync_copy(src_hbm.at[s, t], srcv)
        pltpu.sync_copy(dst_hbm.at[s, t], dstv)

        def _adj(i, _a):
            for k in range(B // 16):
                d = dstv[i, pl.ds(k * 16, 16)]
                dgv[i, pl.ds(k * 16, 16)] = d + off
                dhv[i, pl.ds(k * 16, 16)] = d >> 4
                srcv[i, pl.ds(k * 16, 16)] = srcv[i, pl.ds(k * 16, 16)] + off
            return _a

        lax.fori_loop(0, IBLK, _adj, None)

        def _chunk(j, _c):
            cp1 = pltpu.async_copy(xl_hbm.at[srcv.at[j]], xlg, sem1)
            cp2 = pltpu.async_copy(xr_hbm.at[dgv.at[j]], xrg, sem2)
            cp1.wait()
            cp2.wait()

            def _edge(b, _2):
                dsp = plsc.load_gather(
                    dstv,
                    [jnp.broadcast_to(j, (16,)), jnp.broadcast_to(b, (16,))])
                par8 = (dsp & 1) * 8
                grp = (dsp >> 1) & 7
                xls = []
                ts = []
                for h in range(8):
                    xlv = xlg[b, pl.ds(h * 16, 16)]
                    xrv = xrg[b, pl.ds(h * 16, 16)]
                    sv = xlv + xrv
                    ev = jnp.maximum(sv, 0.2 * sv)
                    xls.append(xlv)
                    ts.append(ev * attv[h, :])
                ms = []
                for p in range(4):
                    ua = ts[2 * p] + _perm(ts[2 * p], 1)
                    ub = ts[2 * p + 1] + _perm(ts[2 * p + 1], 1)
                    ms.append(jnp.where((lane & 1) == 0, ua, ub))
                ws = [m + _perm(m, 2) for m in ms]
                vs = [jnp.where((lane & 2) == 0, ws[0], ws[1]),
                      jnp.where((lane & 2) == 0, ws[2], ws[3])]
                zs = [v + _perm(v, 4) for v in vs]
                z = jnp.where((lane & 4) == 0, zs[0], zs[1])
                full = jnp.exp(z + _perm(z, 8))
                for h in range(8):
                    exh = full.at[jnp.full((16,), h, jnp.int32)].get(
                        mode="promise_in_bounds")
                    msg[b, pl.ds(h * 16, 16)] = exh * xls[h]
                placed = jnp.where((lane >= 8) == (par8 == 8), full, 0.0)
                for g in range(8):
                    xrg[b, pl.ds(g * 16, 16)] = jnp.where(grp == g, placed, 0.0)
                return _2

            lax.fori_loop(0, B, _edge, None)
            cp3 = pltpu.async_copy(msg, num_sp.at[dstv.at[j]], sem1, add=True)
            cp4 = pltpu.async_copy(xrg, den_sp.at[dhv.at[j]], sem2, add=True)
            cp3.wait()
            cp4.wait()
            return _c

        lax.fori_loop(0, IBLK, _chunk, None)
        return _

    lax.fori_loop(0, NBLK1, _blk, None)
    plsc.subcore_barrier()
    pltpu.sync_copy(num_sp.at[pl.ds(s * NPT, NPT)],
                    num_out.at[c, pl.ds(s * NPT, NPT)])
    pltpu.sync_copy(den_sp.at[pl.ds(s * DPT, DPT)],
                    den_out.at[c, pl.ds(s * DPT, DPT)])


_stage_b = pl.kernel(
    _gat1_body,
    out_type=[
        jax.ShapeDtypeStruct((NC, NPAD, 128), jnp.float32),
        jax.ShapeDtypeStruct((NC, DND, 128), jnp.float32),
    ],
    mesh=plsc.VectorSubcoreMesh(core_axis_name="c", subcore_axis_name="s"),
    compiler_params=pltpu.CompilerParams(needs_layout_passes=False),
    scratch_types=[
        pltpu.VMEM((IBLK, B), jnp.int32),
        pltpu.VMEM((IBLK, B), jnp.int32),
        pltpu.VMEM((IBLK, B), jnp.int32),
        pltpu.VMEM((IBLK, B), jnp.int32),
        pltpu.VMEM((B, 128), jnp.float32),
        pltpu.VMEM((B, 128), jnp.float32),
        pltpu.VMEM((B, 128), jnp.float32),
        pltpu.VMEM((8, 16), jnp.float32),
        pltpu.VMEM_SHARED((NPAD, 128), jnp.float32),
        pltpu.VMEM_SHARED((DND, 128), jnp.float32),
        pltpu.SemaphoreType.DMA,
        pltpu.SemaphoreType.DMA,
    ],
)


def _mid_body(a0_ref, a1_ref, d0_ref, d1_ref, b1_ref, wl_ref, bl_ref,
              wr_ref, br_ref, t_ref):
    num = jnp.concatenate([a0_ref[...], a1_ref[...]], axis=1)
    den16 = jnp.concatenate([d0_ref[...], d1_ref[...]], axis=1)
    rows = num.shape[0]
    den = jnp.reshape(
        jnp.broadcast_to(den16[:, :, None], (rows, 16, 16)), (rows, 256)
    )
    h = num / jnp.where(den == 0.0, 1.0, den) + b1_ref[...]
    h = jnp.where(h > 0.0, h, jnp.exp(h) - 1.0)
    xl2 = jnp.dot(h, wl_ref[...], preferred_element_type=jnp.float32) + bl_ref[...]
    xr2 = jnp.dot(h, wr_ref[...], preferred_element_type=jnp.float32) + br_ref[...]
    t_ref[...] = jnp.concatenate(
        [xl2,
         jnp.ones((rows, 1), jnp.float32), jnp.zeros((rows, 15), jnp.float32),
         xr2,
         jnp.zeros((rows, 80), jnp.float32)],
        axis=1,
    )


def _stage_c(a0, a1, d0, d1, b1, wl, bl, wr, br):
    return pl.pallas_call(
        _mid_body,
        grid=(10,),
        in_specs=[
            pl.BlockSpec((1000, 128), lambda i: (i, 0)),
            pl.BlockSpec((1000, 128), lambda i: (i, 0)),
            pl.BlockSpec((1000, 8), lambda i: (i, 0)),
            pl.BlockSpec((1000, 8), lambda i: (i, 0)),
            pl.BlockSpec((1, 256), lambda i: (0, 0)),
            pl.BlockSpec((256, 16), lambda i: (0, 0)),
            pl.BlockSpec((1, 16), lambda i: (0, 0)),
            pl.BlockSpec((256, 16), lambda i: (0, 0)),
            pl.BlockSpec((1, 16), lambda i: (0, 0)),
        ],
        out_specs=pl.BlockSpec((1000, 128), lambda i: (i, 0)),
        out_shape=jax.ShapeDtypeStruct((N, 128), jnp.float32),
    )(a0, a1, d0, d1, b1, wl, bl, wr, br)


def _gat2_body(src_hbm, dst_hbm, t_hbm, att_hbm, zero_hbm, out_hbm,
               srcv, dstv, xlg, xrg, msg, attv, num_sp, sem1, sem2):
    c = lax.axis_index("c")
    s = lax.axis_index("s")
    pltpu.sync_copy(zero_hbm.at[pl.ds(s * NPT, NPT)],
                    num_sp.at[pl.ds(s * NPT, NPT)])
    pltpu.sync_copy(att_hbm, attv)

    def _mzero(b, _):
        for k in range(2, 8):
            msg[b, pl.ds(k * 16, 16)] = jnp.zeros((16,), jnp.float32)
        return _

    lax.fori_loop(0, B, _mzero, None)
    plsc.subcore_barrier()
    w = c * NS + s

    def _blk(t, _):
        pltpu.sync_copy(src_hbm.at[w, t], srcv)
        pltpu.sync_copy(dst_hbm.at[w, t], dstv)

        def _chunk(j, _c):
            cp1 = pltpu.async_copy(t_hbm.at[srcv.at[j]], xlg, sem1)
            cp2 = pltpu.async_copy(t_hbm.at[dstv.at[j]], xrg, sem2)
            cp1.wait()
            cp2.wait()

            def _e8(g, _2):
                lane = lax.broadcasted_iota(jnp.int32, (16,), 0)
                xls = []
                auxs = []
                ts = []
                for e in range(8):
                    b = g * 8 + e
                    xlv = xlg[b, pl.ds(0, 16)]
                    auxv = xlg[b, pl.ds(16, 16)]
                    xrv = xrg[b, pl.ds(32, 16)]
                    sv = xlv + xrv
                    ev = jnp.maximum(sv, 0.2 * sv)
                    xls.append(xlv)
                    auxs.append(auxv)
                    ts.append(ev * attv[0, :])
                ms = []
                for p in range(4):
                    ua = ts[2 * p] + _perm(ts[2 * p], 1)
                    ub = ts[2 * p + 1] + _perm(ts[2 * p + 1], 1)
                    ms.append(jnp.where((lane & 1) == 0, ua, ub))
                ws = [m + _perm(m, 2) for m in ms]
                vs = [jnp.where((lane & 2) == 0, ws[0], ws[1]),
                      jnp.where((lane & 2) == 0, ws[2], ws[3])]
                zs = [v + _perm(v, 4) for v in vs]
                z = jnp.where((lane & 4) == 0, zs[0], zs[1])
                exf = jnp.exp(z + _perm(z, 8))
                for e in range(8):
                    b = g * 8 + e
                    exh = exf.at[jnp.full((16,), e, jnp.int32)].get(
                        mode="promise_in_bounds")
                    msg[b, pl.ds(0, 16)] = exh * xls[e]
                    msg[b, pl.ds(16, 16)] = exh * auxs[e]
                return _2

            lax.fori_loop(0, B // 8, _e8, None)
            pltpu.sync_copy(msg, num_sp.at[dstv.at[j]], add=True)
            return _c

        lax.fori_loop(0, IBLK, _chunk, None)
        return _

    lax.fori_loop(0, NBLK2, _blk, None)
    plsc.subcore_barrier()
    pltpu.sync_copy(num_sp.at[pl.ds(s * NPT, NPT)],
                    out_hbm.at[c, pl.ds(s * NPT, NPT)])


_stage_b2 = pl.kernel(
    _gat2_body,
    out_type=jax.ShapeDtypeStruct((NC, NPAD, 128), jnp.float32),
    mesh=plsc.VectorSubcoreMesh(core_axis_name="c", subcore_axis_name="s"),
    compiler_params=pltpu.CompilerParams(needs_layout_passes=False),
    scratch_types=[
        pltpu.VMEM((IBLK, B), jnp.int32),
        pltpu.VMEM((IBLK, B), jnp.int32),
        pltpu.VMEM((B, 128), jnp.float32),
        pltpu.VMEM((B, 128), jnp.float32),
        pltpu.VMEM((B, 128), jnp.float32),
        pltpu.VMEM((1, 16), jnp.float32),
        pltpu.VMEM_SHARED((NPAD, 128), jnp.float32),
        pltpu.SemaphoreType.DMA,
        pltpu.SemaphoreType.DMA,
    ],
)


def _head_body(a0_ref, a1_ref, batch_ref, b2_ref, w3_ref, b3_ref, w4_ref,
               b4_ref, o_ref):
    a = a0_ref[...] + a1_ref[...]
    num = a[:, :16]
    den = a[:, 16:17]
    h2 = num / jnp.where(den == 0.0, 1.0, den) + b2_ref[...]
    onehot = (batch_ref[...] == lax.broadcasted_iota(jnp.int32, (1, 64), 1))
    onehot = onehot.astype(jnp.float32)
    sums = lax.dot_general(onehot, h2, (((0,), (0,)), ((), ())),
                           preferred_element_type=jnp.float32,
                           precision=lax.Precision.HIGHEST)
    cnt = jnp.sum(onehot, axis=0)[:, None]
    pooled = sums / jnp.maximum(cnt, 1.0)
    y = jnp.dot(pooled, w3_ref[...], preferred_element_type=jnp.float32) + b3_ref[...]
    y = jnp.maximum(y, 0.0)
    o_ref[...] = (
        jnp.dot(y, w4_ref[...], preferred_element_type=jnp.float32) + b4_ref[...]
    )


def _stage_d(a0, a1, batch2d, b2, w3, b3, w4, b4):
    return pl.pallas_call(
        _head_body,
        out_shape=jax.ShapeDtypeStruct((64, 1), jnp.float32),
    )(a0, a1, batch2d, b2, w3, b3, w4, b4)


def kernel(x, edge_index, batch, Wl1, bl1, Wr1, br1, att1, bias1,
           Wl2, bl2, Wr2, br2, att2, bias2, W3, b3, W4, b4):
    w1 = jnp.concatenate([Wl1, Wr1], axis=1)
    b1 = jnp.concatenate([bl1, br1])[None, :]
    xlr = _stage_a(x, w1, b1)
    xl_flat = jnp.concatenate([xlr[:, 0:128], xlr[:, 128:256]], axis=0)
    xr_flat = jnp.concatenate([xlr[:, 256:384], xlr[:, 384:512]], axis=0)

    src4a = edge_index[0].reshape(NS, NBLK1, IBLK, B)
    dst4a = edge_index[1].reshape(NS, NBLK1, IBLK, B)
    src4b = edge_index[0].reshape(NC * NS, NBLK2, IBLK, B)
    dst4b = edge_index[1].reshape(NC * NS, NBLK2, IBLK, B)
    zero128 = jnp.zeros((NPAD, 128), jnp.float32)

    num_out, den_out = _stage_b(src4a, dst4a, xl_flat, xr_flat, att1, zero128)
    den8 = den_out.reshape(NC, DND * 16, 8)[:, :N]
    t_tab = _stage_c(num_out[0, :N], num_out[1, :N],
                     den8[0], den8[1], bias1[None, :],
                     Wl2, bl2[None, :], Wr2, br2[None, :])
    aug2 = _stage_b2(src4b, dst4b, t_tab, att2, zero128)
    return _stage_d(aug2[0, :N], aug2[1, :N], batch[:, None], bias2[None, :],
                    W3, b3[None, :], W4, b4[None, :])

# --- scband reference (transcript-rebuilt; emitter-appended) ---
"""Pipeline reference for scband-gat-75926431859395 (READ-ONLY COPY).

The authoritative reference and input builder live on the scoring server;
editing this copy changes nothing except your own understanding.
"""

import jax, jax.numpy as jnp
import numpy as np

N = 10000; E = 320000; IN = 128; H1 = 16; C1 = 16; H2 = 1; C2 = 16; G = 64; OUT = 1

def _glorot(k, shape):
    lim = float(np.sqrt(6.0 / (shape[0] + shape[-1])))
    return jax.random.uniform(k, shape, dtype=jnp.float32, minval=-lim, maxval=lim)

def setup_inputs(seed: int = 0):
    key = jax.random.key(seed)
    ks = jax.random.split(key, 16)
    inp = {}
    inp['x'] = jax.random.normal(ks[0], (N, IN), dtype=jnp.float32)
    inp['edge_index'] = jax.random.randint(ks[1], (2, E), 0, N, dtype=jnp.int32)
    inp['batch'] = jnp.sort(jax.random.randint(ks[2], (N,), 0, G, dtype=jnp.int32))
    inp['Wl1'] = _glorot(ks[3], (IN, H1 * C1))
    inp['bl1'] = jnp.zeros((H1 * C1,), jnp.float32)
    inp['Wr1'] = _glorot(ks[4], (IN, H1 * C1))
    inp['br1'] = jnp.zeros((H1 * C1,), jnp.float32)
    inp['att1'] = _glorot(ks[5], (H1, C1))
    inp['bias1'] = jnp.zeros((H1 * C1,), jnp.float32)
    inp['Wl2'] = _glorot(ks[6], (H1 * C1, H2 * C2))
    inp['bl2'] = jnp.zeros((H2 * C2,), jnp.float32)
    inp['Wr2'] = _glorot(ks[7], (H1 * C1, H2 * C2))
    inp['br2'] = jnp.zeros((H2 * C2,), jnp.float32)
    inp['att2'] = _glorot(ks[8], (H2, C2))
    inp['bias2'] = jnp.zeros((H2 * C2,), jnp.float32)
    inp['W3'] = _glorot(ks[9], (C2, C2))
    inp['b3'] = jnp.zeros((C2,), jnp.float32)
    inp['W4'] = _glorot(ks[10], (C2, OUT))
    inp['b4'] = jnp.zeros((OUT,), jnp.float32)
    return inp

def _gatv2(x, edge_index, Wl, bl, Wr, br, att, bias, heads, out_ch):
    n = x.shape[0]
    src = edge_index[0]
    dst = edge_index[1]
    xl = (x @ Wl + bl).reshape(n, heads, out_ch)
    xr = (x @ Wr + br).reshape(n, heads, out_ch)
    e = jax.nn.leaky_relu(xl[src] + xr[dst], negative_slope=0.2)
    logits = jnp.sum(e * att[None, :, :], axis=-1)
    m = jax.ops.segment_max(logits, dst, num_segments=n)
    m = jnp.where(jnp.isfinite(m), m, 0.0)
    ex = jnp.exp(logits - m[dst])
    denom = jax.ops.segment_sum(ex, dst, num_segments=n)
    alpha = ex / (denom[dst] + 1e-16)
    msg = xl[src] * alpha[:, :, None]
    out = jax.ops.segment_sum(msg, dst, num_segments=n)
    return out.reshape(n, heads * out_ch) + bias

def reference(x, edge_index, batch, Wl1, bl1, Wr1, br1, att1, bias1, Wl2, bl2, Wr2, br2, att2, bias2, W3, b3, W4, b4):
    h = _gatv2(x, edge_index, Wl1, bl1, Wr1, br1, att1, bias1, H1, C1)
    h = jax.nn.celu(h)
    # dropout omitted: eval mode (training=False)
    h = _gatv2(h, edge_index, Wl2, bl2, Wr2, br2, att2, bias2, H2, C2)
    sums = jax.ops.segment_sum(h, batch, num_segments=G)
    cnt = jax.ops.segment_sum(jnp.ones((h.shape[0],), jnp.float32), batch, num_segments=G)
    pooled = sums / jnp.maximum(cnt, 1.0)[:, None]
    y = jax.nn.relu(pooled @ W3 + b3)
    return y @ W4 + b4

if __name__ == "__main__":
    import jax
    _d = setup_inputs()
    print(jax.jit(kernel)(*tuple(_d.values())))

</pallas_src>

<mosaic_0001>
#map = affine_map<(d0, d1) -> (0, 0, 0, 0)>
#map1 = affine_map<(d0, d1) -> (0, 0)>
#map2 = affine_map<(d0, d1) -> (0, 0, 0)>
module attributes {stable_mosaic.version = 14 : i64} {
  func.func @_gat2_body(%arg0: i32, %arg1: i32, %arg2: memref<32x25x5x80xi32, #tpu.memory_space<hbm>>, %arg3: memref<32x25x5x80xi32, #tpu.memory_space<hbm>>, %arg4: memref<10000x128xf32, #tpu.memory_space<hbm>>, %arg5: memref<1x16xf32, #tpu.memory_space<hbm>>, %arg6: memref<10112x128xf32, #tpu.memory_space<hbm>>, %arg7: memref<2x10112x128xf32, #tpu.memory_space<hbm>>, %arg8: memref<5x80xi32, #tpu.memory_space<vmem>>, %arg9: memref<5x80xi32, #tpu.memory_space<vmem>>, %arg10: memref<80x128xf32, #tpu.memory_space<vmem>>, %arg11: memref<80x128xf32, #tpu.memory_space<vmem>>, %arg12: memref<80x128xf32, #tpu.memory_space<vmem>>, %arg13: memref<1x16xf32, #tpu.memory_space<vmem>>, %arg14: memref<10112x128xf32, #tpu.memory_space<vmem_shared>>, %arg15: memref<!tpu.dma_semaphore, #tpu.memory_space<semaphore_mem>>, %arg16: memref<!tpu.dma_semaphore, #tpu.memory_space<semaphore_mem>>) attributes {dimension_semantics = [#tpu.dimension_semantics<core_parallel>, #tpu.dimension_semantics<subcore_parallel>], iteration_bounds = array<i64: 2, 16>, scalar_prefetch = 0 : i64, scratch_operands = 9 : i64, tpu.core_type = #tpu.core_type<sc_vector_subcore>, window_params = [{transform_indices = #map}, {transform_indices = #map}, {transform_indices = #map1}, {transform_indices = #map1}, {transform_indices = #map1}, {transform_indices = #map2}]} {
    %mul3A = arith.constant 632 : i32
    %mul3A_0 = arith.muli %arg1, %mul3A : i32
    %mul3A_1 = arith.constant 632 : i32
    %mul3A_2 = arith.muli %arg1, %mul3A_1 : i32
    "tpu.region"() ({
      %run_scoped3A = tpu.sem_alloc : memref<!tpu.dma_semaphore, #tpu.memory_space<semaphore_mem>>
      %dma_start3A = arith.constant 0 : i32
      %dma_start3A_19 = tpu.memref_slice %arg14[%mul3A_2, %dma_start3A] : memref<10112x128xf32, #tpu.memory_space<vmem_shared>> -> memref<632x128xf32, #tpu.memory_space<vmem_shared>>
      %dma_start3A_20 = arith.constant 0 : i32
      %dma_start3A_21 = tpu.memref_slice %arg6[%mul3A_0, %dma_start3A_20] : memref<10112x128xf32, #tpu.memory_space<hbm>> -> memref<632x128xf32, #tpu.memory_space<hbm>>
      tpu.enqueue_dma source(%dma_start3A_21 : memref<632x128xf32, #tpu.memory_space<hbm>>) target(%dma_start3A_19 : memref<632x128xf32, #tpu.memory_space<vmem_shared>>) target_semaphore(%run_scoped3A : memref<!tpu.dma_semaphore, #tpu.memory_space<semaphore_mem>>)
      %dma_wait3A = arith.constant 0 : i32
      %dma_wait3A_22 = tpu.memref_slice %arg14[%mul3A_2, %dma_wait3A] : memref<10112x128xf32, #tpu.memory_space<vmem_shared>> -> memref<632x128xf32, #tpu.memory_space<vmem_shared>>
      %dma_wait3A_23 = arith.constant 0 : i32
      %dma_wait3A_24 = tpu.memref_slice %arg6[%mul3A_0, %dma_wait3A_23] : memref<10112x128xf32, #tpu.memory_space<hbm>> -> memref<632x128xf32, #tpu.memory_space<hbm>>
      tpu.wait_dma2 semaphore(%run_scoped3A : memref<!tpu.dma_semaphore, #tpu.memory_space<semaphore_mem>>) src(%dma_wait3A_24 : memref<632x128xf32, #tpu.memory_space<hbm>>) dst(%dma_wait3A_22 : memref<632x128xf32, #tpu.memory_space<vmem_shared>>)
      tpu.yield
    }) : () -> ()
    "tpu.region"() ({
      %run_scoped3A = tpu.sem_alloc : memref<!tpu.dma_semaphore, #tpu.memory_space<semaphore_mem>>
      tpu.enqueue_dma source(%arg5 : memref<1x16xf32, #tpu.memory_space<hbm>>) target(%arg13 : memref<1x16xf32, #tpu.memory_space<vmem>>) target_semaphore(%run_scoped3A : memref<!tpu.dma_semaphore, #tpu.memory_space<semaphore_mem>>)
      tpu.wait_dma2 semaphore(%run_scoped3A : memref<!tpu.dma_semaphore, #tpu.memory_space<semaphore_mem>>) src(%arg5 : memref<1x16xf32, #tpu.memory_space<hbm>>) dst(%arg13 : memref<1x16xf32, #tpu.memory_space<vmem>>)
      tpu.yield
    }) : () -> ()
    %scan3A = arith.constant 0 : i32
    %scan3A_3 = arith.constant 80 : i32
    %scan3A_4 = arith.addi %scan3A, %scan3A_3 : i32
    %scan3A_5 = arith.constant 1 : i32
    scf.for %scan3A_19 = %scan3A to %scan3A_4 step %scan3A_5  : i32 {
      %broadcast_in_dim3A = arith.constant 0.000000e+00 : f32
      %broadcast_in_dim3A_20 = vector.broadcast %broadcast_in_dim3A : f32 to vector<16xf32>
      %swap3A = arith.index_cast %scan3A_19 : i32 to index
      %swap3A_21 = arith.constant 32 : index
      %swap3A_22 = tpu.vector_load %arg12[%swap3A, %swap3A_21] {strides = array<i32>} : memref<80x128xf32, #tpu.memory_space<vmem>>, vector<16xf32>,
      tpu.vector_store %arg12[%swap3A, %swap3A_21], %broadcast_in_dim3A_20 {strides = array<i32>} : memref<80x128xf32, #tpu.memory_space<vmem>>, vector<16xf32>,
      %broadcast_in_dim3A_23 = arith.constant 0.000000e+00 : f32
      %broadcast_in_dim3A_24 = vector.broadcast %broadcast_in_dim3A_23 : f32 to vector<16xf32>
      %swap3A_25 = arith.index_cast %scan3A_19 : i32 to index
      %swap3A_26 = arith.constant 48 : index
      %swap3A_27 = tpu.vector_load %arg12[%swap3A_25, %swap3A_26] {strides = array<i32>} : memref<80x128xf32, #tpu.memory_space<vmem>>, vector<16xf32>,
      tpu.vector_store %arg12[%swap3A_25, %swap3A_26], %broadcast_in_dim3A_24 {strides = array<i32>} : memref<80x128xf32, #tpu.memory_space<vmem>>, vector<16xf32>,
      %broadcast_in_dim3A_28 = arith.constant 0.000000e+00 : f32
      %broadcast_in_dim3A_29 = vector.broadcast %broadcast_in_dim3A_28 : f32 to vector<16xf32>
      %swap3A_30 = arith.index_cast %scan3A_19 : i32 to index
      %swap3A_31 = arith.constant 64 : index
      %swap3A_32 = tpu.vector_load %arg12[%swap3A_30, %swap3A_31] {strides = array<i32>} : memref<80x128xf32, #tpu.memory_space<vmem>>, vector<16xf32>,
      tpu.vector_store %arg12[%swap3A_30, %swap3A_31], %broadcast_in_dim3A_29 {strides = array<i32>} : memref<80x128xf32, #tpu.memory_space<vmem>>, vector<16xf32>,
      %broadcast_in_dim3A_33 = arith.constant 0.000000e+00 : f32
      %broadcast_in_dim3A_34 = vector.broadcast %broadcast_in_dim3A_33 : f32 to vector<16xf32>
      %swap3A_35 = arith.index_cast %scan3A_19 : i32 to index
      %swap3A_36 = arith.constant 80 : index
      %swap3A_37 = tpu.vector_load %arg12[%swap3A_35, %swap3A_36] {strides = array<i32>} : memref<80x128xf32, #tpu.memory_space<vmem>>, vector<16xf32>,
      tpu.vector_store %arg12[%swap3A_35, %swap3A_36], %broadcast_in_dim3A_34 {strides = array<i32>} : memref<80x128xf32, #tpu.memory_space<vmem>>, vector<16xf32>,
      %broadcast_in_dim3A_38 = arith.constant 0.000000e+00 : f32
      %broadcast_in_dim3A_39 = vector.broadcast %broadcast_in_dim3A_38 : f32 to vector<16xf32>
      %swap3A_40 = arith.index_cast %scan3A_19 : i32 to index
      %swap3A_41 = arith.constant 96 : index
      %swap3A_42 = tpu.vector_load %arg12[%swap3A_40, %swap3A_41] {strides = array<i32>} : memref<80x128xf32, #tpu.memory_space<vmem>>, vector<16xf32>,
      tpu.vector_store %arg12[%swap3A_40, %swap3A_41], %broadcast_in_dim3A_39 {strides = array<i32>} : memref<80x128xf32, #tpu.memory_space<vmem>>, vector<16xf32>,
      %broadcast_in_dim3A_43 = arith.constant 0.000000e+00 : f32
      %broadcast_in_dim3A_44 = vector.broadcast %broadcast_in_dim3A_43 : f32 to vector<16xf32>
      %swap3A_45 = arith.index_cast %scan3A_19 : i32 to index
      %swap3A_46 = arith.constant 112 : index
      %swap3A_47 = tpu.vector_load %arg12[%swap3A_45, %swap3A_46] {strides = array<i32>} : memref<80x128xf32, #tpu.memory_space<vmem>>, vector<16xf32>,
      tpu.vector_store %arg12[%swap3A_45, %swap3A_46], %broadcast_in_dim3A_44 {strides = array<i32>} : memref<80x128xf32, #tpu.memory_space<vmem>>, vector<16xf32>,
    }
    %scan3A_6 = arith.constant 80 : i32
    %barrier3A = arith.constant 0 : index
    tpu.barrier barrier_id(%barrier3A)
    %mul3A_7 = arith.constant 16 : i32
    %mul3A_8 = arith.muli %arg0, %mul3A_7 : i32
    %add3A = arith.addi %mul3A_8, %arg1 : i32
    %scan3A_9 = arith.constant 0 : i32
    %scan3A_10 = arith.constant 25 : i32
    %scan3A_11 = arith.addi %scan3A_9, %scan3A_10 : i32
    %scan3A_12 = arith.constant 1 : i32
    scf.for %scan3A_19 = %scan3A_9 to %scan3A_11 step %scan3A_12  : i32 {
      "tpu.region"() ({
        %run_scoped3A = tpu.sem_alloc : memref<!tpu.dma_semaphore, #tpu.memory_space<semaphore_mem>>
        %dma_start3A = arith.constant 0 : i32
        %dma_start3A_25 = arith.constant 0 : i32
        %dma_start3A_26 = tpu.memref_slice %arg2[%add3A, %scan3A_19, %dma_start3A, %dma_start3A_25] : memref<32x25x5x80xi32, #tpu.memory_space<hbm>> -> memref<1x1x5x80xi32, #tpu.memory_space<hbm>>
        %dma_start3A_27 = tpu.memref_squeeze %dma_start3A_26 : memref<1x1x5x80xi32, #tpu.memory_space<hbm>> -> memref<5x80xi32, #tpu.memory_space<hbm>>
        %dma_start3A_28 = arith.constant 0 : i32
        %dma_start3A_29 = arith.constant 0 : i32
        %dma_start3A_30 = tpu.memref_slice %arg2[%add3A, %scan3A_19, %dma_start3A_28, %dma_start3A_29] : memref<32x25x5x80xi32, #tpu.memory_space<hbm>> -> memref<1x1x5x80xi32, #tpu.memory_space<hbm>>
        %dma_start3A_31 = tpu.memref_squeeze %dma_start3A_30 : memref<1x1x5x80xi32, #tpu.memory_space<hbm>> -> memref<5x80xi32, #tpu.memory_space<hbm>>
        tpu.enqueue_dma source(%dma_start3A_31 : memref<5x80xi32, #tpu.memory_space<hbm>>) target(%arg8 : memref<5x80xi32, #tpu.memory_space<vmem>>) target_semaphore(%run_scoped3A : memref<!tpu.dma_semaphore, #tpu.memory_space<semaphore_mem>>)
        %dma_wait3A = arith.constant 0 : i32
        %dma_wait3A_32 = arith.constant 0 : i32
        %dma_wait3A_33 = tpu.memref_slice %arg2[%add3A, %scan3A_19, %dma_wait3A, %dma_wait3A_32] : memref<32x25x5x80xi32, #tpu.memory_space<hbm>> -> memref<1x1x5x80xi32, #tpu.memory_space<hbm>>
        %dma_wait3A_34 = tpu.memref_squeeze %dma_wait3A_33 : memref<1x1x5x80xi32, #tpu.memory_space<hbm>> -> memref<5x80xi32, #tpu.memory_space<hbm>>
        %dma_wait3A_35 = arith.constant 0 : i32
        %dma_wait3A_36 = arith.constant 0 : i32
        %dma_wait3A_37 = tpu.memref_slice %arg2[%add3A, %scan3A_19, %dma_wait3A_35, %dma_wait3A_36] : memref<32x25x5x80xi32, #tpu.memory_space<hbm>> -> memref<1x1x5x80xi32, #tpu.memory_space<hbm>>
        %dma_wait3A_38 = tpu.memref_squeeze %dma_wait3A_37 : memref<1x1x5x80xi32, #tpu.memory_space<hbm>> -> memref<5x80xi32, #tpu.memory_space<hbm>>
        tpu.wait_dma2 semaphore(%run_scoped3A : memref<!tpu.dma_semaphore, #tpu.memory_space<semaphore_mem>>) src(%dma_wait3A_38 : memref<5x80xi32, #tpu.memory_space<hbm>>) dst(%arg8 : memref<5x80xi32, #tpu.memory_space<vmem>>)
        tpu.yield
      }) : () -> ()
      "tpu.region"() ({
        %run_scoped3A = tpu.sem_alloc : memref<!tpu.dma_semaphore, #tpu.memory_space<semaphore_mem>>
        %dma_start3A = arith.constant 0 : i32
        %dma_start3A_25 = arith.constant 0 : i32
        %dma_start3A_26 = tpu.memref_slice %arg3[%add3A, %scan3A_19, %dma_start3A, %dma_start3A_25] : memref<32x25x5x80xi32, #tpu.memory_space<hbm>> -> memref<1x1x5x80xi32, #tpu.memory_space<hbm>>
        %dma_start3A_27 = tpu.memref_squeeze %dma_start3A_26 : memref<1x1x5x80xi32, #tpu.memory_space<hbm>> -> memref<5x80xi32, #tpu.memory_space<hbm>>
        %dma_start3A_28 = arith.constant 0 : i32
        %dma_start3A_29 = arith.constant 0 : i32
        %dma_start3A_30 = tpu.memref_slice %arg3[%add3A, %scan3A_19, %dma_start3A_28, %dma_start3A_29] : memref<32x25x5x80xi32, #tpu.memory_space<hbm>> -> memref<1x1x5x80xi32, #tpu.memory_space<hbm>>
        %dma_start3A_31 = tpu.memref_squeeze %dma_start3A_30 : memref<1x1x5x80xi32, #tpu.memory_space<hbm>> -> memref<5x80xi32, #tpu.memory_space<hbm>>
        tpu.enqueue_dma source(%dma_start3A_31 : memref<5x80xi32, #tpu.memory_space<hbm>>) target(%arg9 : memref<5x80xi32, #tpu.memory_space<vmem>>) target_semaphore(%run_scoped3A : memref<!tpu.dma_semaphore, #tpu.memory_space<semaphore_mem>>)
        %dma_wait3A = arith.constant 0 : i32
        %dma_wait3A_32 = arith.constant 0 : i32
        %dma_wait3A_33 = tpu.memref_slice %arg3[%add3A, %scan3A_19, %dma_wait3A, %dma_wait3A_32] : memref<32x25x5x80xi32, #tpu.memory_space<hbm>> -> memref<1x1x5x80xi32, #tpu.memory_space<hbm>>
        %dma_wait3A_34 = tpu.memref_squeeze %dma_wait3A_33 : memref<1x1x5x80xi32, #tpu.memory_space<hbm>> -> memref<5x80xi32, #tpu.memory_space<hbm>>
        %dma_wait3A_35 = arith.constant 0 : i32
        %dma_wait3A_36 = arith.constant 0 : i32
        %dma_wait3A_37 = tpu.memref_slice %arg3[%add3A, %scan3A_19, %dma_wait3A_35, %dma_wait3A_36] : memref<32x25x5x80xi32, #tpu.memory_space<hbm>> -> memref<1x1x5x80xi32, #tpu.memory_space<hbm>>
        %dma_wait3A_38 = tpu.memref_squeeze %dma_wait3A_37 : memref<1x1x5x80xi32, #tpu.memory_space<hbm>> -> memref<5x80xi32, #tpu.memory_space<hbm>>
        tpu.wait_dma2 semaphore(%run_scoped3A : memref<!tpu.dma_semaphore, #tpu.memory_space<semaphore_mem>>) src(%dma_wait3A_38 : memref<5x80xi32, #tpu.memory_space<hbm>>) dst(%arg9 : memref<5x80xi32, #tpu.memory_space<vmem>>)
        tpu.yield
      }) : () -> ()
      %scan3A_20 = arith.constant 0 : i32
      %scan3A_21 = arith.constant 5 : i32
      %scan3A_22 = arith.addi %scan3A_20, %scan3A_21 : i32
      %scan3A_23 = arith.constant 1 : i32
      scf.for %scan3A_25 = %scan3A_20 to %scan3A_22 step %scan3A_23  : i32 {
        %dma_start3A = arith.constant 0 : i32
        %dma_start3A_26 = tpu.memref_slice %arg8[%scan3A_25, %dma_start3A] : memref<5x80xi32, #tpu.memory_space<vmem>> -> memref<1x80xi32, #tpu.memory_space<vmem>>
        %dma_start3A_27 = tpu.memref_squeeze %dma_start3A_26 : memref<1x80xi32, #tpu.memory_space<vmem>> -> memref<80xi32, #tpu.memory_space<vmem>>
        %dma_start3A_28 = arith.constant 0 : i32
        %dma_start3A_29 = arith.constant 0 : i32
        %dma_start3A_30 = tpu.memref_slice %arg4[%dma_start3A_28, %dma_start3A_29] : memref<10000x128xf32, #tpu.memory_space<hbm>> -> memref<10000x128xf32, #tpu.memory_space<hbm>>
        tpu.enqueue_indirect_dma source(%dma_start3A_30 : memref<10000x128xf32, #tpu.memory_space<hbm>>) target(%arg10 : memref<80x128xf32, #tpu.memory_space<vmem>>) offsets(%dma_start3A_27 : memref<80xi32, #tpu.memory_space<vmem>>) semaphore(%arg15 : memref<!tpu.dma_semaphore, #tpu.memory_space<semaphore_mem>>)
        %dma_start3A_31 = arith.constant 0 : i32
        %dma_start3A_32 = tpu.memref_slice %arg9[%scan3A_25, %dma_start3A_31] : memref<5x80xi32, #tpu.memory_space<vmem>> -> memref<1x80xi32, #tpu.memory_space<vmem>>
        %dma_start3A_33 = tpu.memref_squeeze %dma_start3A_32 : memref<1x80xi32, #tpu.memory_space<vmem>> -> memref<80xi32, #tpu.memory_space<vmem>>
        %dma_start3A_34 = arith.constant 0 : i32
        %dma_start3A_35 = arith.constant 0 : i32
        %dma_start3A_36 = tpu.memref_slice %arg4[%dma_start3A_34, %dma_start3A_35] : memref<10000x128xf32, #tpu.memory_space<hbm>> -> memref<10000x128xf32, #tpu.memory_space<hbm>>
        tpu.enqueue_indirect_dma source(%dma_start3A_36 : memref<10000x128xf32, #tpu.memory_space<hbm>>) target(%arg11 : memref<80x128xf32, #tpu.memory_space<vmem>>) offsets(%dma_start3A_33 : memref<80xi32, #tpu.memory_space<vmem>>) semaphore(%arg16 : memref<!tpu.dma_semaphore, #tpu.memory_space<semaphore_mem>>)
        %dma_wait3A = arith.constant 0 : i32
        %dma_wait3A_37 = tpu.memref_slice %arg8[%scan3A_25, %dma_wait3A] : memref<5x80xi32, #tpu.memory_space<vmem>> -> memref<1x80xi32, #tpu.memory_space<vmem>>
        %dma_wait3A_38 = tpu.memref_squeeze %dma_wait3A_37 : memref<1x80xi32, #tpu.memory_space<vmem>> -> memref<80xi32, #tpu.memory_space<vmem>>
        %dma_wait3A_39 = arith.constant 0 : i32
        %dma_wait3A_40 = arith.constant 0 : i32
        %dma_wait3A_41 = tpu.memref_slice %arg4[%dma_wait3A_39, %dma_wait3A_40] : memref<10000x128xf32, #tpu.memory_space<hbm>> -> memref<10000x128xf32, #tpu.memory_space<hbm>>
        tpu.wait_indirect_dma semaphore(%arg15 : memref<!tpu.dma_semaphore, #tpu.memory_space<semaphore_mem>>) src(%dma_wait3A_41 : memref<10000x128xf32, #tpu.memory_space<hbm>>) dst(%arg10 : memref<80x128xf32, #tpu.memory_space<vmem>>)
        %dma_wait3A_42 = arith.constant 0 : i32
        %dma_wait3A_43 = tpu.memref_slice %arg9[%scan3A_25, %dma_wait3A_42] : memref<5x80xi32, #tpu.memory_space<vmem>> -> memref<1x80xi32, #tpu.memory_space<vmem>>
        %dma_wait3A_44 = tpu.memref_squeeze %dma_wait3A_43 : memref<1x80xi32, #tpu.memory_space<vmem>> -> memref<80xi32, #tpu.memory_space<vmem>>
        %dma_wait3A_45 = arith.constant 0 : i32
        %dma_wait3A_46 = arith.constant 0 : i32
        %dma_wait3A_47 = tpu.memref_slice %arg4[%dma_wait3A_45, %dma_wait3A_46] : memref<10000x128xf32, #tpu.memory_space<hbm>> -> memref<10000x128xf32, #tpu.memory_space<hbm>>
        tpu.wait_indirect_dma semaphore(%arg16 : memref<!tpu.dma_semaphore, #tpu.memory_space<semaphore_mem>>) src(%dma_wait3A_47 : memref<10000x128xf32, #tpu.memory_space<hbm>>) dst(%arg11 : memref<80x128xf32, #tpu.memory_space<vmem>>)
        %scan3A_48 = arith.constant 0 : i32
        %scan3A_49 = arith.constant 10 : i32
        %scan3A_50 = arith.addi %scan3A_48, %scan3A_49 : i32
        %scan3A_51 = arith.constant 1 : i32
        scf.for %scan3A_53 = %scan3A_48 to %scan3A_50 step %scan3A_51  : i32 {
          %iota3A = tpu.iota {dimensions = array<i32: 0>} : vector<16xi32>
          %mul3A_54 = arith.constant 8 : i32
          %mul3A_55 = arith.muli %scan3A_53, %mul3A_54 : i32
          %add3A_56 = arith.constant 0 : i32
          %add3A_57 = arith.addi %mul3A_55, %add3A_56 : i32
          %get3A = arith.index_cast %add3A_57 : i32 to index
          %get3A_58 = arith.constant 0 : index
          %get3A_59 = tpu.vector_load %arg10[%get3A, %get3A_58] {strides = array<i32>} : memref<80x128xf32, #tpu.memory_space<vmem>>, vector<16xf32>,
          %get3A_60 = arith.index_cast %add3A_57 : i32 to index
          %get3A_61 = arith.constant 16 : index
          %get3A_62 = tpu.vector_load %arg10[%get3A_60, %get3A_61] {strides = array<i32>} : memref<80x128xf32, #tpu.memory_space<vmem>>, vector<16xf32>,
          %get3A_63 = arith.index_cast %add3A_57 : i32 to index
          %get3A_64 = arith.constant 32 : index
          %get3A_65 = tpu.vector_load %arg11[%get3A_63, %get3A_64] {strides = array<i32>} : memref<80x128xf32, #tpu.memory_space<vmem>>, vector<16xf32>,
          %add3A_66 = arith.addf %get3A_59, %get3A_65 : vector<16xf32>
          %mul3A_67 = arith.constant 2.000000e-01 : f32
          %mul3A_68 = vector.broadcast %mul3A_67 : f32 to vector<16xf32>
          %mul3A_69 = arith.mulf %mul3A_68, %add3A_66 : vector<16xf32>
          %max3A = arith.maximumf %add3A_66, %mul3A_69 : vector<16xf32>
          %get3A_70 = arith.constant 0 : i32
          %get3A_71 = arith.index_cast %get3A_70 : i32 to index
          %get3A_72 = arith.constant 0 : index
          %get3A_73 = tpu.vector_load %arg13[%get3A_71, %get3A_72] {strides = array<i32>} : memref<1x16xf32, #tpu.memory_space<vmem>>, vector<16xf32>,
          %mul3A_74 = arith.mulf %max3A, %get3A_73 : vector<16xf32>
          %mul3A_75 = arith.constant 8 : i32
          %mul3A_76 = arith.muli %scan3A_53, %mul3A_75 : i32
          %add3A_77 = arith.constant 1 : i32
          %add3A_78 = arith.addi %mul3A_76, %add3A_77 : i32
          %get3A_79 = arith.index_cast %add3A_78 : i32 to index
          %get3A_80 = arith.constant 0 : index
          %get3A_81 = tpu.vector_load %arg10[%get3A_79, %get3A_80] {strides = array<i32>} : memref<80x128xf32, #tpu.memory_space<vmem>>, vector<16xf32>,
          %get3A_82 = arith.index_cast %add3A_78 : i32 to index
          %get3A_83 = arith.constant 16 : index
          %get3A_84 = tpu.vector_load %arg10[%get3A_82, %get3A_83] {strides = array<i32>} : memref<80x128xf32, #tpu.memory_space<vmem>>, vector<16xf32>,
          %get3A_85 = arith.index_cast %add3A_78 : i32 to index
          %get3A_86 = arith.constant 32 : index
          %get3A_87 = tpu.vector_load %arg11[%get3A_85, %get3A_86] {strides = array<i32>} : memref<80x128xf32, #tpu.memory_space<vmem>>, vector<16xf32>,
          %add3A_88 = arith.addf %get3A_81, %get3A_87 : vector<16xf32>
          %mul3A_89 = arith.constant 2.000000e-01 : f32
          %mul3A_90 = vector.broadcast %mul3A_89 : f32 to vector<16xf32>
          %mul3A_91 = arith.mulf %mul3A_90, %add3A_88 : vector<16xf32>
          %max3A_92 = arith.maximumf %add3A_88, %mul3A_91 : vector<16xf32>
          %get3A_93 = arith.constant 0 : i32
          %get3A_94 = arith.index_cast %get3A_93 : i32 to index
          %get3A_95 = arith.constant 0 : index
          %get3A_96 = tpu.vector_load %arg13[%get3A_94, %get3A_95] {strides = array<i32>} : memref<1x16xf32, #tpu.memory_space<vmem>>, vector<16xf32>,
          %mul3A_97 = arith.mulf %max3A_92, %get3A_96 : vector<16xf32>
          %mul3A_98 = arith.constant 8 : i32
          %mul3A_99 = arith.muli %scan3A_53, %mul3A_98 : i32
          %add3A_100 = arith.constant 2 : i32
          %add3A_101 = arith.addi %mul3A_99, %add3A_100 : i32
          %get3A_102 = arith.index_cast %add3A_101 : i32 to index
          %get3A_103 = arith.constant 0 : index
          %get3A_104 = tpu.vector_load %arg10[%get3A_102, %get3A_103] {strides = array<i32>} : memref<80x128xf32, #tpu.memory_space<vmem>>, vector<16xf32>,
          %get3A_105 = arith.index_cast %add3A_101 : i32 to index
          %get3A_106 = arith.constant 16 : index
          %get3A_107 = tpu.vector_load %arg10[%get3A_105, %get3A_106] {strides = array<i32>} : memref<80x128xf32, #tpu.memory_space<vmem>>, vector<16xf32>,
          %get3A_108 = arith.index_cast %add3A_101 : i32 to index
          %get3A_109 = arith.constant 32 : index
          %get3A_110 = tpu.vector_load %arg11[%get3A_108, %get3A_109] {strides = array<i32>} : memref<80x128xf32, #tpu.memory_space<vmem>>, vector<16xf32>,
          %add3A_111 = arith.addf %get3A_104, %get3A_110 : vector<16xf32>
          %mul3A_112 = arith.constant 2.000000e-01 : f32
          %mul3A_113 = vector.broadcast %mul3A_112 : f32 to vector<16xf32>
          %mul3A_114 = arith.mulf %mul3A_113, %add3A_111 : vector<16xf32>
          %max3A_115 = arith.maximumf %add3A_111, %mul3A_114 : vector<16xf32>
          %get3A_116 = arith.constant 0 : i32
          %get3A_117 = arith.index_cast %get3A_116 : i32 to index
          %get3A_118 = arith.constant 0 : index
          %get3A_119 = tpu.vector_load %arg13[%get3A_117, %get3A_118] {strides = array<i32>} : memref<1x16xf32, #tpu.memory_space<vmem>>, vector<16xf32>,
          %mul3A_120 = arith.mulf %max3A_115, %get3A_119 : vector<16xf32>
          %mul3A_121 = arith.constant 8 : i32
          %mul3A_122 = arith.muli %scan3A_53, %mul3A_121 : i32
          %add3A_123 = arith.constant 3 : i32
          %add3A_124 = arith.addi %mul3A_122, %add3A_123 : i32
          %get3A_125 = arith.index_cast %add3A_124 : i32 to index
          %get3A_126 = arith.constant 0 : index
          %get3A_127 = tpu.vector_load %arg10[%get3A_125, %get3A_126] {strides = array<i32>} : memref<80x128xf32, #tpu.memory_space<vmem>>, vector<16xf32>,
          %get3A_128 = arith.index_cast %add3A_124 : i32 to index
          %get3A_129 = arith.constant 16 : index
          %get3A_130 = tpu.vector_load %arg10[%get3A_128, %get3A_129] {strides = array<i32>} : memref<80x128xf32, #tpu.memory_space<vmem>>, vector<16xf32>,
          %get3A_131 = arith.index_cast %add3A_124 : i32 to index
          %get3A_132 = arith.constant 32 : index
          %get3A_133 = tpu.vector_load %arg11[%get3A_131, %get3A_132] {strides = array<i32>} : memref<80x128xf32, #tpu.memory_space<vmem>>, vector<16xf32>,
          %add3A_134 = arith.addf %get3A_127, %get3A_133 : vector<16xf32>
          %mul3A_135 = arith.constant 2.000000e-01 : f32
          %mul3A_136 = vector.broadcast %mul3A_135 : f32 to vector<16xf32>
          %mul3A_137 = arith.mulf %mul3A_136, %add3A_134 : vector<16xf32>
          %max3A_138 = arith.maximumf %add3A_134, %mul3A_137 : vector<16xf32>
          %get3A_139 = arith.constant 0 : i32
          %get3A_140 = arith.index_cast %get3A_139 : i32 to index
          %get3A_141 = arith.constant 0 : index
          %get3A_142 = tpu.vector_load %arg13[%get3A_140, %get3A_141] {strides = array<i32>} : memref<1x16xf32, #tpu.memory_space<vmem>>, vector<16xf32>,
          %mul3A_143 = arith.mulf %max3A_138, %get3A_142 : vector<16xf32>
          %mul3A_144 = arith.constant 8 : i32
          %mul3A_145 = arith.muli %scan3A_53, %mul3A_144 : i32
          %add3A_146 = arith.constant 4 : i32
          %add3A_147 = arith.addi %mul3A_145, %add3A_146 : i32
          %get3A_148 = arith.index_cast %add3A_147 : i32 to index
          %get3A_149 = arith.constant 0 : index
          %get3A_150 = tpu.vector_load %arg10[%get3A_148, %get3A_149] {strides = array<i32>} : memref<80x128xf32, #tpu.memory_space<vmem>>, vector<16xf32>,
          %get3A_151 = arith.index_cast %add3A_147 : i32 to index
          %get3A_152 = arith.constant 16 : index
          %get3A_153 = tpu.vector_load %arg10[%get3A_151, %get3A_152] {strides = array<i32>} : memref<80x128xf32, #tpu.memory_space<vmem>>, vector<16xf32>,
          %get3A_154 = arith.index_cast %add3A_147 : i32 to index
          %get3A_155 = arith.constant 32 : index
          %get3A_156 = tpu.vector_load %arg11[%get3A_154, %get3A_155] {strides = array<i32>} : memref<80x128xf32, #tpu.memory_space<vmem>>, vector<16xf32>,
          %add3A_157 = arith.addf %get3A_150, %get3A_156 : vector<16xf32>
          %mul3A_158 = arith.constant 2.000000e-01 : f32
          %mul3A_159 = vector.broadcast %mul3A_158 : f32 to vector<16xf32>
          %mul3A_160 = arith.mulf %mul3A_159, %add3A_157 : vector<16xf32>
          %max3A_161 = arith.maximumf %add3A_157, %mul3A_160 : vector<16xf32>
          %get3A_162 = arith.constant 0 : i32
          %get3A_163 = arith.index_cast %get3A_162 : i32 to index
          %get3A_164 = arith.constant 0 : index
          %get3A_165 = tpu.vector_load %arg13[%get3A_163, %get3A_164] {strides = array<i32>} : memref<1x16xf32, #tpu.memory_space<vmem>>, vector<16xf32>,
          %mul3A_166 = arith.mulf %max3A_161, %get3A_165 : vector<16xf32>
          %mul3A_167 = arith.constant 8 : i32
          %mul3A_168 = arith.muli %scan3A_53, %mul3A_167 : i32
          %add3A_169 = arith.constant 5 : i32
          %add3A_170 = arith.addi %mul3A_168, %add3A_169 : i32
          %get3A_171 = arith.index_cast %add3A_170 : i32 to index
          %get3A_172 = arith.constant 0 : index
          %get3A_173 = tpu.vector_load %arg10[%get3A_171, %get3A_172] {strides = array<i32>} : memref<80x128xf32, #tpu.memory_space<vmem>>, vector<16xf32>,
          %get3A_174 = arith.index_cast %add3A_170 : i32 to index
          %get3A_175 = arith.constant 16 : index
          %get3A_176 = tpu.vector_load %arg10[%get3A_174, %get3A_175] {strides = array<i32>} : memref<80x128xf32, #tpu.memory_space<vmem>>, vector<16xf32>,
          %get3A_177 = arith.index_cast %add3A_170 : i32 to index
          %get3A_178 = arith.constant 32 : index
          %get3A_179 = tpu.vector_load %arg11[%get3A_177, %get3A_178] {strides = array<i32>} : memref<80x128xf32, #tpu.memory_space<vmem>>, vector<16xf32>,
          %add3A_180 = arith.addf %get3A_173, %get3A_179 : vector<16xf32>
          %mul3A_181 = arith.constant 2.000000e-01 : f32
          %mul3A_182 = vector.broadcast %mul3A_181 : f32 to vector<16xf32>
          %mul3A_183 = arith.mulf %mul3A_182, %add3A_180 : vector<16xf32>
          %max3A_184 = arith.maximumf %add3A_180, %mul3A_183 : vector<16xf32>
          %get3A_185 = arith.constant 0 : i32
          %get3A_186 = arith.index_cast %get3A_185 : i32 to index
          %get3A_187 = arith.constant 0 : index
          %get3A_188 = tpu.vector_load %arg13[%get3A_186, %get3A_187] {strides = array<i32>} : memref<1x16xf32, #tpu.memory_space<vmem>>, vector<16xf32>,
          %mul3A_189 = arith.mulf %max3A_184, %get3A_188 : vector<16xf32>
          %mul3A_190 = arith.constant 8 : i32
          %mul3A_191 = arith.muli %scan3A_53, %mul3A_190 : i32
          %add3A_192 = arith.constant 6 : i32
          %add3A_193 = arith.addi %mul3A_191, %add3A_192 : i32
          %get3A_194 = arith.index_cast %add3A_193 : i32 to index
          %get3A_195 = arith.constant 0 : index
          %get3A_196 = tpu.vector_load %arg10[%get3A_194, %get3A_195] {strides = array<i32>} : memref<80x128xf32, #tpu.memory_space<vmem>>, vector<16xf32>,
          %get3A_197 = arith.index_cast %add3A_193 : i32 to index
          %get3A_198 = arith.constant 16 : index
          %get3A_199 = tpu.vector_load %arg10[%get3A_197, %get3A_198] {strides = array<i32>} : memref<80x128xf32, #tpu.memory_space<vmem>>, vector<16xf32>,
          %get3A_200 = arith.index_cast %add3A_193 : i32 to index
          %get3A_201 = arith.constant 32 : index
          %get3A_202 = tpu.vector_load %arg11[%get3A_200, %get3A_201] {strides = array<i32>} : memref<80x128xf32, #tpu.memory_space<vmem>>, vector<16xf32>,
          %add3A_203 = arith.addf %get3A_196, %get3A_202 : vector<16xf32>
          %mul3A_204 = arith.constant 2.000000e-01 : f32
          %mul3A_205 = vector.broadcast %mul3A_204 : f32 to vector<16xf32>
          %mul3A_206 = arith.mulf %mul3A_205, %add3A_203 : vector<16xf32>
          %max3A_207 = arith.maximumf %add3A_203, %mul3A_206 : vector<16xf32>
          %get3A_208 = arith.constant 0 : i32
          %get3A_209 = arith.index_cast %get3A_208 : i32 to index
          %get3A_210 = arith.constant 0 : index
          %get3A_211 = tpu.vector_load %arg13[%get3A_209, %get3A_210] {strides = array<i32>} : memref<1x16xf32, #tpu.memory_space<vmem>>, vector<16xf32>,
          %mul3A_212 = arith.mulf %max3A_207, %get3A_211 : vector<16xf32>
          %mul3A_213 = arith.constant 8 : i32
          %mul3A_214 = arith.muli %scan3A_53, %mul3A_213 : i32
          %add3A_215 = arith.constant 7 : i32
          %add3A_216 = arith.addi %mul3A_214, %add3A_215 : i32
          %get3A_217 = arith.index_cast %add3A_216 : i32 to index
          %get3A_218 = arith.constant 0 : index
          %get3A_219 = tpu.vector_load %arg10[%get3A_217, %get3A_218] {strides = array<i32>} : memref<80x128xf32, #tpu.memory_space<vmem>>, vector<16xf32>,
          %get3A_220 = arith.index_cast %add3A_216 : i32 to index
          %get3A_221 = arith.constant 16 : index
          %get3A_222 = tpu.vector_load %arg10[%get3A_220, %get3A_221] {strides = array<i32>} : memref<80x128xf32, #tpu.memory_space<vmem>>, vector<16xf32>,
          %get3A_223 = arith.index_cast %add3A_216 : i32 to index
          %get3A_224 = arith.constant 32 : index
          %get3A_225 = tpu.vector_load %arg11[%get3A_223, %get3A_224] {strides = array<i32>} : memref<80x128xf32, #tpu.memory_space<vmem>>, vector<16xf32>,
          %add3A_226 = arith.addf %get3A_219, %get3A_225 : vector<16xf32>
          %mul3A_227 = arith.constant 2.000000e-01 : f32
          %mul3A_228 = vector.broadcast %mul3A_227 : f32 to vector<16xf32>
          %mul3A_229 = arith.mulf %mul3A_228, %add3A_226 : vector<16xf32>
          %max3A_230 = arith.maximumf %add3A_226, %mul3A_229 : vector<16xf32>
          %get3A_231 = arith.constant 0 : i32
          %get3A_232 = arith.index_cast %get3A_231 : i32 to index
          %get3A_233 = arith.constant 0 : index
          %get3A_234 = tpu.vector_load %arg13[%get3A_232, %get3A_233] {strides = array<i32>} : memref<1x16xf32, #tpu.memory_space<vmem>>, vector<16xf32>,
          %mul3A_235 = arith.mulf %max3A_230, %get3A_234 : vector<16xf32>
          %iota3A_236 = tpu.iota {dimensions = array<i32: 0>} : vector<16xi32>
          %xor3A = arith.constant 1 : i32
          %xor3A_237 = vector.broadcast %xor3A : i32 to vector<16xi32>
          %xor3A_238 = arith.xori %iota3A_236, %xor3A_237 : vector<16xi32>
          %lt3A = arith.constant 0 : i32
          %lt3A_239 = vector.broadcast %lt3A : i32 to vector<16xi32>
          %lt3A_240 = arith.cmpi slt, %xor3A_238, %lt3A_239 : vector<16xi32>
          %add3A_241 = arith.constant 16 : i32
          %add3A_242 = vector.broadcast %add3A_241 : i32 to vector<16xi32>
          %add3A_243 = arith.addi %xor3A_238, %add3A_242 : vector<16xi32>
          %select_n3A = arith.select %lt3A_240, %add3A_243, %xor3A_238 : vector<16xi1>, vector<16xi32>
          %broadcast_in_dim3A = vector.shape_cast %select_n3A : vector<16xi32> to vector<16x1xi32>
          %gather3A = vector.shape_cast %broadcast_in_dim3A : vector<16x1xi32> to vector<16xi32>
          %gather3A_244 = tpu.dynamic_gather %mul3A_74[%gather3A] in [0] : vector<16xf32>, vector<16xi32> -> vector<16xf32>
          %add3A_245 = arith.addf %mul3A_74, %gather3A_244 : vector<16xf32>
          %iota3A_246 = tpu.iota {dimensions = array<i32: 0>} : vector<16xi32>
          %xor3A_247 = arith.constant 1 : i32
          %xor3A_248 = vector.broadcast %xor3A_247 : i32 to vector<16xi32>
          %xor3A_249 = arith.xori %iota3A_246, %xor3A_248 : vector<16xi32>
          %lt3A_250 = arith.constant 0 : i32
          %lt3A_251 = vector.broadcast %lt3A_250 : i32 to vector<16xi32>
          %lt3A_252 = arith.cmpi slt, %xor3A_249, %lt3A_251 : vector<16xi32>
          %add3A_253 = arith.constant 16 : i32
          %add3A_254 = vector.broadcast %add3A_253 : i32 to vector<16xi32>
          %add3A_255 = arith.addi %xor3A_249, %add3A_254 : vector<16xi32>
          %select_n3A_256 = arith.select %lt3A_252, %add3A_255, %xor3A_249 : vector<16xi1>, vector<16xi32>
          %broadcast_in_dim3A_257 = vector.shape_cast %select_n3A_256 : vector<16xi32> to vector<16x1xi32>
          %gather3A_258 = vector.shape_cast %broadcast_in_dim3A_257 : vector<16x1xi32> to vector<16xi32>
          %gather3A_259 = tpu.dynamic_gather %mul3A_97[%gather3A_258] in [0] : vector<16xf32>, vector<16xi32> -> vector<16xf32>
          %add3A_260 = arith.addf %mul3A_97, %gather3A_259 : vector<16xf32>
          %and3A = arith.constant 1 : i32
          %and3A_261 = vector.broadcast %and3A : i32 to vector<16xi32>
          %and3A_262 = arith.andi %iota3A, %and3A_261 : vector<16xi32>
          %eq3A = arith.constant 0 : i32
          %eq3A_263 = vector.broadcast %eq3A : i32 to vector<16xi32>
          %eq3A_264 = arith.cmpi eq, %and3A_262, %eq3A_263 : vector<16xi32>
          %select_n3A_265 = arith.select %eq3A_264, %add3A_245, %add3A_260 : vector<16xi1>, vector<16xf32>
          %iota3A_266 = tpu.iota {dimensions = array<i32: 0>} : vector<16xi32>
          %xor3A_267 = arith.constant 1 : i32
          %xor3A_268 = vector.broadcast %xor3A_267 : i32 to vector<16xi32>
          %xor3A_269 = arith.xori %iota3A_266, %xor3A_268 : vector<16xi32>
          %lt3A_270 = arith.constant 0 : i32
          %lt3A_271 = vector.broadcast %lt3A_270 : i32 to vector<16xi32>
          %lt3A_272 = arith.cmpi slt, %xor3A_269, %lt3A_271 : vector<16xi32>
          %add3A_273 = arith.constant 16 : i32
          %add3A_274 = vector.broadcast %add3A_273 : i32 to vector<16xi32>
          %add3A_275 = arith.addi %xor3A_269, %add3A_274 : vector<16xi32>
          %select_n3A_276 = arith.select %lt3A_272, %add3A_275, %xor3A_269 : vector<16xi1>, vector<16xi32>
          %broadcast_in_dim3A_277 = vector.shape_cast %select_n3A_276 : vector<16xi32> to vector<16x1xi32>
          %gather3A_278 = vector.shape_cast %broadcast_in_dim3A_277 : vector<16x1xi32> to vector<16xi32>
          %gather3A_279 = tpu.dynamic_gather %mul3A_120[%gather3A_278] in [0] : vector<16xf32>, vector<16xi32> -> vector<16xf32>
          %add3A_280 = arith.addf %mul3A_120, %gather3A_279 : vector<16xf32>
          %iota3A_281 = tpu.iota {dimensions = array<i32: 0>} : vector<16xi32>
          %xor3A_282 = arith.constant 1 : i32
          %xor3A_283 = vector.broadcast %xor3A_282 : i32 to vector<16xi32>
          %xor3A_284 = arith.xori %iota3A_281, %xor3A_283 : vector<16xi32>
          %lt3A_285 = arith.constant 0 : i32
          %lt3A_286 = vector.broadcast %lt3A_285 : i32 to vector<16xi32>
          %lt3A_287 = arith.cmpi slt, %xor3A_284, %lt3A_286 : vector<16xi32>
          %add3A_288 = arith.constant 16 : i32
          %add3A_289 = vector.broadcast %add3A_288 : i32 to vector<16xi32>
          %add3A_290 = arith.addi %xor3A_284, %add3A_289 : vector<16xi32>
          %select_n3A_291 = arith.select %lt3A_287, %add3A_290, %xor3A_284 : vector<16xi1>, vector<16xi32>
          %broadcast_in_dim3A_292 = vector.shape_cast %select_n3A_291 : vector<16xi32> to vector<16x1xi32>
          %gather3A_293 = vector.shape_cast %broadcast_in_dim3A_292 : vector<16x1xi32> to vector<16xi32>
          %gather3A_294 = tpu.dynamic_gather %mul3A_143[%gather3A_293] in [0] : vector<16xf32>, vector<16xi32> -> vector<16xf32>
          %add3A_295 = arith.addf %mul3A_143, %gather3A_294 : vector<16xf32>
          %and3A_296 = arith.constant 1 : i32
          %and3A_297 = vector.broadcast %and3A_296 : i32 to vector<16xi32>
          %and3A_298 = arith.andi %iota3A, %and3A_297 : vector<16xi32>
          %eq3A_299 = arith.constant 0 : i32
          %eq3A_300 = vector.broadcast %eq3A_299 : i32 to vector<16xi32>
          %eq3A_301 = arith.cmpi eq, %and3A_298, %eq3A_300 : vector<16xi32>
          %select_n3A_302 = arith.select %eq3A_301, %add3A_280, %add3A_295 : vector<16xi1>, vector<16xf32>
          %iota3A_303 = tpu.iota {dimensions = array<i32: 0>} : vector<16xi32>
          %xor3A_304 = arith.constant 1 : i32
          %xor3A_305 = vector.broadcast %xor3A_304 : i32 to vector<16xi32>
          %xor3A_306 = arith.xori %iota3A_303, %xor3A_305 : vector<16xi32>
          %lt3A_307 = arith.constant 0 : i32
          %lt3A_308 = vector.broadcast %lt3A_307 : i32 to vector<16xi32>
          %lt3A_309 = arith.cmpi slt, %xor3A_306, %lt3A_308 : vector<16xi32>
          %add3A_310 = arith.constant 16 : i32
          %add3A_311 = vector.broadcast %add3A_310 : i32 to vector<16xi32>
          %add3A_312 = arith.addi %xor3A_306, %add3A_311 : vector<16xi32>
          %select_n3A_313 = arith.select %lt3A_309, %add3A_312, %xor3A_306 : vector<16xi1>, vector<16xi32>
          %broadcast_in_dim3A_314 = vector.shape_cast %select_n3A_313 : vector<16xi32> to vector<16x1xi32>
          %gather3A_315 = vector.shape_cast %broadcast_in_dim3A_314 : vector<16x1xi32> to vector<16xi32>
          %gather3A_316 = tpu.dynamic_gather %mul3A_166[%gather3A_315] in [0] : vector<16xf32>, vector<16xi32> -> vector<16xf32>
          %add3A_317 = arith.addf %mul3A_166, %gather3A_316 : vector<16xf32>
          %iota3A_318 = tpu.iota {dimensions = array<i32: 0>} : vector<16xi32>
          %xor3A_319 = arith.constant 1 : i32
          %xor3A_320 = vector.broadcast %xor3A_319 : i32 to vector<16xi32>
          %xor3A_321 = arith.xori %iota3A_318, %xor3A_320 : vector<16xi32>
          %lt3A_322 = arith.constant 0 : i32
          %lt3A_323 = vector.broadcast %lt3A_322 : i32 to vector<16xi32>
          %lt3A_324 = arith.cmpi slt, %xor3A_321, %lt3A_323 : vector<16xi32>
          %add3A_325 = arith.constant 16 : i32
          %add3A_326 = vector.broadcast %add3A_325 : i32 to vector<16xi32>
          %add3A_327 = arith.addi %xor3A_321, %add3A_326 : vector<16xi32>
          %select_n3A_328 = arith.select %lt3A_324, %add3A_327, %xor3A_321 : vector<16xi1>, vector<16xi32>
          %broadcast_in_dim3A_329 = vector.shape_cast %select_n3A_328 : vector<16xi32> to vector<16x1xi32>
          %gather3A_330 = vector.shape_cast %broadcast_in_dim3A_329 : vector<16x1xi32> to vector<16xi32>
          %gather3A_331 = tpu.dynamic_gather %mul3A_189[%gather3A_330] in [0] : vector<16xf32>, vector<16xi32> -> vector<16xf32>
          %add3A_332 = arith.addf %mul3A_189, %gather3A_331 : vector<16xf32>
          %and3A_333 = arith.constant 1 : i32
          %and3A_334 = vector.broadcast %and3A_333 : i32 to vector<16xi32>
          %and3A_335 = arith.andi %iota3A, %and3A_334 : vector<16xi32>
          %eq3A_336 = arith.constant 0 : i32
          %eq3A_337 = vector.broadcast %eq3A_336 : i32 to vector<16xi32>
          %eq3A_338 = arith.cmpi eq, %and3A_335, %eq3A_337 : vector<16xi32>
          %select_n3A_339 = arith.select %eq3A_338, %add3A_317, %add3A_332 : vector<16xi1>, vector<16xf32>
          %iota3A_340 = tpu.iota {dimensions = array<i32: 0>} : vector<16xi32>
          %xor3A_341 = arith.constant 1 : i32
          %xor3A_342 = vector.broadcast %xor3A_341 : i32 to vector<16xi32>
          %xor3A_343 = arith.xori %iota3A_340, %xor3A_342 : vector<16xi32>
          %lt3A_344 = arith.constant 0 : i32
          %lt3A_345 = vector.broadcast %lt3A_344 : i32 to vector<16xi32>
          %lt3A_346 = arith.cmpi slt, %xor3A_343, %lt3A_345 : vector<16xi32>
          %add3A_347 = arith.constant 16 : i32
          %add3A_348 = vector.broadcast %add3A_347 : i32 to vector<16xi32>
          %add3A_349 = arith.addi %xor3A_343, %add3A_348 : vector<16xi32>
          %select_n3A_350 = arith.select %lt3A_346, %add3A_349, %xor3A_343 : vector<16xi1>, vector<16xi32>
          %broadcast_in_dim3A_351 = vector.shape_cast %select_n3A_350 : vector<16xi32> to vector<16x1xi32>
          %gather3A_352 = vector.shape_cast %broadcast_in_dim3A_351 : vector<16x1xi32> to vector<16xi32>
          %gather3A_353 = tpu.dynamic_gather %mul3A_212[%gather3A_352] in [0] : vector<16xf32>, vector<16xi32> -> vector<16xf32>
          %add3A_354 = arith.addf %mul3A_212, %gather3A_353 : vector<16xf32>
          %iota3A_355 = tpu.iota {dimensions = array<i32: 0>} : vector<16xi32>
          %xor3A_356 = arith.constant 1 : i32
          %xor3A_357 = vector.broadcast %xor3A_356 : i32 to vector<16xi32>
          %xor3A_358 = arith.xori %iota3A_355, %xor3A_357 : vector<16xi32>
          %lt3A_359 = arith.constant 0 : i32
          %lt3A_360 = vector.broadcast %lt3A_359 : i32 to vector<16xi32>
          %lt3A_361 = arith.cmpi slt, %xor3A_358, %lt3A_360 : vector<16xi32>
          %add3A_362 = arith.constant 16 : i32
          %add3A_363 = vector.broadcast %add3A_362 : i32 to vector<16xi32>
          %add3A_364 = arith.addi %xor3A_358, %add3A_363 : vector<16xi32>
          %select_n3A_365 = arith.select %lt3A_361, %add3A_364, %xor3A_358 : vector<16xi1>, vector<16xi32>
          %broadcast_in_dim3A_366 = vector.shape_cast %select_n3A_365 : vector<16xi32> to vector<16x1xi32>
          %gather3A_367 = vector.shape_cast %broadcast_in_dim3A_366 : vector<16x1xi32> to vector<16xi32>
          %gather3A_368 = tpu.dynamic_gather %mul3A_235[%gather3A_367] in [0] : vector<16xf32>, vector<16xi32> -> vector<16xf32>
          %add3A_369 = arith.addf %mul3A_235, %gather3A_368 : vector<16xf32>
          %and3A_370 = arith.constant 1 : i32
          %and3A_371 = vector.broadcast %and3A_370 : i32 to vector<16xi32>
          %and3A_372 = arith.andi %iota3A, %and3A_371 : vector<16xi32>
          %eq3A_373 = arith.constant 0 : i32
          %eq3A_374 = vector.broadcast %eq3A_373 : i32 to vector<16xi32>
          %eq3A_375 = arith.cmpi eq, %and3A_372, %eq3A_374 : vector<16xi32>
          %select_n3A_376 = arith.select %eq3A_375, %add3A_354, %add3A_369 : vector<16xi1>, vector<16xf32>
          %iota3A_377 = tpu.iota {dimensions = array<i32: 0>} : vector<16xi32>
          %xor3A_378 = arith.constant 2 : i32
          %xor3A_379 = vector.broadcast %xor3A_378 : i32 to vector<16xi32>
          %xor3A_380 = arith.xori %iota3A_377, %xor3A_379 : vector<16xi32>
          %lt3A_381 = arith.constant 0 : i32
          %lt3A_382 = vector.broadcast %lt3A_381 : i32 to vector<16xi32>
          %lt3A_383 = arith.cmpi slt, %xor3A_380, %lt3A_382 : vector<16xi32>
          %add3A_384 = arith.constant 16 : i32
          %add3A_385 = vector.broadcast %add3A_384 : i32 to vector<16xi32>
          %add3A_386 = arith.addi %xor3A_380, %add3A_385 : vector<16xi32>
          %select_n3A_387 = arith.select %lt3A_383, %add3A_386, %xor3A_380 : vector<16xi1>, vector<16xi32>
          %broadcast_in_dim3A_388 = vector.shape_cast %select_n3A_387 : vector<16xi32> to vector<16x1xi32>
          %gather3A_389 = vector.shape_cast %broadcast_in_dim3A_388 : vector<16x1xi32> to vector<16xi32>
          %gather3A_390 = tpu.dynamic_gather %select_n3A_265[%gather3A_389] in [0] : vector<16xf32>, vector<16xi32> -> vector<16xf32>
          %add3A_391 = arith.addf %select_n3A_265, %gather3A_390 : vector<16xf32>
          %iota3A_392 = tpu.iota {dimensions = array<i32: 0>} : vector<16xi32>
          %xor3A_393 = arith.constant 2 : i32
          %xor3A_394 = vector.broadcast %xor3A_393 : i32 to vector<16xi32>
          %xor3A_395 = arith.xori %iota3A_392, %xor3A_394 : vector<16xi32>
          %lt3A_396 = arith.constant 0 : i32
          %lt3A_397 = vector.broadcast %lt3A_396 : i32 to vector<16xi32>
          %lt3A_398 = arith.cmpi slt, %xor3A_395, %lt3A_397 : vector<16xi32>
          %add3A_399 = arith.constant 16 : i32
          %add3A_400 = vector.broadcast %add3A_399 : i32 to vector<16xi32>
          %add3A_401 = arith.addi %xor3A_395, %add3A_400 : vector<16xi32>
          %select_n3A_402 = arith.select %lt3A_398, %add3A_401, %xor3A_395 : vector<16xi1>, vector<16xi32>
          %broadcast_in_dim3A_403 = vector.shape_cast %select_n3A_402 : vector<16xi32> to vector<16x1xi32>
          %gather3A_404 = vector.shape_cast %broadcast_in_dim3A_403 : vector<16x1xi32> to vector<16xi32>
          %gather3A_405 = tpu.dynamic_gather %select_n3A_302[%gather3A_404] in [0] : vector<16xf32>, vector<16xi32> -> vector<16xf32>
          %add3A_406 = arith.addf %select_n3A_302, %gather3A_405 : vector<16xf32>
          %iota3A_407 = tpu.iota {dimensions = array<i32: 0>} : vector<16xi32>
          %xor3A_408 = arith.constant 2 : i32
          %xor3A_409 = vector.broadcast %xor3A_408 : i32 to vector<16xi32>
          %xor3A_410 = arith.xori %iota3A_407, %xor3A_409 : vector<16xi32>
          %lt3A_411 = arith.constant 0 : i32
          %lt3A_412 = vector.broadcast %lt3A_411 : i32 to vector<16xi32>
          %lt3A_413 = arith.cmpi slt, %xor3A_410, %lt3A_412 : vector<16xi32>
          %add3A_414 = arith.constant 16 : i32
          %add3A_415 = vector.broadcast %add3A_414 : i32 to vector<16xi32>
          %add3A_416 = arith.addi %xor3A_410, %add3A_415 : vector<16xi32>
          %select_n3A_417 = arith.select %lt3A_413, %add3A_416, %xor3A_410 : vector<16xi1>, vector<16xi32>
          %broadcast_in_dim3A_418 = vector.shape_cast %select_n3A_417 : vector<16xi32> to vector<16x1xi32>
          %gather3A_419 = vector.shape_cast %broadcast_in_dim3A_418 : vector<16x1xi32> to vector<16xi32>
          %gather3A_420 = tpu.dynamic_gather %select_n3A_339[%gather3A_419] in [0] : vector<16xf32>, vector<16xi32> -> vector<16xf32>
          %add3A_421 = arith.addf %select_n3A_339, %gather3A_420 : vector<16xf32>
          %iota3A_422 = tpu.iota {dimensions = array<i32: 0>} : vector<16xi32>
          %xor3A_423 = arith.constant 2 : i32
          %xor3A_424 = vector.broadcast %xor3A_423 : i32 to vector<16xi32>
          %xor3A_425 = arith.xori %iota3A_422, %xor3A_424 : vector<16xi32>
          %lt3A_426 = arith.constant 0 : i32
          %lt3A_427 = vector.broadcast %lt3A_426 : i32 to vector<16xi32>
          %lt3A_428 = arith.cmpi slt, %xor3A_425, %lt3A_427 : vector<16xi32>
          %add3A_429 = arith.constant 16 : i32
          %add3A_430 = vector.broadcast %add3A_429 : i32 to vector<16xi32>
          %add3A_431 = arith.addi %xor3A_425, %add3A_430 : vector<16xi32>
          %select_n3A_432 = arith.select %lt3A_428, %add3A_431, %xor3A_425 : vector<16xi1>, vector<16xi32>
          %broadcast_in_dim3A_433 = vector.shape_cast %select_n3A_432 : vector<16xi32> to vector<16x1xi32>
          %gather3A_434 = vector.shape_cast %broadcast_in_dim3A_433 : vector<16x1xi32> to vector<16xi32>
          %gather3A_435 = tpu.dynamic_gather %select_n3A_376[%gather3A_434] in [0] : vector<16xf32>, vector<16xi32> -> vector<16xf32>
          %add3A_436 = arith.addf %select_n3A_376, %gather3A_435 : vector<16xf32>
          %and3A_437 = arith.constant 2 : i32
          %and3A_438 = vector.broadcast %and3A_437 : i32 to vector<16xi32>
          %and3A_439 = arith.andi %iota3A, %and3A_438 : vector<16xi32>
          %eq3A_440 = arith.constant 0 : i32
          %eq3A_441 = vector.broadcast %eq3A_440 : i32 to vector<16xi32>
          %eq3A_442 = arith.cmpi eq, %and3A_439, %eq3A_441 : vector<16xi32>
          %select_n3A_443 = arith.select %eq3A_442, %add3A_391, %add3A_406 : vector<16xi1>, vector<16xf32>
          %and3A_444 = arith.constant 2 : i32
          %and3A_445 = vector.broadcast %and3A_444 : i32 to vector<16xi32>
          %and3A_446 = arith.andi %iota3A, %and3A_445 : vector<16xi32>
          %eq3A_447 = arith.constant 0 : i32
          %eq3A_448 = vector.broadcast %eq3A_447 : i32 to vector<16xi32>
          %eq3A_449 = arith.cmpi eq, %and3A_446, %eq3A_448 : vector<16xi32>
          %select_n3A_450 = arith.select %eq3A_449, %add3A_421, %add3A_436 : vector<16xi1>, vector<16xf32>
          %iota3A_451 = tpu.iota {dimensions = array<i32: 0>} : vector<16xi32>
          %xor3A_452 = arith.constant 4 : i32
          %xor3A_453 = vector.broadcast %xor3A_452 : i32 to vector<16xi32>
          %xor3A_454 = arith.xori %iota3A_451, %xor3A_453 : vector<16xi32>
          %lt3A_455 = arith.constant 0 : i32
          %lt3A_456 = vector.broadcast %lt3A_455 : i32 to vector<16xi32>
          %lt3A_457 = arith.cmpi slt, %xor3A_454, %lt3A_456 : vector<16xi32>
          %add3A_458 = arith.constant 16 : i32
          %add3A_459 = vector.broadcast %add3A_458 : i32 to vector<16xi32>
          %add3A_460 = arith.addi %xor3A_454, %add3A_459 : vector<16xi32>
          %select_n3A_461 = arith.select %lt3A_457, %add3A_460, %xor3A_454 : vector<16xi1>, vector<16xi32>
          %broadcast_in_dim3A_462 = vector.shape_cast %select_n3A_461 : vector<16xi32> to vector<16x1xi32>
          %gather3A_463 = vector.shape_cast %broadcast_in_dim3A_462 : vector<16x1xi32> to vector<16xi32>
          %gather3A_464 = tpu.dynamic_gather %select_n3A_443[%gather3A_463] in [0] : vector<16xf32>, vector<16xi32> -> vector<16xf32>
          %add3A_465 = arith.addf %select_n3A_443, %gather3A_464 : vector<16xf32>
          %iota3A_466 = tpu.iota {dimensions = array<i32: 0>} : vector<16xi32>
          %xor3A_467 = arith.constant 4 : i32
          %xor3A_468 = vector.broadcast %xor3A_467 : i32 to vector<16xi32>
          %xor3A_469 = arith.xori %iota3A_466, %xor3A_468 : vector<16xi32>
          %lt3A_470 = arith.constant 0 : i32
          %lt3A_471 = vector.broadcast %lt3A_470 : i32 to vector<16xi32>
          %lt3A_472 = arith.cmpi slt, %xor3A_469, %lt3A_471 : vector<16xi32>
          %add3A_473 = arith.constant 16 : i32
          %add3A_474 = vector.broadcast %add3A_473 : i32 to vector<16xi32>
          %add3A_475 = arith.addi %xor3A_469, %add3A_474 : vector<16xi32>
          %select_n3A_476 = arith.select %lt3A_472, %add3A_475, %xor3A_469 : vector<16xi1>, vector<16xi32>
          %broadcast_in_dim3A_477 = vector.shape_cast %select_n3A_476 : vector<16xi32> to vector<16x1xi32>
          %gather3A_478 = vector.shape_cast %broadcast_in_dim3A_477 : vector<16x1xi32> to vector<16xi32>
          %gather3A_479 = tpu.dynamic_gather %select_n3A_450[%gather3A_478] in [0] : vector<16xf32>, vector<16xi32> -> vector<16xf32>
          %add3A_480 = arith.addf %select_n3A_450, %gather3A_479 : vector<16xf32>
          %and3A_481 = arith.constant 4 : i32
          %and3A_482 = vector.broadcast %and3A_481 : i32 to vector<16xi32>
          %and3A_483 = arith.andi %iota3A, %and3A_482 : vector<16xi32>
          %eq3A_484 = arith.constant 0 : i32
          %eq3A_485 = vector.broadcast %eq3A_484 : i32 to vector<16xi32>
          %eq3A_486 = arith.cmpi eq, %and3A_483, %eq3A_485 : vector<16xi32>
          %select_n3A_487 = arith.select %eq3A_486, %add3A_465, %add3A_480 : vector<16xi1>, vector<16xf32>
          %iota3A_488 = tpu.iota {dimensions = array<i32: 0>} : vector<16xi32>
          %xor3A_489 = arith.constant 8 : i32
          %xor3A_490 = vector.broadcast %xor3A_489 : i32 to vector<16xi32>
          %xor3A_491 = arith.xori %iota3A_488, %xor3A_490 : vector<16xi32>
          %lt3A_492 = arith.constant 0 : i32
          %lt3A_493 = vector.broadcast %lt3A_492 : i32 to vector<16xi32>
          %lt3A_494 = arith.cmpi slt, %xor3A_491, %lt3A_493 : vector<16xi32>
          %add3A_495 = arith.constant 16 : i32
          %add3A_496 = vector.broadcast %add3A_495 : i32 to vector<16xi32>
          %add3A_497 = arith.addi %xor3A_491, %add3A_496 : vector<16xi32>
          %select_n3A_498 = arith.select %lt3A_494, %add3A_497, %xor3A_491 : vector<16xi1>, vector<16xi32>
          %broadcast_in_dim3A_499 = vector.shape_cast %select_n3A_498 : vector<16xi32> to vector<16x1xi32>
          %gather3A_500 = vector.shape_cast %broadcast_in_dim3A_499 : vector<16x1xi32> to vector<16xi32>
          %gather3A_501 = tpu.dynamic_gather %select_n3A_487[%gather3A_500] in [0] : vector<16xf32>, vector<16xi32> -> vector<16xf32>
          %add3A_502 = arith.addf %select_n3A_487, %gather3A_501 : vector<16xf32>
          %exp3A = math.exp %add3A_502 : vector<16xf32>
          %mul3A_503 = arith.constant 8 : i32
          %mul3A_504 = arith.muli %scan3A_53, %mul3A_503 : i32
          %add3A_505 = arith.constant 0 : i32
          %add3A_506 = arith.addi %mul3A_504, %add3A_505 : i32
          %broadcast_in_dim3A_507 = arith.constant 0 : i32
          %broadcast_in_dim3A_508 = vector.broadcast %broadcast_in_dim3A_507 : i32 to vector<16xi32>
          %lt3A_509 = arith.constant 0 : i32
          %lt3A_510 = vector.broadcast %lt3A_509 : i32 to vector<16xi32>
          %lt3A_511 = arith.cmpi slt, %broadcast_in_dim3A_508, %lt3A_510 : vector<16xi32>
          %add3A_512 = arith.constant 16 : i32
          %add3A_513 = vector.broadcast %add3A_512 : i32 to vector<16xi32>
          %add3A_514 = arith.addi %broadcast_in_dim3A_508, %add3A_513 : vector<16xi32>
          %select_n3A_515 = arith.select %lt3A_511, %add3A_514, %broadcast_in_dim3A_508 : vector<16xi1>, vector<16xi32>
          %broadcast_in_dim3A_516 = vector.shape_cast %select_n3A_515 : vector<16xi32> to vector<16x1xi32>
          %gather3A_517 = vector.shape_cast %broadcast_in_dim3A_516 : vector<16x1xi32> to vector<16xi32>
          %gather3A_518 = tpu.dynamic_gather %exp3A[%gather3A_517] in [0] : vector<16xf32>, vector<16xi32> -> vector<16xf32>
          %mul3A_519 = arith.mulf %gather3A_518, %get3A_59 : vector<16xf32>
          %swap3A = arith.index_cast %add3A_506 : i32 to index
          %swap3A_520 = arith.constant 0 : index
          %swap3A_521 = tpu.vector_load %arg12[%swap3A, %swap3A_520] {strides = array<i32>} : memref<80x128xf32, #tpu.memory_space<vmem>>, vector<16xf32>,
          tpu.vector_store %arg12[%swap3A, %swap3A_520], %mul3A_519 {strides = array<i32>} : memref<80x128xf32, #tpu.memory_space<vmem>>, vector<16xf32>,
          %mul3A_522 = arith.mulf %gather3A_518, %get3A_62 : vector<16xf32>
          %swap3A_523 = arith.index_cast %add3A_506 : i32 to index
          %swap3A_524 = arith.constant 16 : index
          %swap3A_525 = tpu.vector_load %arg12[%swap3A_523, %swap3A_524] {strides = array<i32>} : memref<80x128xf32, #tpu.memory_space<vmem>>, vector<16xf32>,
          tpu.vector_store %arg12[%swap3A_523, %swap3A_524], %mul3A_522 {strides = array<i32>} : memref<80x128xf32, #tpu.memory_space<vmem>>, vector<16xf32>,
          %mul3A_526 = arith.constant 8 : i32
          %mul3A_527 = arith.muli %scan3A_53, %mul3A_526 : i32
          %add3A_528 = arith.constant 1 : i32
          %add3A_529 = arith.addi %mul3A_527, %add3A_528 : i32
          %broadcast_in_dim3A_530 = arith.constant 1 : i32
          %broadcast_in_dim3A_531 = vector.broadcast %broadcast_in_dim3A_530 : i32 to vector<16xi32>
          %lt3A_532 = arith.constant 0 : i32
          %lt3A_533 = vector.broadcast %lt3A_532 : i32 to vector<16xi32>
          %lt3A_534 = arith.cmpi slt, %broadcast_in_dim3A_531, %lt3A_533 : vector<16xi32>
          %add3A_535 = arith.constant 16 : i32
          %add3A_536 = vector.broadcast %add3A_535 : i32 to vector<16xi32>
          %add3A_537 = arith.addi %broadcast_in_dim3A_531, %add3A_536 : vector<16xi32>
          %select_n3A_538 = arith.select %lt3A_534, %add3A_537, %broadcast_in_dim3A_531 : vector<16xi1>, vector<16xi32>
          %broadcast_in_dim3A_539 = vector.shape_cast %select_n3A_538 : vector<16xi32> to vector<16x1xi32>
          %gather3A_540 = vector.shape_cast %broadcast_in_dim3A_539 : vector<16x1xi32> to vector<16xi32>
          %gather3A_541 = tpu.dynamic_gather %exp3A[%gather3A_540] in [0] : vector<16xf32>, vector<16xi32> -> vector<16xf32>
          %mul3A_542 = arith.mulf %gather3A_541, %get3A_81 : vector<16xf32>
          %swap3A_543 = arith.index_cast %add3A_529 : i32 to index
          %swap3A_544 = arith.constant 0 : index
          %swap3A_545 = tpu.vector_load %arg12[%swap3A_543, %swap3A_544] {strides = array<i32>} : memref<80x128xf32, #tpu.memory_space<vmem>>, vector<16xf32>,
          tpu.vector_store %arg12[%swap3A_543, %swap3A_544], %mul3A_542 {strides = array<i32>} : memref<80x128xf32, #tpu.memory_space<vmem>>, vector<16xf32>,
          %mul3A_546 = arith.mulf %gather3A_541, %get3A_84 : vector<16xf32>
          %swap3A_547 = arith.index_cast %add3A_529 : i32 to index
          %swap3A_548 = arith.constant 16 : index
          %swap3A_549 = tpu.vector_load %arg12[%swap3A_547, %swap3A_548] {strides = array<i32>} : memref<80x128xf32, #tpu.memory_space<vmem>>, vector<16xf32>,
          tpu.vector_store %arg12[%swap3A_547, %swap3A_548], %mul3A_546 {strides = array<i32>} : memref<80x128xf32, #tpu.memory_space<vmem>>, vector<16xf32>,
          %mul3A_550 = arith.constant 8 : i32
          %mul3A_551 = arith.muli %scan3A_53, %mul3A_550 : i32
          %add3A_552 = arith.constant 2 : i32
          %add3A_553 = arith.addi %mul3A_551, %add3A_552 : i32
          %broadcast_in_dim3A_554 = arith.constant 2 : i32
          %broadcast_in_dim3A_555 = vector.broadcast %broadcast_in_dim3A_554 : i32 to vector<16xi32>
          %lt3A_556 = arith.constant 0 : i32
          %lt3A_557 = vector.broadcast %lt3A_556 : i32 to vector<16xi32>
          %lt3A_558 = arith.cmpi slt, %broadcast_in_dim3A_555, %lt3A_557 : vector<16xi32>
          %add3A_559 = arith.constant 16 : i32
          %add3A_560 = vector.broadcast %add3A_559 : i32 to vector<16xi32>
          %add3A_561 = arith.addi %broadcast_in_dim3A_555, %add3A_560 : vector<16xi32>
          %select_n3A_562 = arith.select %lt3A_558, %add3A_561, %broadcast_in_dim3A_555 : vector<16xi1>, vector<16xi32>
          %broadcast_in_dim3A_563 = vector.shape_cast %select_n3A_562 : vector<16xi32> to vector<16x1xi32>
          %gather3A_564 = vector.shape_cast %broadcast_in_dim3A_563 : vector<16x1xi32> to vector<16xi32>
          %gather3A_565 = tpu.dynamic_gather %exp3A[%gather3A_564] in [0] : vector<16xf32>, vector<16xi32> -> vector<16xf32>
          %mul3A_566 = arith.mulf %gather3A_565, %get3A_104 : vector<16xf32>
          %swap3A_567 = arith.index_cast %add3A_553 : i32 to index
          %swap3A_568 = arith.constant 0 : index
          %swap3A_569 = tpu.vector_load %arg12[%swap3A_567, %swap3A_568] {strides = array<i32>} : memref<80x128xf32, #tpu.memory_space<vmem>>, vector<16xf32>,
          tpu.vector_store %arg12[%swap3A_567, %swap3A_568], %mul3A_566 {strides = array<i32>} : memref<80x128xf32, #tpu.memory_space<vmem>>, vector<16xf32>,
          %mul3A_570 = arith.mulf %gather3A_565, %get3A_107 : vector<16xf32>
          %swap3A_571 = arith.index_cast %add3A_553 : i32 to index
          %swap3A_572 = arith.constant 16 : index
          %swap3A_573 = tpu.vector_load %arg12[%swap3A_571, %swap3A_572] {strides = array<i32>} : memref<80x128xf32, #tpu.memory_space<vmem>>, vector<16xf32>,
          tpu.vector_store %arg12[%swap3A_571, %swap3A_572], %mul3A_570 {strides = array<i32>} : memref<80x128xf32, #tpu.memory_space<vmem>>, vector<16xf32>,
          %mul3A_574 = arith.constant 8 : i32
          %mul3A_575 = arith.muli %scan3A_53, %mul3A_574 : i32
          %add3A_576 = arith.constant 3 : i32
          %add3A_577 = arith.addi %mul3A_575, %add3A_576 : i32
          %broadcast_in_dim3A_578 = arith.constant 3 : i32
          %broadcast_in_dim3A_579 = vector.broadcast %broadcast_in_dim3A_578 : i32 to vector<16xi32>
          %lt3A_580 = arith.constant 0 : i32
          %lt3A_581 = vector.broadcast %lt3A_580 : i32 to vector<16xi32>
          %lt3A_582 = arith.cmpi slt, %broadcast_in_dim3A_579, %lt3A_581 : vector<16xi32>
          %add3A_583 = arith.constant 16 : i32
          %add3A_584 = vector.broadcast %add3A_583 : i32 to vector<16xi32>
          %add3A_585 = arith.addi %broadcast_in_dim3A_579, %add3A_584 : vector<16xi32>
          %select_n3A_586 = arith.select %lt3A_582, %add3A_585, %broadcast_in_dim3A_579 : vector<16xi1>, vector<16xi32>
          %broadcast_in_dim3A_587 = vector.shape_cast %select_n3A_586 : vector<16xi32> to vector<16x1xi32>
          %gather3A_588 = vector.shape_cast %broadcast_in_dim3A_587 : vector<16x1xi32> to vector<16xi32>
          %gather3A_589 = tpu.dynamic_gather %exp3A[%gather3A_588] in [0] : vector<16xf32>, vector<16xi32> -> vector<16xf32>
          %mul3A_590 = arith.mulf %gather3A_589, %get3A_127 : vector<16xf32>
          %swap3A_591 = arith.index_cast %add3A_577 : i32 to index
          %swap3A_592 = arith.constant 0 : index
          %swap3A_593 = tpu.vector_load %arg12[%swap3A_591, %swap3A_592] {strides = array<i32>} : memref<80x128xf32, #tpu.memory_space<vmem>>, vector<16xf32>,
          tpu.vector_store %arg12[%swap3A_591, %swap3A_592], %mul3A_590 {strides = array<i32>} : memref<80x128xf32, #tpu.memory_space<vmem>>, vector<16xf32>,
          %mul3A_594 = arith.mulf %gather3A_589, %get3A_130 : vector<16xf32>
          %swap3A_595 = arith.index_cast %add3A_577 : i32 to index
          %swap3A_596 = arith.constant 16 : index
          %swap3A_597 = tpu.vector_load %arg12[%swap3A_595, %swap3A_596] {strides = array<i32>} : memref<80x128xf32, #tpu.memory_space<vmem>>, vector<16xf32>,
          tpu.vector_store %arg12[%swap3A_595, %swap3A_596], %mul3A_594 {strides = array<i32>} : memref<80x128xf32, #tpu.memory_space<vmem>>, vector<16xf32>,
          %mul3A_598 = arith.constant 8 : i32
          %mul3A_599 = arith.muli %scan3A_53, %mul3A_598 : i32
          %add3A_600 = arith.constant 4 : i32
          %add3A_601 = arith.addi %mul3A_599, %add3A_600 : i32
          %broadcast_in_dim3A_602 = arith.constant 4 : i32
          %broadcast_in_dim3A_603 = vector.broadcast %broadcast_in_dim3A_602 : i32 to vector<16xi32>
          %lt3A_604 = arith.constant 0 : i32
          %lt3A_605 = vector.broadcast %lt3A_604 : i32 to vector<16xi32>
          %lt3A_606 = arith.cmpi slt, %broadcast_in_dim3A_603, %lt3A_605 : vector<16xi32>
          %add3A_607 = arith.constant 16 : i32
          %add3A_608 = vector.broadcast %add3A_607 : i32 to vector<16xi32>
          %add3A_609 = arith.addi %broadcast_in_dim3A_603, %add3A_608 : vector<16xi32>
          %select_n3A_610 = arith.select %lt3A_606, %add3A_609, %broadcast_in_dim3A_603 : vector<16xi1>, vector<16xi32>
          %broadcast_in_dim3A_611 = vector.shape_cast %select_n3A_610 : vector<16xi32> to vector<16x1xi32>
          %gather3A_612 = vector.shape_cast %broadcast_in_dim3A_611 : vector<16x1xi32> to vector<16xi32>
          %gather3A_613 = tpu.dynamic_gather %exp3A[%gather3A_612] in [0] : vector<16xf32>, vector<16xi32> -> vector<16xf32>
          %mul3A_614 = arith.mulf %gather3A_613, %get3A_150 : vector<16xf32>
          %swap3A_615 = arith.index_cast %add3A_601 : i32 to index
          %swap3A_616 = arith.constant 0 : index
          %swap3A_617 = tpu.vector_load %arg12[%swap3A_615, %swap3A_616] {strides = array<i32>} : memref<80x128xf32, #tpu.memory_space<vmem>>, vector<16xf32>,
          tpu.vector_store %arg12[%swap3A_615, %swap3A_616], %mul3A_614 {strides = array<i32>} : memref<80x128xf32, #tpu.memory_space<vmem>>, vector<16xf32>,
          %mul3A_618 = arith.mulf %gather3A_613, %get3A_153 : vector<16xf32>
          %swap3A_619 = arith.index_cast %add3A_601 : i32 to index
          %swap3A_620 = arith.constant 16 : index
          %swap3A_621 = tpu.vector_load %arg12[%swap3A_619, %swap3A_620] {strides = array<i32>} : memref<80x128xf32, #tpu.memory_space<vmem>>, vector<16xf32>,
          tpu.vector_store %arg12[%swap3A_619, %swap3A_620], %mul3A_618 {strides = array<i32>} : memref<80x128xf32, #tpu.memory_space<vmem>>, vector<16xf32>,
          %mul3A_622 = arith.constant 8 : i32
          %mul3A_623 = arith.muli %scan3A_53, %mul3A_622 : i32
          %add3A_624 = arith.constant 5 : i32
          %add3A_625 = arith.addi %mul3A_623, %add3A_624 : i32
          %broadcast_in_dim3A_626 = arith.constant 5 : i32
          %broadcast_in_dim3A_627 = vector.broadcast %broadcast_in_dim3A_626 : i32 to vector<16xi32>
          %lt3A_628 = arith.constant 0 : i32
          %lt3A_629 = vector.broadcast %lt3A_628 : i32 to vector<16xi32>
          %lt3A_630 = arith.cmpi slt, %broadcast_in_dim3A_627, %lt3A_629 : vector<16xi32>
          %add3A_631 = arith.constant 16 : i32
          %add3A_632 = vector.broadcast %add3A_631 : i32 to vector<16xi32>
          %add3A_633 = arith.addi %broadcast_in_dim3A_627, %add3A_632 : vector<16xi32>
          %select_n3A_634 = arith.select %lt3A_630, %add3A_633, %broadcast_in_dim3A_627 : vector<16xi1>, vector<16xi32>
          %broadcast_in_dim3A_635 = vector.shape_cast %select_n3A_634 : vector<16xi32> to vector<16x1xi32>
          %gather3A_636 = vector.shape_cast %broadcast_in_dim3A_635 : vector<16x1xi32> to vector<16xi32>
          %gather3A_637 = tpu.dynamic_gather %exp3A[%gather3A_636] in [0] : vector<16xf32>, vector<16xi32> -> vector<16xf32>
          %mul3A_638 = arith.mulf %gather3A_637, %get3A_173 : vector<16xf32>
          %swap3A_639 = arith.index_cast %add3A_625 : i32 to index
          %swap3A_640 = arith.constant 0 : index
          %swap3A_641 = tpu.vector_load %arg12[%swap3A_639, %swap3A_640] {strides = array<i32>} : memref<80x128xf32, #tpu.memory_space<vmem>>, vector<16xf32>,
          tpu.vector_store %arg12[%swap3A_639, %swap3A_640], %mul3A_638 {strides = array<i32>} : memref<80x128xf32, #tpu.memory_space<vmem>>, vector<16xf32>,
          %mul3A_642 = arith.mulf %gather3A_637, %get3A_176 : vector<16xf32>
          %swap3A_643 = arith.index_cast %add3A_625 : i32 to index
          %swap3A_644 = arith.constant 16 : index
          %swap3A_645 = tpu.vector_load %arg12[%swap3A_643, %swap3A_644] {strides = array<i32>} : memref<80x128xf32, #tpu.memory_space<vmem>>, vector<16xf32>,
          tpu.vector_store %arg12[%swap3A_643, %swap3A_644], %mul3A_642 {strides = array<i32>} : memref<80x128xf32, #tpu.memory_space<vmem>>, vector<16xf32>,
          %mul3A_646 = arith.constant 8 : i32
          %mul3A_647 = arith.muli %scan3A_53, %mul3A_646 : i32
          %add3A_648 = arith.constant 6 : i32
          %add3A_649 = arith.addi %mul3A_647, %add3A_648 : i32
          %broadcast_in_dim3A_650 = arith.constant 6 : i32
          %broadcast_in_dim3A_651 = vector.broadcast %broadcast_in_dim3A_650 : i32 to vector<16xi32>
          %lt3A_652 = arith.constant 0 : i32
          %lt3A_653 = vector.broadcast %lt3A_652 : i32 to vector<16xi32>
          %lt3A_654 = arith.cmpi slt, %broadcast_in_dim3A_651, %lt3A_653 : vector<16xi32>
          %add3A_655 = arith.constant 16 : i32
          %add3A_656 = vector.broadcast %add3A_655 : i32 to vector<16xi32>
          %add3A_657 = arith.addi %broadcast_in_dim3A_651, %add3A_656 : vector<16xi32>
          %select_n3A_658 = arith.select %lt3A_654, %add3A_657, %broadcast_in_dim3A_651 : vector<16xi1>, vector<16xi32>
          %broadcast_in_dim3A_659 = vector.shape_cast %select_n3A_658 : vector<16xi32> to vector<16x1xi32>
          %gather3A_660 = vector.shape_cast %broadcast_in_dim3A_659 : vector<16x1xi32> to vector<16xi32>
          %gather3A_661 = tpu.dynamic_gather %exp3A[%gather3A_660] in [0] : vector<16xf32>, vector<16xi32> -> vector<16xf32>
          %mul3A_662 = arith.mulf %gather3A_661, %get3A_196 : vector<16xf32>
          %swap3A_663 = arith.index_cast %add3A_649 : i32 to index
          %swap3A_664 = arith.constant 0 : index
          %swap3A_665 = tpu.vector_load %arg12[%swap3A_663, %swap3A_664] {strides = array<i32>} : memref<80x128xf32, #tpu.memory_space<vmem>>, vector<16xf32>,
          tpu.vector_store %arg12[%swap3A_663, %swap3A_664], %mul3A_662 {strides = array<i32>} : memref<80x128xf32, #tpu.memory_space<vmem>>, vector<16xf32>,
          %mul3A_666 = arith.mulf %gather3A_661, %get3A_199 : vector<16xf32>
          %swap3A_667 = arith.index_cast %add3A_649 : i32 to index
          %swap3A_668 = arith.constant 16 : index
          %swap3A_669 = tpu.vector_load %arg12[%swap3A_667, %swap3A_668] {strides = array<i32>} : memref<80x128xf32, #tpu.memory_space<vmem>>, vector<16xf32>,
          tpu.vector_store %arg12[%swap3A_667, %swap3A_668], %mul3A_666 {strides = array<i32>} : memref<80x128xf32, #tpu.memory_space<vmem>>, vector<16xf32>,
          %mul3A_670 = arith.constant 8 : i32
          %mul3A_671 = arith.muli %scan3A_53, %mul3A_670 : i32
          %add3A_672 = arith.constant 7 : i32
          %add3A_673 = arith.addi %mul3A_671, %add3A_672 : i32
          %broadcast_in_dim3A_674 = arith.constant 7 : i32
          %broadcast_in_dim3A_675 = vector.broadcast %broadcast_in_dim3A_674 : i32 to vector<16xi32>
          %lt3A_676 = arith.constant 0 : i32
          %lt3A_677 = vector.broadcast %lt3A_676 : i32 to vector<16xi32>
          %lt3A_678 = arith.cmpi slt, %broadcast_in_dim3A_675, %lt3A_677 : vector<16xi32>
          %add3A_679 = arith.constant 16 : i32
          %add3A_680 = vector.broadcast %add3A_679 : i32 to vector<16xi32>
          %add3A_681 = arith.addi %broadcast_in_dim3A_675, %add3A_680 : vector<16xi32>
          %select_n3A_682 = arith.select %lt3A_678, %add3A_681, %broadcast_in_dim3A_675 : vector<16xi1>, vector<16xi32>
          %broadcast_in_dim3A_683 = vector.shape_cast %select_n3A_682 : vector<16xi32> to vector<16x1xi32>
          %gather3A_684 = vector.shape_cast %broadcast_in_dim3A_683 : vector<16x1xi32> to vector<16xi32>
          %gather3A_685 = tpu.dynamic_gather %exp3A[%gather3A_684] in [0] : vector<16xf32>, vector<16xi32> -> vector<16xf32>
          %mul3A_686 = arith.mulf %gather3A_685, %get3A_219 : vector<16xf32>
          %swap3A_687 = arith.index_cast %add3A_673 : i32 to index
          %swap3A_688 = arith.constant 0 : index
          %swap3A_689 = tpu.vector_load %arg12[%swap3A_687, %swap3A_688] {strides = array<i32>} : memref<80x128xf32, #tpu.memory_space<vmem>>, vector<16xf32>,
          tpu.vector_store %arg12[%swap3A_687, %swap3A_688], %mul3A_686 {strides = array<i32>} : memref<80x128xf32, #tpu.memory_space<vmem>>, vector<16xf32>,
          %mul3A_690 = arith.mulf %gather3A_685, %get3A_222 : vector<16xf32>
          %swap3A_691 = arith.index_cast %add3A_673 : i32 to index
          %swap3A_692 = arith.constant 16 : index
          %swap3A_693 = tpu.vector_load %arg12[%swap3A_691, %swap3A_692] {strides = array<i32>} : memref<80x128xf32, #tpu.memory_space<vmem>>, vector<16xf32>,
          tpu.vector_store %arg12[%swap3A_691, %swap3A_692], %mul3A_690 {strides = array<i32>} : memref<80x128xf32, #tpu.memory_space<vmem>>, vector<16xf32>,
        }
        %scan3A_52 = arith.constant 10 : i32
        "tpu.region"() ({
          %run_scoped3A = tpu.sem_alloc : memref<!tpu.dma_semaphore, #tpu.memory_space<semaphore_mem>>
          %dma_start3A_53 = arith.constant 0 : i32
          %dma_start3A_54 = tpu.memref_slice %arg9[%scan3A_25, %dma_start3A_53] : memref<5x80xi32, #tpu.memory_space<vmem>> -> memref<1x80xi32, #tpu.memory_space<vmem>>
          %dma_start3A_55 = tpu.memref_squeeze %dma_start3A_54 : memref<1x80xi32, #tpu.memory_space<vmem>> -> memref<80xi32, #tpu.memory_space<vmem>>
          %dma_start3A_56 = arith.constant 0 : i32
          %dma_start3A_57 = arith.constant 0 : i32
          %dma_start3A_58 = tpu.memref_slice %arg14[%dma_start3A_56, %dma_start3A_57] : memref<10112x128xf32, #tpu.memory_space<vmem_shared>> -> memref<10112x128xf32, #tpu.memory_space<vmem_shared>>
          tpu.enqueue_indirect_dma source(%arg12 : memref<80x128xf32, #tpu.memory_space<vmem>>) target(%dma_start3A_58 : memref<10112x128xf32, #tpu.memory_space<vmem_shared>>) offsets(%dma_start3A_55 : memref<80xi32, #tpu.memory_space<vmem>>) semaphore(%run_scoped3A : memref<!tpu.dma_semaphore, #tpu.memory_space<semaphore_mem>>) {add = true}
          %dma_wait3A_59 = arith.constant 0 : i32
          %dma_wait3A_60 = tpu.memref_slice %arg9[%scan3A_25, %dma_wait3A_59] : memref<5x80xi32, #tpu.memory_space<vmem>> -> memref<1x80xi32, #tpu.memory_space<vmem>>
          %dma_wait3A_61 = tpu.memref_squeeze %dma_wait3A_60 : memref<1x80xi32, #tpu.memory_space<vmem>> -> memref<80xi32, #tpu.memory_space<vmem>>
          %dma_wait3A_62 = arith.constant 0 : i32
          %dma_wait3A_63 = arith.constant 0 : i32
          %dma_wait3A_64 = tpu.memref_slice %arg14[%dma_wait3A_62, %dma_wait3A_63] : memref<10112x128xf32, #tpu.memory_space<vmem_shared>> -> memref<10112x128xf32, #tpu.memory_space<vmem_shared>>
          tpu.wait_indirect_dma semaphore(%run_scoped3A : memref<!tpu.dma_semaphore, #tpu.memory_space<semaphore_mem>>) src(%arg12 : memref<80x128xf32, #tpu.memory_space<vmem>>) dst(%dma_wait3A_64 : memref<10112x128xf32, #tpu.memory_space<vmem_shared>>)
          tpu.yield
        }) : () -> ()
      }
      %scan3A_24 = arith.constant 5 : i32
    }
    %scan3A_13 = arith.constant 25 : i32
    %barrier3A_14 = arith.constant 0 : index
    tpu.barrier barrier_id(%barrier3A_14)
    %mul3A_15 = arith.constant 632 : i32
    %mul3A_16 = arith.muli %arg1, %mul3A_15 : i32
    %mul3A_17 = arith.constant 632 : i32
    %mul3A_18 = arith.muli %arg1, %mul3A_17 : i32
    "tpu.region"() ({
      %run_scoped3A = tpu.sem_alloc : memref<!tpu.dma_semaphore, #tpu.memory_space<semaphore_mem>>
      %dma_start3A = arith.constant 0 : i32
      %dma_start3A_19 = tpu.memref_slice %arg7[%arg0, %mul3A_18, %dma_start3A] : memref<2x10112x128xf32, #tpu.memory_space<hbm>> -> memref<1x632x128xf32, #tpu.memory_space<hbm>>
      %dma_start3A_20 = tpu.memref_squeeze %dma_start3A_19 : memref<1x632x128xf32, #tpu.memory_space<hbm>> -> memref<632x128xf32, #tpu.memory_space<hbm>>
      %dma_start3A_21 = arith.constant 0 : i32
      %dma_start3A_22 = tpu.memref_slice %arg14[%mul3A_16, %dma_start3A_21] : memref<10112x128xf32, #tpu.memory_space<vmem_shared>> -> memref<632x128xf32, #tpu.memory_space<vmem_shared>>
      tpu.enqueue_dma source(%dma_start3A_22 : memref<632x128xf32, #tpu.memory_space<vmem_shared>>) target(%dma_start3A_20 : memref<632x128xf32, #tpu.memory_space<hbm>>) target_semaphore(%run_scoped3A : memref<!tpu.dma_semaphore, #tpu.memory_space<semaphore_mem>>)
      %dma_wait3A = arith.constant 0 : i32
      %dma_wait3A_23 = tpu.memref_slice %arg7[%arg0, %mul3A_18, %dma_wait3A] : memref<2x10112x128xf32, #tpu.memory_space<hbm>> -> memref<1x632x128xf32, #tpu.memory_space<hbm>>
      %dma_wait3A_24 = tpu.memref_squeeze %dma_wait3A_23 : memref<1x632x128xf32, #tpu.memory_space<hbm>> -> memref<632x128xf32, #tpu.memory_space<hbm>>
      %dma_wait3A_25 = arith.constant 0 : i32
      %dma_wait3A_26 = tpu.memref_slice %arg14[%mul3A_16, %dma_wait3A_25] : memref<10112x128xf32, #tpu.memory_space<vmem_shared>> -> memref<632x128xf32, #tpu.memory_space<vmem_shared>>
      tpu.wait_dma2 semaphore(%run_scoped3A : memref<!tpu.dma_semaphore, #tpu.memory_space<semaphore_mem>>) src(%dma_wait3A_26 : memref<632x128xf32, #tpu.memory_space<vmem_shared>>) dst(%dma_wait3A_24 : memref<632x128xf32, #tpu.memory_space<hbm>>)
      tpu.yield
    }) : () -> ()
    return
  }
}

#map = affine_map<(d0, d1) -> (0, 0, 0, 0)>
#map1 = affine_map<(d0, d1) -> (0, 0)>
#map2 = affine_map<(d0, d1) -> (0, 0, 0)>
module attributes {stable_mosaic.version = 14 : i64} {
  func.func @_gat1_body(%arg0: i32, %arg1: i32, %arg2: memref<16x50x5x80xi32, #tpu.memory_space<hbm>>, %arg3: memref<16x50x5x80xi32, #tpu.memory_space<hbm>>, %arg4: memref<20000x128xf32, #tpu.memory_space<hbm>>, %arg5: memref<20000x128xf32, #tpu.memory_space<hbm>>, %arg6: memref<16x16xf32, #tpu.memory_space<hbm>>, %arg7: memref<10112x128xf32, #tpu.memory_space<hbm>>, %arg8: memref<2x10112x128xf32, #tpu.memory_space<hbm>>, %arg9: memref<2x640x128xf32, #tpu.memory_space<hbm>>, %arg10: memref<5x80xi32, #tpu.memory_space<vmem>>, %arg11: memref<5x80xi32, #tpu.memory_space<vmem>>, %arg12: memref<5x80xi32, #tpu.memory_space<vmem>>, %arg13: memref<5x80xi32, #tpu.memory_space<vmem>>, %arg14: memref<80x128xf32, #tpu.memory_space<vmem>>, %arg15: memref<80x128xf32, #tpu.memory_space<vmem>>, %arg16: memref<80x128xf32, #tpu.memory_space<vmem>>, %arg17: memref<8x16xf32, #tpu.memory_space<vmem>>, %arg18: memref<10112x128xf32, #tpu.memory_space<vmem_shared>>, %arg19: memref<640x128xf32, #tpu.memory_space<vmem_shared>>, %arg20: memref<!tpu.dma_semaphore, #tpu.memory_space<semaphore_mem>>, %arg21: memref<!tpu.dma_semaphore, #tpu.memory_space<semaphore_mem>>) attributes {dimension_semantics = [#tpu.dimension_semantics<core_parallel>, #tpu.dimension_semantics<subcore_parallel>], iteration_bounds = array<i64: 2, 16>, scalar_prefetch = 0 : i64, scratch_operands = 12 : i64, tpu.core_type = #tpu.core_type<sc_vector_subcore>, window_params = [{transform_indices = #map}, {transform_indices = #map}, {transform_indices = #map1}, {transform_indices = #map1}, {transform_indices = #map1}, {transform_indices = #map1}, {transform_indices = #map2}, {transform_indices = #map2}]} {
    %iota3A = tpu.iota {dimensions = array<i32: 0>} : vector<16xi32>
    %mul3A = arith.constant 632 : i32
    %mul3A_0 = arith.muli %arg1, %mul3A : i32
    %mul3A_1 = arith.constant 632 : i32
    %mul3A_2 = arith.muli %arg1, %mul3A_1 : i32
    "tpu.region"() ({
      %run_scoped3A = tpu.sem_alloc : memref<!tpu.dma_semaphore, #tpu.memory_space<semaphore_mem>>
      %dma_start3A = arith.constant 0 : i32
      %dma_start3A_24 = tpu.memref_slice %arg18[%mul3A_2, %dma_start3A] : memref<10112x128xf32, #tpu.memory_space<vmem_shared>> -> memref<632x128xf32, #tpu.memory_space<vmem_shared>>
      %dma_start3A_25 = arith.constant 0 : i32
      %dma_start3A_26 = tpu.memref_slice %arg7[%mul3A_0, %dma_start3A_25] : memref<10112x128xf32, #tpu.memory_space<hbm>> -> memref<632x128xf32, #tpu.memory_space<hbm>>
      tpu.enqueue_dma source(%dma_start3A_26 : memref<632x128xf32, #tpu.memory_space<hbm>>) target(%dma_start3A_24 : memref<632x128xf32, #tpu.memory_space<vmem_shared>>) target_semaphore(%run_scoped3A : memref<!tpu.dma_semaphore, #tpu.memory_space<semaphore_mem>>)
      %dma_wait3A = arith.constant 0 : i32
      %dma_wait3A_27 = tpu.memref_slice %arg18[%mul3A_2, %dma_wait3A] : memref<10112x128xf32, #tpu.memory_space<vmem_shared>> -> memref<632x128xf32, #tpu.memory_space<vmem_shared>>
      %dma_wait3A_28 = arith.constant 0 : i32
      %dma_wait3A_29 = tpu.memref_slice %arg7[%mul3A_0, %dma_wait3A_28] : memref<10112x128xf32, #tpu.memory_space<hbm>> -> memref<632x128xf32, #tpu.memory_space<hbm>>
      tpu.wait_dma2 semaphore(%run_scoped3A : memref<!tpu.dma_semaphore, #tpu.memory_space<semaphore_mem>>) src(%dma_wait3A_29 : memref<632x128xf32, #tpu.memory_space<hbm>>) dst(%dma_wait3A_27 : memref<632x128xf32, #tpu.memory_space<vmem_shared>>)
      tpu.yield
    }) : () -> ()
    %mul3A_3 = arith.constant 40 : i32
    %mul3A_4 = arith.muli %arg1, %mul3A_3 : i32
    %mul3A_5 = arith.constant 40 : i32
    %mul3A_6 = arith.muli %arg1, %mul3A_5 : i32
    "tpu.region"() ({
      %run_scoped3A = tpu.sem_alloc : memref<!tpu.dma_semaphore, #tpu.memory_space<semaphore_mem>>
      %dma_start3A = arith.constant 0 : i32
      %dma_start3A_24 = tpu.memref_slice %arg19[%mul3A_6, %dma_start3A] : memref<640x128xf32, #tpu.memory_space<vmem_shared>> -> memref<40x128xf32, #tpu.memory_space<vmem_shared>>
      %dma_start3A_25 = arith.constant 0 : i32
      %dma_start3A_26 = tpu.memref_slice %arg7[%mul3A_4, %dma_start3A_25] : memref<10112x128xf32, #tpu.memory_space<hbm>> -> memref<40x128xf32, #tpu.memory_space<hbm>>
      tpu.enqueue_dma source(%dma_start3A_26 : memref<40x128xf32, #tpu.memory_space<hbm>>) target(%dma_start3A_24 : memref<40x128xf32, #tpu.memory_space<vmem_shared>>) target_semaphore(%run_scoped3A : memref<!tpu.dma_semaphore, #tpu.memory_space<semaphore_mem>>)
      %dma_wait3A = arith.constant 0 : i32
      %dma_wait3A_27 = tpu.memref_slice %arg19[%mul3A_6, %dma_wait3A] : memref<640x128xf32, #tpu.memory_space<vmem_shared>> -> memref<40x128xf32, #tpu.memory_space<vmem_shared>>
      %dma_wait3A_28 = arith.constant 0 : i32
      %dma_wait3A_29 = tpu.memref_slice %arg7[%mul3A_4, %dma_wait3A_28] : memref<10112x128xf32, #tpu.memory_space<hbm>> -> memref<40x128xf32, #tpu.memory_space<hbm>>
      tpu.wait_dma2 semaphore(%run_scoped3A : memref<!tpu.dma_semaphore, #tpu.memory_space<semaphore_mem>>) src(%dma_wait3A_29 : memref<40x128xf32, #tpu.memory_space<hbm>>) dst(%dma_wait3A_27 : memref<40x128xf32, #tpu.memory_space<vmem_shared>>)
      tpu.yield
    }) : () -> ()
    %mul3A_7 = arith.constant 8 : i32
    %mul3A_8 = arith.muli %arg0, %mul3A_7 : i32
    "tpu.region"() ({
      %run_scoped3A = tpu.sem_alloc : memref<!tpu.dma_semaphore, #tpu.memory_space<semaphore_mem>>
      %dma_start3A = arith.constant 0 : i32
      %dma_start3A_24 = tpu.memref_slice %arg6[%mul3A_8, %dma_start3A] : memref<16x16xf32, #tpu.memory_space<hbm>> -> memref<8x16xf32, #tpu.memory_space<hbm>>
      %dma_start3A_25 = arith.constant 0 : i32
      %dma_start3A_26 = tpu.memref_slice %arg6[%mul3A_8, %dma_start3A_25] : memref<16x16xf32, #tpu.memory_space<hbm>> -> memref<8x16xf32, #tpu.memory_space<hbm>>
      tpu.enqueue_dma source(%dma_start3A_26 : memref<8x16xf32, #tpu.memory_space<hbm>>) target(%arg17 : memref<8x16xf32, #tpu.memory_space<vmem>>) target_semaphore(%run_scoped3A : memref<!tpu.dma_semaphore, #tpu.memory_space<semaphore_mem>>)
      %dma_wait3A = arith.constant 0 : i32
      %dma_wait3A_27 = tpu.memref_slice %arg6[%mul3A_8, %dma_wait3A] : memref<16x16xf32, #tpu.memory_space<hbm>> -> memref<8x16xf32, #tpu.memory_space<hbm>>
      %dma_wait3A_28 = arith.constant 0 : i32
      %dma_wait3A_29 = tpu.memref_slice %arg6[%mul3A_8, %dma_wait3A_28] : memref<16x16xf32, #tpu.memory_space<hbm>> -> memref<8x16xf32, #tpu.memory_space<hbm>>
      tpu.wait_dma2 semaphore(%run_scoped3A : memref<!tpu.dma_semaphore, #tpu.memory_space<semaphore_mem>>) src(%dma_wait3A_29 : memref<8x16xf32, #tpu.memory_space<hbm>>) dst(%arg17 : memref<8x16xf32, #tpu.memory_space<vmem>>)
      tpu.yield
    }) : () -> ()
    %barrier3A = arith.constant 0 : index
    tpu.barrier barrier_id(%barrier3A)
    %mul3A_9 = arith.constant 10000 : i32
    %mul3A_10 = arith.muli %arg0, %mul3A_9 : i32
    %scan3A = arith.constant 0 : i32
    %scan3A_11 = arith.constant 50 : i32
    %scan3A_12 = arith.addi %scan3A, %scan3A_11 : i32
    %scan3A_13 = arith.constant 1 : i32
    scf.for %scan3A_24 = %scan3A to %scan3A_12 step %scan3A_13  : i32 {
      "tpu.region"() ({
        %run_scoped3A = tpu.sem_alloc : memref<!tpu.dma_semaphore, #tpu.memory_space<semaphore_mem>>
        %dma_start3A = arith.constant 0 : i32
        %dma_start3A_35 = arith.constant 0 : i32
        %dma_start3A_36 = tpu.memref_slice %arg2[%arg1, %scan3A_24, %dma_start3A, %dma_start3A_35] : memref<16x50x5x80xi32, #tpu.memory_space<hbm>> -> memref<1x1x5x80xi32, #tpu.memory_space<hbm>>
        %dma_start3A_37 = tpu.memref_squeeze %dma_start3A_36 : memref<1x1x5x80xi32, #tpu.memory_space<hbm>> -> memref<5x80xi32, #tpu.memory_space<hbm>>
        %dma_start3A_38 = arith.constant 0 : i32
        %dma_start3A_39 = arith.constant 0 : i32
        %dma_start3A_40 = tpu.memref_slice %arg2[%arg1, %scan3A_24, %dma_start3A_38, %dma_start3A_39] : memref<16x50x5x80xi32, #tpu.memory_space<hbm>> -> memref<1x1x5x80xi32, #tpu.memory_space<hbm>>
        %dma_start3A_41 = tpu.memref_squeeze %dma_start3A_40 : memref<1x1x5x80xi32, #tpu.memory_space<hbm>> -> memref<5x80xi32, #tpu.memory_space<hbm>>
        tpu.enqueue_dma source(%dma_start3A_41 : memref<5x80xi32, #tpu.memory_space<hbm>>) target(%arg10 : memref<5x80xi32, #tpu.memory_space<vmem>>) target_semaphore(%run_scoped3A : memref<!tpu.dma_semaphore, #tpu.memory_space<semaphore_mem>>)
        %dma_wait3A = arith.constant 0 : i32
        %dma_wait3A_42 = arith.constant 0 : i32
        %dma_wait3A_43 = tpu.memref_slice %arg2[%arg1, %scan3A_24, %dma_wait3A, %dma_wait3A_42] : memref<16x50x5x80xi32, #tpu.memory_space<hbm>> -> memref<1x1x5x80xi32, #tpu.memory_space<hbm>>
        %dma_wait3A_44 = tpu.memref_squeeze %dma_wait3A_43 : memref<1x1x5x80xi32, #tpu.memory_space<hbm>> -> memref<5x80xi32, #tpu.memory_space<hbm>>
        %dma_wait3A_45 = arith.constant 0 : i32
        %dma_wait3A_46 = arith.constant 0 : i32
        %dma_wait3A_47 = tpu.memref_slice %arg2[%arg1, %scan3A_24, %dma_wait3A_45, %dma_wait3A_46] : memref<16x50x5x80xi32, #tpu.memory_space<hbm>> -> memref<1x1x5x80xi32, #tpu.memory_space<hbm>>
        %dma_wait3A_48 = tpu.memref_squeeze %dma_wait3A_47 : memref<1x1x5x80xi32, #tpu.memory_space<hbm>> -> memref<5x80xi32, #tpu.memory_space<hbm>>
        tpu.wait_dma2 semaphore(%run_scoped3A : memref<!tpu.dma_semaphore, #tpu.memory_space<semaphore_mem>>) src(%dma_wait3A_48 : memref<5x80xi32, #tpu.memory_space<hbm>>) dst(%arg10 : memref<5x80xi32, #tpu.memory_space<vmem>>)
        tpu.yield
      }) : () -> ()
      "tpu.region"() ({
        %run_scoped3A = tpu.sem_alloc : memref<!tpu.dma_semaphore, #tpu.memory_space<semaphore_mem>>
        %dma_start3A = arith.constant 0 : i32
        %dma_start3A_35 = arith.constant 0 : i32
        %dma_start3A_36 = tpu.memref_slice %arg3[%arg1, %scan3A_24, %dma_start3A, %dma_start3A_35] : memref<16x50x5x80xi32, #tpu.memory_space<hbm>> -> memref<1x1x5x80xi32, #tpu.memory_space<hbm>>
        %dma_start3A_37 = tpu.memref_squeeze %dma_start3A_36 : memref<1x1x5x80xi32, #tpu.memory_space<hbm>> -> memref<5x80xi32, #tpu.memory_space<hbm>>
        %dma_start3A_38 = arith.constant 0 : i32
        %dma_start3A_39 = arith.constant 0 : i32
        %dma_start3A_40 = tpu.memref_slice %arg3[%arg1, %scan3A_24, %dma_start3A_38, %dma_start3A_39] : memref<16x50x5x80xi32, #tpu.memory_space<hbm>> -> memref<1x1x5x80xi32, #tpu.memory_space<hbm>>
        %dma_start3A_41 = tpu.memref_squeeze %dma_start3A_40 : memref<1x1x5x80xi32, #tpu.memory_space<hbm>> -> memref<5x80xi32, #tpu.memory_space<hbm>>
        tpu.enqueue_dma source(%dma_start3A_41 : memref<5x80xi32, #tpu.memory_space<hbm>>) target(%arg11 : memref<5x80xi32, #tpu.memory_space<vmem>>) target_semaphore(%run_scoped3A : memref<!tpu.dma_semaphore, #tpu.memory_space<semaphore_mem>>)
        %dma_wait3A = arith.constant 0 : i32
        %dma_wait3A_42 = arith.constant 0 : i32
        %dma_wait3A_43 = tpu.memref_slice %arg3[%arg1, %scan3A_24, %dma_wait3A, %dma_wait3A_42] : memref<16x50x5x80xi32, #tpu.memory_space<hbm>> -> memref<1x1x5x80xi32, #tpu.memory_space<hbm>>
        %dma_wait3A_44 = tpu.memref_squeeze %dma_wait3A_43 : memref<1x1x5x80xi32, #tpu.memory_space<hbm>> -> memref<5x80xi32, #tpu.memory_space<hbm>>
        %dma_wait3A_45 = arith.constant 0 : i32
        %dma_wait3A_46 = arith.constant 0 : i32
        %dma_wait3A_47 = tpu.memref_slice %arg3[%arg1, %scan3A_24, %dma_wait3A_45, %dma_wait3A_46] : memref<16x50x5x80xi32, #tpu.memory_space<hbm>> -> memref<1x1x5x80xi32, #tpu.memory_space<hbm>>
        %dma_wait3A_48 = tpu.memref_squeeze %dma_wait3A_47 : memref<1x1x5x80xi32, #tpu.memory_space<hbm>> -> memref<5x80xi32, #tpu.memory_space<hbm>>
        tpu.wait_dma2 semaphore(%run_scoped3A : memref<!tpu.dma_semaphore, #tpu.memory_space<semaphore_mem>>) src(%dma_wait3A_48 : memref<5x80xi32, #tpu.memory_space<hbm>>) dst(%arg11 : memref<5x80xi32, #tpu.memory_space<vmem>>)
        tpu.yield
      }) : () -> ()
      %scan3A_25 = arith.constant 0 : i32
      %scan3A_26 = arith.constant 5 : i32
      %scan3A_27 = arith.addi %scan3A_25, %scan3A_26 : i32
      %scan3A_28 = arith.constant 1 : i32
      scf.for %scan3A_35 = %scan3A_25 to %scan3A_27 step %scan3A_28  : i32 {
        %get3A = arith.index_cast %scan3A_35 : i32 to index
        %get3A_36 = arith.constant 0 : index
        %get3A_37 = tpu.vector_load %arg11[%get3A, %get3A_36] {strides = array<i32>} : memref<5x80xi32, #tpu.memory_space<vmem>>, vector<16xi32>,
        %add3A = vector.broadcast %mul3A_10 : i32 to vector<16xi32>
        %add3A_38 = arith.addi %get3A_37, %add3A : vector<16xi32>
        %swap3A = arith.index_cast %scan3A_35 : i32 to index
        %swap3A_39 = arith.constant 0 : index
        %swap3A_40 = tpu.vector_load %arg12[%swap3A, %swap3A_39] {strides = array<i32>} : memref<5x80xi32, #tpu.memory_space<vmem>>, vector<16xi32>,
        tpu.vector_store %arg12[%swap3A, %swap3A_39], %add3A_38 {strides = array<i32>} : memref<5x80xi32, #tpu.memory_space<vmem>>, vector<16xi32>,
        %shift_right_arithmetic3A = arith.constant 4 : i32
        %shift_right_arithmetic3A_41 = vector.broadcast %shift_right_arithmetic3A : i32 to vector<16xi32>
        %shift_right_arithmetic3A_42 = arith.shrsi %get3A_37, %shift_right_arithmetic3A_41 : vector<16xi32>
        %swap3A_43 = arith.index_cast %scan3A_35 : i32 to index
        %swap3A_44 = arith.constant 0 : index
        %swap3A_45 = tpu.vector_load %arg13[%swap3A_43, %swap3A_44] {strides = array<i32>} : memref<5x80xi32, #tpu.memory_space<vmem>>, vector<16xi32>,
        tpu.vector_store %arg13[%swap3A_43, %swap3A_44], %shift_right_arithmetic3A_42 {strides = array<i32>} : memref<5x80xi32, #tpu.memory_space<vmem>>, vector<16xi32>,
        %get3A_46 = arith.index_cast %scan3A_35 : i32 to index
        %get3A_47 = arith.constant 0 : index
        %get3A_48 = tpu.vector_load %arg10[%get3A_46, %get3A_47] {strides = array<i32>} : memref<5x80xi32, #tpu.memory_space<vmem>>, vector<16xi32>,
        %add3A_49 = vector.broadcast %mul3A_10 : i32 to vector<16xi32>
        %add3A_50 = arith.addi %get3A_48, %add3A_49 : vector<16xi32>
        %swap3A_51 = arith.index_cast %scan3A_35 : i32 to index
        %swap3A_52 = arith.constant 0 : index
        %swap3A_53 = tpu.vector_load %arg10[%swap3A_51, %swap3A_52] {strides = array<i32>} : memref<5x80xi32, #tpu.memory_space<vmem>>, vector<16xi32>,
        tpu.vector_store %arg10[%swap3A_51, %swap3A_52], %add3A_50 {strides = array<i32>} : memref<5x80xi32, #tpu.memory_space<vmem>>, vector<16xi32>,
        %get3A_54 = arith.index_cast %scan3A_35 : i32 to index
        %get3A_55 = arith.constant 16 : index
        %get3A_56 = tpu.vector_load %arg11[%get3A_54, %get3A_55] {strides = array<i32>} : memref<5x80xi32, #tpu.memory_space<vmem>>, vector<16xi32>,
        %add3A_57 = vector.broadcast %mul3A_10 : i32 to vector<16xi32>
        %add3A_58 = arith.addi %get3A_56, %add3A_57 : vector<16xi32>
        %swap3A_59 = arith.index_cast %scan3A_35 : i32 to index
        %swap3A_60 = arith.constant 16 : index
        %swap3A_61 = tpu.vector_load %arg12[%swap3A_59, %swap3A_60] {strides = array<i32>} : memref<5x80xi32, #tpu.memory_space<vmem>>, vector<16xi32>,
        tpu.vector_store %arg12[%swap3A_59, %swap3A_60], %add3A_58 {strides = array<i32>} : memref<5x80xi32, #tpu.memory_space<vmem>>, vector<16xi32>,
        %shift_right_arithmetic3A_62 = arith.constant 4 : i32
        %shift_right_arithmetic3A_63 = vector.broadcast %shift_right_arithmetic3A_62 : i32 to vector<16xi32>
        %shift_right_arithmetic3A_64 = arith.shrsi %get3A_56, %shift_right_arithmetic3A_63 : vector<16xi32>
        %swap3A_65 = arith.index_cast %scan3A_35 : i32 to index
        %swap3A_66 = arith.constant 16 : index
        %swap3A_67 = tpu.vector_load %arg13[%swap3A_65, %swap3A_66] {strides = array<i32>} : memref<5x80xi32, #tpu.memory_space<vmem>>, vector<16xi32>,
        tpu.vector_store %arg13[%swap3A_65, %swap3A_66], %shift_right_arithmetic3A_64 {strides = array<i32>} : memref<5x80xi32, #tpu.memory_space<vmem>>, vector<16xi32>,
        %get3A_68 = arith.index_cast %scan3A_35 : i32 to index
        %get3A_69 = arith.constant 16 : index
        %get3A_70 = tpu.vector_load %arg10[%get3A_68, %get3A_69] {strides = array<i32>} : memref<5x80xi32, #tpu.memory_space<vmem>>, vector<16xi32>,
        %add3A_71 = vector.broadcast %mul3A_10 : i32 to vector<16xi32>
        %add3A_72 = arith.addi %get3A_70, %add3A_71 : vector<16xi32>
        %swap3A_73 = arith.index_cast %scan3A_35 : i32 to index
        %swap3A_74 = arith.constant 16 : index
        %swap3A_75 = tpu.vector_load %arg10[%swap3A_73, %swap3A_74] {strides = array<i32>} : memref<5x80xi32, #tpu.memory_space<vmem>>, vector<16xi32>,
        tpu.vector_store %arg10[%swap3A_73, %swap3A_74], %add3A_72 {strides = array<i32>} : memref<5x80xi32, #tpu.memory_space<vmem>>, vector<16xi32>,
        %get3A_76 = arith.index_cast %scan3A_35 : i32 to index
        %get3A_77 = arith.constant 32 : index
        %get3A_78 = tpu.vector_load %arg11[%get3A_76, %get3A_77] {strides = array<i32>} : memref<5x80xi32, #tpu.memory_space<vmem>>, vector<16xi32>,
        %add3A_79 = vector.broadcast %mul3A_10 : i32 to vector<16xi32>
        %add3A_80 = arith.addi %get3A_78, %add3A_79 : vector<16xi32>
        %swap3A_81 = arith.index_cast %scan3A_35 : i32 to index
        %swap3A_82 = arith.constant 32 : index
        %swap3A_83 = tpu.vector_load %arg12[%swap3A_81, %swap3A_82] {strides = array<i32>} : memref<5x80xi32, #tpu.memory_space<vmem>>, vector<16xi32>,
        tpu.vector_store %arg12[%swap3A_81, %swap3A_82], %add3A_80 {strides = array<i32>} : memref<5x80xi32, #tpu.memory_space<vmem>>, vector<16xi32>,
        %shift_right_arithmetic3A_84 = arith.constant 4 : i32
        %shift_right_arithmetic3A_85 = vector.broadcast %shift_right_arithmetic3A_84 : i32 to vector<16xi32>
        %shift_right_arithmetic3A_86 = arith.shrsi %get3A_78, %shift_right_arithmetic3A_85 : vector<16xi32>
        %swap3A_87 = arith.index_cast %scan3A_35 : i32 to index
        %swap3A_88 = arith.constant 32 : index
        %swap3A_89 = tpu.vector_load %arg13[%swap3A_87, %swap3A_88] {strides = array<i32>} : memref<5x80xi32, #tpu.memory_space<vmem>>, vector<16xi32>,
        tpu.vector_store %arg13[%swap3A_87, %swap3A_88], %shift_right_arithmetic3A_86 {strides = array<i32>} : memref<5x80xi32, #tpu.memory_space<vmem>>, vector<16xi32>,
        %get3A_90 = arith.index_cast %scan3A_35 : i32 to index
        %get3A_91 = arith.constant 32 : index
        %get3A_92 = tpu.vector_load %arg10[%get3A_90, %get3A_91] {strides = array<i32>} : memref<5x80xi32, #tpu.memory_space<vmem>>, vector<16xi32>,
        %add3A_93 = vector.broadcast %mul3A_10 : i32 to vector<16xi32>
        %add3A_94 = arith.addi %get3A_92, %add3A_93 : vector<16xi32>
        %swap3A_95 = arith.index_cast %scan3A_35 : i32 to index
        %swap3A_96 = arith.constant 32 : index
        %swap3A_97 = tpu.vector_load %arg10[%swap3A_95, %swap3A_96] {strides = array<i32>} : memref<5x80xi32, #tpu.memory_space<vmem>>, vector<16xi32>,
        tpu.vector_store %arg10[%swap3A_95, %swap3A_96], %add3A_94 {strides = array<i32>} : memref<5x80xi32, #tpu.memory_space<vmem>>, vector<16xi32>,
        %get3A_98 = arith.index_cast %scan3A_35 : i32 to index
        %get3A_99 = arith.constant 48 : index
        %get3A_100 = tpu.vector_load %arg11[%get3A_98, %get3A_99] {strides = array<i32>} : memref<5x80xi32, #tpu.memory_space<vmem>>, vector<16xi32>,
        %add3A_101 = vector.broadcast %mul3A_10 : i32 to vector<16xi32>
        %add3A_102 = arith.addi %get3A_100, %add3A_101 : vector<16xi32>
        %swap3A_103 = arith.index_cast %scan3A_35 : i32 to index
        %swap3A_104 = arith.constant 48 : index
        %swap3A_105 = tpu.vector_load %arg12[%swap3A_103, %swap3A_104] {strides = array<i32>} : memref<5x80xi32, #tpu.memory_space<vmem>>, vector<16xi32>,
        tpu.vector_store %arg12[%swap3A_103, %swap3A_104], %add3A_102 {strides = array<i32>} : memref<5x80xi32, #tpu.memory_space<vmem>>, vector<16xi32>,
        %shift_right_arithmetic3A_106 = arith.constant 4 : i32
        %shift_right_arithmetic3A_107 = vector.broadcast %shift_right_arithmetic3A_106 : i32 to vector<16xi32>
        %shift_right_arithmetic3A_108 = arith.shrsi %get3A_100, %shift_right_arithmetic3A_107 : vector<16xi32>
        %swap3A_109 = arith.index_cast %scan3A_35 : i32 to index
        %swap3A_110 = arith.constant 48 : index
        %swap3A_111 = tpu.vector_load %arg13[%swap3A_109, %swap3A_110] {strides = array<i32>} : memref<5x80xi32, #tpu.memory_space<vmem>>, vector<16xi32>,
        tpu.vector_store %arg13[%swap3A_109, %swap3A_110], %shift_right_arithmetic3A_108 {strides = array<i32>} : memref<5x80xi32, #tpu.memory_space<vmem>>, vector<16xi32>,
        %get3A_112 = arith.index_cast %scan3A_35 : i32 to index
        %get3A_113 = arith.constant 48 : index
        %get3A_114 = tpu.vector_load %arg10[%get3A_112, %get3A_113] {strides = array<i32>} : memref<5x80xi32, #tpu.memory_space<vmem>>, vector<16xi32>,
        %add3A_115 = vector.broadcast %mul3A_10 : i32 to vector<16xi32>
        %add3A_116 = arith.addi %get3A_114, %add3A_115 : vector<16xi32>
        %swap3A_117 = arith.index_cast %scan3A_35 : i32 to index
        %swap3A_118 = arith.constant 48 : index
        %swap3A_119 = tpu.vector_load %arg10[%swap3A_117, %swap3A_118] {strides = array<i32>} : memref<5x80xi32, #tpu.memory_space<vmem>>, vector<16xi32>,
        tpu.vector_store %arg10[%swap3A_117, %swap3A_118], %add3A_116 {strides = array<i32>} : memref<5x80xi32, #tpu.memory_space<vmem>>, vector<16xi32>,
        %get3A_120 = arith.index_cast %scan3A_35 : i32 to index
        %get3A_121 = arith.constant 64 : index
        %get3A_122 = tpu.vector_load %arg11[%get3A_120, %get3A_121] {strides = array<i32>} : memref<5x80xi32, #tpu.memory_space<vmem>>, vector<16xi32>,
        %add3A_123 = vector.broadcast %mul3A_10 : i32 to vector<16xi32>
        %add3A_124 = arith.addi %get3A_122, %add3A_123 : vector<16xi32>
        %swap3A_125 = arith.index_cast %scan3A_35 : i32 to index
        %swap3A_126 = arith.constant 64 : index
        %swap3A_127 = tpu.vector_load %arg12[%swap3A_125, %swap3A_126] {strides = array<i32>} : memref<5x80xi32, #tpu.memory_space<vmem>>, vector<16xi32>,
        tpu.vector_store %arg12[%swap3A_125, %swap3A_126], %add3A_124 {strides = array<i32>} : memref<5x80xi32, #tpu.memory_space<vmem>>, vector<16xi32>,
        %shift_right_arithmetic3A_128 = arith.constant 4 : i32
        %shift_right_arithmetic3A_129 = vector.broadcast %shift_right_arithmetic3A_128 : i32 to vector<16xi32>
        %shift_right_arithmetic3A_130 = arith.shrsi %get3A_122, %shift_right_arithmetic3A_129 : vector<16xi32>
        %swap3A_131 = arith.index_cast %scan3A_35 : i32 to index
        %swap3A_132 = arith.constant 64 : index
        %swap3A_133 = tpu.vector_load %arg13[%swap3A_131, %swap3A_132] {strides = array<i32>} : memref<5x80xi32, #tpu.memory_space<vmem>>, vector<16xi32>,
        tpu.vector_store %arg13[%swap3A_131, %swap3A_132], %shift_right_arithmetic3A_130 {strides = array<i32>} : memref<5x80xi32, #tpu.memory_space<vmem>>, vector<16xi32>,
        %get3A_134 = arith.index_cast %scan3A_35 : i32 to index
        %get3A_135 = arith.constant 64 : index
        %get3A_136 = tpu.vector_load %arg10[%get3A_134, %get3A_135] {strides = array<i32>} : memref<5x80xi32, #tpu.memory_space<vmem>>, vector<16xi32>,
        %add3A_137 = vector.broadcast %mul3A_10 : i32 to vector<16xi32>
        %add3A_138 = arith.addi %get3A_136, %add3A_137 : vector<16xi32>
        %swap3A_139 = arith.index_cast %scan3A_35 : i32 to index
        %swap3A_140 = arith.constant 64 : index
        %swap3A_141 = tpu.vector_load %arg10[%swap3A_139, %swap3A_140] {strides = array<i32>} : memref<5x80xi32, #tpu.memory_space<vmem>>, vector<16xi32>,
        tpu.vector_store %arg10[%swap3A_139, %swap3A_140], %add3A_138 {strides = array<i32>} : memref<5x80xi32, #tpu.memory_space<vmem>>, vector<16xi32>,
      }
      %scan3A_29 = arith.constant 5 : i32
      %scan3A_30 = arith.constant 0 : i32
      %scan3A_31 = arith.constant 5 : i32
      %scan3A_32 = arith.addi %scan3A_30, %scan3A_31 : i32
      %scan3A_33 = arith.constant 1 : i32
      scf.for %scan3A_35 = %scan3A_30 to %scan3A_32 step %scan3A_33  : i32 {
        %dma_start3A = arith.constant 0 : i32
        %dma_start3A_36 = tpu.memref_slice %arg10[%scan3A_35, %dma_start3A] : memref<5x80xi32, #tpu.memory_space<vmem>> -> memref<1x80xi32, #tpu.memory_space<vmem>>
        %dma_start3A_37 = tpu.memref_squeeze %dma_start3A_36 : memref<1x80xi32, #tpu.memory_space<vmem>> -> memref<80xi32, #tpu.memory_space<vmem>>
        %dma_start3A_38 = arith.constant 0 : i32
        %dma_start3A_39 = arith.constant 0 : i32
        %dma_start3A_40 = tpu.memref_slice %arg4[%dma_start3A_38, %dma_start3A_39] : memref<20000x128xf32, #tpu.memory_space<hbm>> -> memref<20000x128xf32, #tpu.memory_space<hbm>>
        tpu.enqueue_indirect_dma source(%dma_start3A_40 : memref<20000x128xf32, #tpu.memory_space<hbm>>) target(%arg14 : memref<80x128xf32, #tpu.memory_space<vmem>>) offsets(%dma_start3A_37 : memref<80xi32, #tpu.memory_space<vmem>>) semaphore(%arg20 : memref<!tpu.dma_semaphore, #tpu.memory_space<semaphore_mem>>)
        %dma_start3A_41 = arith.constant 0 : i32
        %dma_start3A_42 = tpu.memref_slice %arg12[%scan3A_35, %dma_start3A_41] : memref<5x80xi32, #tpu.memory_space<vmem>> -> memref<1x80xi32, #tpu.memory_space<vmem>>
        %dma_start3A_43 = tpu.memref_squeeze %dma_start3A_42 : memref<1x80xi32, #tpu.memory_space<vmem>> -> memref<80xi32, #tpu.memory_space<vmem>>
        %dma_start3A_44 = arith.constant 0 : i32
        %dma_start3A_45 = arith.constant 0 : i32
        %dma_start3A_46 = tpu.memref_slice %arg5[%dma_start3A_44, %dma_start3A_45] : memref<20000x128xf32, #tpu.memory_space<hbm>> -> memref<20000x128xf32, #tpu.memory_space<hbm>>
        tpu.enqueue_indirect_dma source(%dma_start3A_46 : memref<20000x128xf32, #tpu.memory_space<hbm>>) target(%arg15 : memref<80x128xf32, #tpu.memory_space<vmem>>) offsets(%dma_start3A_43 : memref<80xi32, #tpu.memory_space<vmem>>) semaphore(%arg21 : memref<!tpu.dma_semaphore, #tpu.memory_space<semaphore_mem>>)
        %dma_wait3A = arith.constant 0 : i32
        %dma_wait3A_47 = tpu.memref_slice %arg10[%scan3A_35, %dma_wait3A] : memref<5x80xi32, #tpu.memory_space<vmem>> -> memref<1x80xi32, #tpu.memory_space<vmem>>
        %dma_wait3A_48 = tpu.memref_squeeze %dma_wait3A_47 : memref<1x80xi32, #tpu.memory_space<vmem>> -> memref<80xi32, #tpu.memory_space<vmem>>
        %dma_wait3A_49 = arith.constant 0 : i32
        %dma_wait3A_50 = arith.constant 0 : i32
        %dma_wait3A_51 = tpu.memref_slice %arg4[%dma_wait3A_49, %dma_wait3A_50] : memref<20000x128xf32, #tpu.memory_space<hbm>> -> memref<20000x128xf32, #tpu.memory_space<hbm>>
        tpu.wait_indirect_dma semaphore(%arg20 : memref<!tpu.dma_semaphore, #tpu.memory_space<semaphore_mem>>) src(%dma_wait3A_51 : memref<20000x128xf32, #tpu.memory_space<hbm>>) dst(%arg14 : memref<80x128xf32, #tpu.memory_space<vmem>>)
        %dma_wait3A_52 = arith.constant 0 : i32
        %dma_wait3A_53 = tpu.memref_slice %arg12[%scan3A_35, %dma_wait3A_52] : memref<5x80xi32, #tpu.memory_space<vmem>> -> memref<1x80xi32, #tpu.memory_space<vmem>>
        %dma_wait3A_54 = tpu.memref_squeeze %dma_wait3A_53 : memref<1x80xi32, #tpu.memory_space<vmem>> -> memref<80xi32, #tpu.memory_space<vmem>>
        %dma_wait3A_55 = arith.constant 0 : i32
        %dma_wait3A_56 = arith.constant 0 : i32
        %dma_wait3A_57 = tpu.memref_slice %arg5[%dma_wait3A_55, %dma_wait3A_56] : memref<20000x128xf32, #tpu.memory_space<hbm>> -> memref<20000x128xf32, #tpu.memory_space<hbm>>
        tpu.wait_indirect_dma semaphore(%arg21 : memref<!tpu.dma_semaphore, #tpu.memory_space<semaphore_mem>>) src(%dma_wait3A_57 : memref<20000x128xf32, #tpu.memory_space<hbm>>) dst(%arg15 : memref<80x128xf32, #tpu.memory_space<vmem>>)
        %scan3A_58 = arith.constant 0 : i32
        %scan3A_59 = arith.constant 80 : i32
        %scan3A_60 = arith.addi %scan3A_58, %scan3A_59 : i32
        %scan3A_61 = arith.constant 1 : i32
        scf.for %scan3A_87 = %scan3A_58 to %scan3A_60 step %scan3A_61  : i32 {
          %broadcast_in_dim3A = vector.broadcast %scan3A_35 : i32 to vector<16xi32>
          %broadcast_in_dim3A_88 = vector.broadcast %scan3A_87 : i32 to vector<16xi32>
          %gather3A = tpu.vector_load_idx %arg11[%broadcast_in_dim3A, %broadcast_in_dim3A_88] : memref<5x80xi32, #tpu.memory_space<vmem>>[vector<16xi32>, vector<16xi32>], vector<16xi32>,
          %and3A = arith.constant 1 : i32
          %and3A_89 = vector.broadcast %and3A : i32 to vector<16xi32>
          %and3A_90 = arith.andi %gather3A, %and3A_89 : vector<16xi32>
          %mul3A_91 = arith.constant 8 : i32
          %mul3A_92 = vector.broadcast %mul3A_91 : i32 to vector<16xi32>
          %mul3A_93 = arith.muli %and3A_90, %mul3A_92 : vector<16xi32>
          %shift_right_arithmetic3A = arith.constant 1 : i32
          %shift_right_arithmetic3A_94 = vector.broadcast %shift_right_arithmetic3A : i32 to vector<16xi32>
          %shift_right_arithmetic3A_95 = arith.shrsi %gather3A, %shift_right_arithmetic3A_94 : vector<16xi32>
          %and3A_96 = arith.constant 7 : i32
          %and3A_97 = vector.broadcast %and3A_96 : i32 to vector<16xi32>
          %and3A_98 = arith.andi %shift_right_arithmetic3A_95, %and3A_97 : vector<16xi32>
          %get3A = arith.index_cast %scan3A_87 : i32 to index
          %get3A_99 = arith.constant 0 : index
          %get3A_100 = tpu.vector_load %arg14[%get3A, %get3A_99] {strides = array<i32>} : memref<80x128xf32, #tpu.memory_space<vmem>>, vector<16xf32>,
          %get3A_101 = arith.index_cast %scan3A_87 : i32 to index
          %get3A_102 = arith.constant 0 : index
          %get3A_103 = tpu.vector_load %arg15[%get3A_101, %get3A_102] {strides = array<i32>} : memref<80x128xf32, #tpu.memory_space<vmem>>, vector<16xf32>,
          %add3A = arith.addf %get3A_100, %get3A_103 : vector<16xf32>
          %mul3A_104 = arith.constant 2.000000e-01 : f32
          %mul3A_105 = vector.broadcast %mul3A_104 : f32 to vector<16xf32>
          %mul3A_106 = arith.mulf %mul3A_105, %add3A : vector<16xf32>
          %max3A = arith.maximumf %add3A, %mul3A_106 : vector<16xf32>
          %get3A_107 = arith.constant 0 : i32
          %get3A_108 = arith.index_cast %get3A_107 : i32 to index
          %get3A_109 = arith.constant 0 : index
          %get3A_110 = tpu.vector_load %arg17[%get3A_108, %get3A_109] {strides = array<i32>} : memref<8x16xf32, #tpu.memory_space<vmem>>, vector<16xf32>,
          %mul3A_111 = arith.mulf %max3A, %get3A_110 : vector<16xf32>
          %get3A_112 = arith.index_cast %scan3A_87 : i32 to index
          %get3A_113 = arith.constant 16 : index
          %get3A_114 = tpu.vector_load %arg14[%get3A_112, %get3A_113] {strides = array<i32>} : memref<80x128xf32, #tpu.memory_space<vmem>>, vector<16xf32>,
          %get3A_115 = arith.index_cast %scan3A_87 : i32 to index
          %get3A_116 = arith.constant 16 : index
          %get3A_117 = tpu.vector_load %arg15[%get3A_115, %get3A_116] {strides = array<i32>} : memref<80x128xf32, #tpu.memory_space<vmem>>, vector<16xf32>,
          %add3A_118 = arith.addf %get3A_114, %get3A_117 : vector<16xf32>
          %mul3A_119 = arith.constant 2.000000e-01 : f32
          %mul3A_120 = vector.broadcast %mul3A_119 : f32 to vector<16xf32>
          %mul3A_121 = arith.mulf %mul3A_120, %add3A_118 : vector<16xf32>
          %max3A_122 = arith.maximumf %add3A_118, %mul3A_121 : vector<16xf32>
          %get3A_123 = arith.constant 1 : i32
          %get3A_124 = arith.index_cast %get3A_123 : i32 to index
          %get3A_125 = arith.constant 0 : index
          %get3A_126 = tpu.vector_load %arg17[%get3A_124, %get3A_125] {strides = array<i32>} : memref<8x16xf32, #tpu.memory_space<vmem>>, vector<16xf32>,
          %mul3A_127 = arith.mulf %max3A_122, %get3A_126 : vector<16xf32>
          %get3A_128 = arith.index_cast %scan3A_87 : i32 to index
          %get3A_129 = arith.constant 32 : index
          %get3A_130 = tpu.vector_load %arg14[%get3A_128, %get3A_129] {strides = array<i32>} : memref<80x128xf32, #tpu.memory_space<vmem>>, vector<16xf32>,
          %get3A_131 = arith.index_cast %scan3A_87 : i32 to index
          %get3A_132 = arith.constant 32 : index
          %get3A_133 = tpu.vector_load %arg15[%get3A_131, %get3A_132] {strides = array<i32>} : memref<80x128xf32, #tpu.memory_space<vmem>>, vector<16xf32>,
          %add3A_134 = arith.addf %get3A_130, %get3A_133 : vector<16xf32>
          %mul3A_135 = arith.constant 2.000000e-01 : f32
          %mul3A_136 = vector.broadcast %mul3A_135 : f32 to vector<16xf32>
          %mul3A_137 = arith.mulf %mul3A_136, %add3A_134 : vector<16xf32>
          %max3A_138 = arith.maximumf %add3A_134, %mul3A_137 : vector<16xf32>
          %get3A_139 = arith.constant 2 : i32
          %get3A_140 = arith.index_cast %get3A_139 : i32 to index
          %get3A_141 = arith.constant 0 : index
          %get3A_142 = tpu.vector_load %arg17[%get3A_140, %get3A_141] {strides = array<i32>} : memref<8x16xf32, #tpu.memory_space<vmem>>, vector<16xf32>,
          %mul3A_143 = arith.mulf %max3A_138, %get3A_142 : vector<16xf32>
          %get3A_144 = arith.index_cast %scan3A_87 : i32 to index
          %get3A_145 = arith.constant 48 : index
          %get3A_146 = tpu.vector_load %arg14[%get3A_144, %get3A_145] {strides = array<i32>} : memref<80x128xf32, #tpu.memory_space<vmem>>, vector<16xf32>,
          %get3A_147 = arith.index_cast %scan3A_87 : i32 to index
          %get3A_148 = arith.constant 48 : index
          %get3A_149 = tpu.vector_load %arg15[%get3A_147, %get3A_148] {strides = array<i32>} : memref<80x128xf32, #tpu.memory_space<vmem>>, vector<16xf32>,
          %add3A_150 = arith.addf %get3A_146, %get3A_149 : vector<16xf32>
          %mul3A_151 = arith.constant 2.000000e-01 : f32
          %mul3A_152 = vector.broadcast %mul3A_151 : f32 to vector<16xf32>
          %mul3A_153 = arith.mulf %mul3A_152, %add3A_150 : vector<16xf32>
          %max3A_154 = arith.maximumf %add3A_150, %mul3A_153 : vector<16xf32>
          %get3A_155 = arith.constant 3 : i32
          %get3A_156 = arith.index_cast %get3A_155 : i32 to index
          %get3A_157 = arith.constant 0 : index
          %get3A_158 = tpu.vector_load %arg17[%get3A_156, %get3A_157] {strides = array<i32>} : memref<8x16xf32, #tpu.memory_space<vmem>>, vector<16xf32>,
          %mul3A_159 = arith.mulf %max3A_154, %get3A_158 : vector<16xf32>
          %get3A_160 = arith.index_cast %scan3A_87 : i32 to index
          %get3A_161 = arith.constant 64 : index
          %get3A_162 = tpu.vector_load %arg14[%get3A_160, %get3A_161] {strides = array<i32>} : memref<80x128xf32, #tpu.memory_space<vmem>>, vector<16xf32>,
          %get3A_163 = arith.index_cast %scan3A_87 : i32 to index
          %get3A_164 = arith.constant 64 : index
          %get3A_165 = tpu.vector_load %arg15[%get3A_163, %get3A_164] {strides = array<i32>} : memref<80x128xf32, #tpu.memory_space<vmem>>, vector<16xf32>,
          %add3A_166 = arith.addf %get3A_162, %get3A_165 : vector<16xf32>
          %mul3A_167 = arith.constant 2.000000e-01 : f32
          %mul3A_168 = vector.broadcast %mul3A_167 : f32 to vector<16xf32>
          %mul3A_169 = arith.mulf %mul3A_168, %add3A_166 : vector<16xf32>
          %max3A_170 = arith.maximumf %add3A_166, %mul3A_169 : vector<16xf32>
          %get3A_171 = arith.constant 4 : i32
          %get3A_172 = arith.index_cast %get3A_171 : i32 to index
          %get3A_173 = arith.constant 0 : index
          %get3A_174 = tpu.vector_load %arg17[%get3A_172, %get3A_173] {strides = array<i32>} : memref<8x16xf32, #tpu.memory_space<vmem>>, vector<16xf32>,
          %mul3A_175 = arith.mulf %max3A_170, %get3A_174 : vector<16xf32>
          %get3A_176 = arith.index_cast %scan3A_87 : i32 to index
          %get3A_177 = arith.constant 80 : index
          %get3A_178 = tpu.vector_load %arg14[%get3A_176, %get3A_177] {strides = array<i32>} : memref<80x128xf32, #tpu.memory_space<vmem>>, vector<16xf32>,
          %get3A_179 = arith.index_cast %scan3A_87 : i32 to index
          %get3A_180 = arith.constant 80 : index
          %get3A_181 = tpu.vector_load %arg15[%get3A_179, %get3A_180] {strides = array<i32>} : memref<80x128xf32, #tpu.memory_space<vmem>>, vector<16xf32>,
          %add3A_182 = arith.addf %get3A_178, %get3A_181 : vector<16xf32>
          %mul3A_183 = arith.constant 2.000000e-01 : f32
          %mul3A_184 = vector.broadcast %mul3A_183 : f32 to vector<16xf32>
          %mul3A_185 = arith.mulf %mul3A_184, %add3A_182 : vector<16xf32>
          %max3A_186 = arith.maximumf %add3A_182, %mul3A_185 : vector<16xf32>
          %get3A_187 = arith.constant 5 : i32
          %get3A_188 = arith.index_cast %get3A_187 : i32 to index
          %get3A_189 = arith.constant 0 : index
          %get3A_190 = tpu.vector_load %arg17[%get3A_188, %get3A_189] {strides = array<i32>} : memref<8x16xf32, #tpu.memory_space<vmem>>, vector<16xf32>,
          %mul3A_191 = arith.mulf %max3A_186, %get3A_190 : vector<16xf32>
          %get3A_192 = arith.index_cast %scan3A_87 : i32 to index
          %get3A_193 = arith.constant 96 : index
          %get3A_194 = tpu.vector_load %arg14[%get3A_192, %get3A_193] {strides = array<i32>} : memref<80x128xf32, #tpu.memory_space<vmem>>, vector<16xf32>,
          %get3A_195 = arith.index_cast %scan3A_87 : i32 to index
          %get3A_196 = arith.constant 96 : index
          %get3A_197 = tpu.vector_load %arg15[%get3A_195, %get3A_196] {strides = array<i32>} : memref<80x128xf32, #tpu.memory_space<vmem>>, vector<16xf32>,
          %add3A_198 = arith.addf %get3A_194, %get3A_197 : vector<16xf32>
          %mul3A_199 = arith.constant 2.000000e-01 : f32
          %mul3A_200 = vector.broadcast %mul3A_199 : f32 to vector<16xf32>
          %mul3A_201 = arith.mulf %mul3A_200, %add3A_198 : vector<16xf32>
          %max3A_202 = arith.maximumf %add3A_198, %mul3A_201 : vector<16xf32>
          %get3A_203 = arith.constant 6 : i32
          %get3A_204 = arith.index_cast %get3A_203 : i32 to index
          %get3A_205 = arith.constant 0 : index
          %get3A_206 = tpu.vector_load %arg17[%get3A_204, %get3A_205] {strides = array<i32>} : memref<8x16xf32, #tpu.memory_space<vmem>>, vector<16xf32>,
          %mul3A_207 = arith.mulf %max3A_202, %get3A_206 : vector<16xf32>
          %get3A_208 = arith.index_cast %scan3A_87 : i32 to index
          %get3A_209 = arith.constant 112 : index
          %get3A_210 = tpu.vector_load %arg14[%get3A_208, %get3A_209] {strides = array<i32>} : memref<80x128xf32, #tpu.memory_space<vmem>>, vector<16xf32>,
          %get3A_211 = arith.index_cast %scan3A_87 : i32 to index
          %get3A_212 = arith.constant 112 : index
          %get3A_213 = tpu.vector_load %arg15[%get3A_211, %get3A_212] {strides = array<i32>} : memref<80x128xf32, #tpu.memory_space<vmem>>, vector<16xf32>,
          %add3A_214 = arith.addf %get3A_210, %get3A_213 : vector<16xf32>
          %mul3A_215 = arith.constant 2.000000e-01 : f32
          %mul3A_216 = vector.broadcast %mul3A_215 : f32 to vector<16xf32>
          %mul3A_217 = arith.mulf %mul3A_216, %add3A_214 : vector<16xf32>
          %max3A_218 = arith.maximumf %add3A_214, %mul3A_217 : vector<16xf32>
          %get3A_219 = arith.constant 7 : i32
          %get3A_220 = arith.index_cast %get3A_219 : i32 to index
          %get3A_221 = arith.constant 0 : index
          %get3A_222 = tpu.vector_load %arg17[%get3A_220, %get3A_221] {strides = array<i32>} : memref<8x16xf32, #tpu.memory_space<vmem>>, vector<16xf32>,
          %mul3A_223 = arith.mulf %max3A_218, %get3A_222 : vector<16xf32>
          %iota3A_224 = tpu.iota {dimensions = array<i32: 0>} : vector<16xi32>
          %xor3A = arith.constant 1 : i32
          %xor3A_225 = vector.broadcast %xor3A : i32 to vector<16xi32>
          %xor3A_226 = arith.xori %iota3A_224, %xor3A_225 : vector<16xi32>
          %lt3A = arith.constant 0 : i32
          %lt3A_227 = vector.broadcast %lt3A : i32 to vector<16xi32>
          %lt3A_228 = arith.cmpi slt, %xor3A_226, %lt3A_227 : vector<16xi32>
          %add3A_229 = arith.constant 16 : i32
          %add3A_230 = vector.broadcast %add3A_229 : i32 to vector<16xi32>
          %add3A_231 = arith.addi %xor3A_226, %add3A_230 : vector<16xi32>
          %select_n3A = arith.select %lt3A_228, %add3A_231, %xor3A_226 : vector<16xi1>, vector<16xi32>
          %broadcast_in_dim3A_232 = vector.shape_cast %select_n3A : vector<16xi32> to vector<16x1xi32>
          %gather3A_233 = vector.shape_cast %broadcast_in_dim3A_232 : vector<16x1xi32> to vector<16xi32>
          %gather3A_234 = tpu.dynamic_gather %mul3A_111[%gather3A_233] in [0] : vector<16xf32>, vector<16xi32> -> vector<16xf32>
          %add3A_235 = arith.addf %mul3A_111, %gather3A_234 : vector<16xf32>
          %iota3A_236 = tpu.iota {dimensions = array<i32: 0>} : vector<16xi32>
          %xor3A_237 = arith.constant 1 : i32
          %xor3A_238 = vector.broadcast %xor3A_237 : i32 to vector<16xi32>
          %xor3A_239 = arith.xori %iota3A_236, %xor3A_238 : vector<16xi32>
          %lt3A_240 = arith.constant 0 : i32
          %lt3A_241 = vector.broadcast %lt3A_240 : i32 to vector<16xi32>
          %lt3A_242 = arith.cmpi slt, %xor3A_239, %lt3A_241 : vector<16xi32>
          %add3A_243 = arith.constant 16 : i32
          %add3A_244 = vector.broadcast %add3A_243 : i32 to vector<16xi32>
          %add3A_245 = arith.addi %xor3A_239, %add3A_244 : vector<16xi32>
          %select_n3A_246 = arith.select %lt3A_242, %add3A_245, %xor3A_239 : vector<16xi1>, vector<16xi32>
          %broadcast_in_dim3A_247 = vector.shape_cast %select_n3A_246 : vector<16xi32> to vector<16x1xi32>
          %gather3A_248 = vector.shape_cast %broadcast_in_dim3A_247 : vector<16x1xi32> to vector<16xi32>
          %gather3A_249 = tpu.dynamic_gather %mul3A_127[%gather3A_248] in [0] : vector<16xf32>, vector<16xi32> -> vector<16xf32>
          %add3A_250 = arith.addf %mul3A_127, %gather3A_249 : vector<16xf32>
          %and3A_251 = arith.constant 1 : i32
          %and3A_252 = vector.broadcast %and3A_251 : i32 to vector<16xi32>
          %and3A_253 = arith.andi %iota3A, %and3A_252 : vector<16xi32>
          %eq3A = arith.constant 0 : i32
          %eq3A_254 = vector.broadcast %eq3A : i32 to vector<16xi32>
          %eq3A_255 = arith.cmpi eq, %and3A_253, %eq3A_254 : vector<16xi32>
          %select_n3A_256 = arith.select %eq3A_255, %add3A_235, %add3A_250 : vector<16xi1>, vector<16xf32>
          %iota3A_257 = tpu.iota {dimensions = array<i32: 0>} : vector<16xi32>
          %xor3A_258 = arith.constant 1 : i32
          %xor3A_259 = vector.broadcast %xor3A_258 : i32 to vector<16xi32>
          %xor3A_260 = arith.xori %iota3A_257, %xor3A_259 : vector<16xi32>
          %lt3A_261 = arith.constant 0 : i32
          %lt3A_262 = vector.broadcast %lt3A_261 : i32 to vector<16xi32>
          %lt3A_263 = arith.cmpi slt, %xor3A_260, %lt3A_262 : vector<16xi32>
          %add3A_264 = arith.constant 16 : i32
          %add3A_265 = vector.broadcast %add3A_264 : i32 to vector<16xi32>
          %add3A_266 = arith.addi %xor3A_260, %add3A_265 : vector<16xi32>
          %select_n3A_267 = arith.select %lt3A_263, %add3A_266, %xor3A_260 : vector<16xi1>, vector<16xi32>
          %broadcast_in_dim3A_268 = vector.shape_cast %select_n3A_267 : vector<16xi32> to vector<16x1xi32>
          %gather3A_269 = vector.shape_cast %broadcast_in_dim3A_268 : vector<16x1xi32> to vector<16xi32>
          %gather3A_270 = tpu.dynamic_gather %mul3A_143[%gather3A_269] in [0] : vector<16xf32>, vector<16xi32> -> vector<16xf32>
          %add3A_271 = arith.addf %mul3A_143, %gather3A_270 : vector<16xf32>
          %iota3A_272 = tpu.iota {dimensions = array<i32: 0>} : vector<16xi32>
          %xor3A_273 = arith.constant 1 : i32
          %xor3A_274 = vector.broadcast %xor3A_273 : i32 to vector<16xi32>
          %xor3A_275 = arith.xori %iota3A_272, %xor3A_274 : vector<16xi32>
          %lt3A_276 = arith.constant 0 : i32
          %lt3A_277 = vector.broadcast %lt3A_276 : i32 to vector<16xi32>
          %lt3A_278 = arith.cmpi slt, %xor3A_275, %lt3A_277 : vector<16xi32>
          %add3A_279 = arith.constant 16 : i32
          %add3A_280 = vector.broadcast %add3A_279 : i32 to vector<16xi32>
          %add3A_281 = arith.addi %xor3A_275, %add3A_280 : vector<16xi32>
          %select_n3A_282 = arith.select %lt3A_278, %add3A_281, %xor3A_275 : vector<16xi1>, vector<16xi32>
          %broadcast_in_dim3A_283 = vector.shape_cast %select_n3A_282 : vector<16xi32> to vector<16x1xi32>
          %gather3A_284 = vector.shape_cast %broadcast_in_dim3A_283 : vector<16x1xi32> to vector<16xi32>
          %gather3A_285 = tpu.dynamic_gather %mul3A_159[%gather3A_284] in [0] : vector<16xf32>, vector<16xi32> -> vector<16xf32>
          %add3A_286 = arith.addf %mul3A_159, %gather3A_285 : vector<16xf32>
          %and3A_287 = arith.constant 1 : i32
          %and3A_288 = vector.broadcast %and3A_287 : i32 to vector<16xi32>
          %and3A_289 = arith.andi %iota3A, %and3A_288 : vector<16xi32>
          %eq3A_290 = arith.constant 0 : i32
          %eq3A_291 = vector.broadcast %eq3A_290 : i32 to vector<16xi32>
          %eq3A_292 = arith.cmpi eq, %and3A_289, %eq3A_291 : vector<16xi32>
          %select_n3A_293 = arith.select %eq3A_292, %add3A_271, %add3A_286 : vector<16xi1>, vector<16xf32>
          %iota3A_294 = tpu.iota {dimensions = array<i32: 0>} : vector<16xi32>
          %xor3A_295 = arith.constant 1 : i32
          %xor3A_296 = vector.broadcast %xor3A_295 : i32 to vector<16xi32>
          %xor3A_297 = arith.xori %iota3A_294, %xor3A_296 : vector<16xi32>
          %lt3A_298 = arith.constant 0 : i32
          %lt3A_299 = vector.broadcast %lt3A_298 : i32 to vector<16xi32>
          %lt3A_300 = arith.cmpi slt, %xor3A_297, %lt3A_299 : vector<16xi32>
          %add3A_301 = arith.constant 16 : i32
          %add3A_302 = vector.broadcast %add3A_301 : i32 to vector<16xi32>
          %add3A_303 = arith.addi %xor3A_297, %add3A_302 : vector<16xi32>
          %select_n3A_304 = arith.select %lt3A_300, %add3A_303, %xor3A_297 : vector<16xi1>, vector<16xi32>
          %broadcast_in_dim3A_305 = vector.shape_cast %select_n3A_304 : vector<16xi32> to vector<16x1xi32>
          %gather3A_306 = vector.shape_cast %broadcast_in_dim3A_305 : vector<16x1xi32> to vector<16xi32>
          %gather3A_307 = tpu.dynamic_gather %mul3A_175[%gather3A_306] in [0] : vector<16xf32>, vector<16xi32> -> vector<16xf32>
          %add3A_308 = arith.addf %mul3A_175, %gather3A_307 : vector<16xf32>
          %iota3A_309 = tpu.iota {dimensions = array<i32: 0>} : vector<16xi32>
          %xor3A_310 = arith.constant 1 : i32
          %xor3A_311 = vector.broadcast %xor3A_310 : i32 to vector<16xi32>
          %xor3A_312 = arith.xori %iota3A_309, %xor3A_311 : vector<16xi32>
          %lt3A_313 = arith.constant 0 : i32
          %lt3A_314 = vector.broadcast %lt3A_313 : i32 to vector<16xi32>
          %lt3A_315 = arith.cmpi slt, %xor3A_312, %lt3A_314 : vector<16xi32>
          %add3A_316 = arith.constant 16 : i32
          %add3A_317 = vector.broadcast %add3A_316 : i32 to vector<16xi32>
          %add3A_318 = arith.addi %xor3A_312, %add3A_317 : vector<16xi32>
          %select_n3A_319 = arith.select %lt3A_315, %add3A_318, %xor3A_312 : vector<16xi1>, vector<16xi32>
          %broadcast_in_dim3A_320 = vector.shape_cast %select_n3A_319 : vector<16xi32> to vector<16x1xi32>
          %gather3A_321 = vector.shape_cast %broadcast_in_dim3A_320 : vector<16x1xi32> to vector<16xi32>
          %gather3A_322 = tpu.dynamic_gather %mul3A_191[%gather3A_321] in [0] : vector<16xf32>, vector<16xi32> -> vector<16xf32>
          %add3A_323 = arith.addf %mul3A_191, %gather3A_322 : vector<16xf32>
          %and3A_324 = arith.constant 1 : i32
          %and3A_325 = vector.broadcast %and3A_324 : i32 to vector<16xi32>
          %and3A_326 = arith.andi %iota3A, %and3A_325 : vector<16xi32>
          %eq3A_327 = arith.constant 0 : i32
          %eq3A_328 = vector.broadcast %eq3A_327 : i32 to vector<16xi32>
          %eq3A_329 = arith.cmpi eq, %and3A_326, %eq3A_328 : vector<16xi32>
          %select_n3A_330 = arith.select %eq3A_329, %add3A_308, %add3A_323 : vector<16xi1>, vector<16xf32>
          %iota3A_331 = tpu.iota {dimensions = array<i32: 0>} : vector<16xi32>
          %xor3A_332 = arith.constant 1 : i32
          %xor3A_333 = vector.broadcast %xor3A_332 : i32 to vector<16xi32>
          %xor3A_334 = arith.xori %iota3A_331, %xor3A_333 : vector<16xi32>
          %lt3A_335 = arith.constant 0 : i32
          %lt3A_336 = vector.broadcast %lt3A_335 : i32 to vector<16xi32>
          %lt3A_337 = arith.cmpi slt, %xor3A_334, %lt3A_336 : vector<16xi32>
          %add3A_338 = arith.constant 16 : i32
          %add3A_339 = vector.broadcast %add3A_338 : i32 to vector<16xi32>
          %add3A_340 = arith.addi %xor3A_334, %add3A_339 : vector<16xi32>
          %select_n3A_341 = arith.select %lt3A_337, %add3A_340, %xor3A_334 : vector<16xi1>, vector<16xi32>
          %broadcast_in_dim3A_342 = vector.shape_cast %select_n3A_341 : vector<16xi32> to vector<16x1xi32>
          %gather3A_343 = vector.shape_cast %broadcast_in_dim3A_342 : vector<16x1xi32> to vector<16xi32>
          %gather3A_344 = tpu.dynamic_gather %mul3A_207[%gather3A_343] in [0] : vector<16xf32>, vector<16xi32> -> vector<16xf32>
          %add3A_345 = arith.addf %mul3A_207, %gather3A_344 : vector<16xf32>
          %iota3A_346 = tpu.iota {dimensions = array<i32: 0>} : vector<16xi32>
          %xor3A_347 = arith.constant 1 : i32
          %xor3A_348 = vector.broadcast %xor3A_347 : i32 to vector<16xi32>
          %xor3A_349 = arith.xori %iota3A_346, %xor3A_348 : vector<16xi32>
          %lt3A_350 = arith.constant 0 : i32
          %lt3A_351 = vector.broadcast %lt3A_350 : i32 to vector<16xi32>
          %lt3A_352 = arith.cmpi slt, %xor3A_349, %lt3A_351 : vector<16xi32>
          %add3A_353 = arith.constant 16 : i32
          %add3A_354 = vector.broadcast %add3A_353 : i32 to vector<16xi32>
          %add3A_355 = arith.addi %xor3A_349, %add3A_354 : vector<16xi32>
          %select_n3A_356 = arith.select %lt3A_352, %add3A_355, %xor3A_349 : vector<16xi1>, vector<16xi32>
          %broadcast_in_dim3A_357 = vector.shape_cast %select_n3A_356 : vector<16xi32> to vector<16x1xi32>
          %gather3A_358 = vector.shape_cast %broadcast_in_dim3A_357 : vector<16x1xi32> to vector<16xi32>
          %gather3A_359 = tpu.dynamic_gather %mul3A_223[%gather3A_358] in [0] : vector<16xf32>, vector<16xi32> -> vector<16xf32>
          %add3A_360 = arith.addf %mul3A_223, %gather3A_359 : vector<16xf32>
          %and3A_361 = arith.constant 1 : i32
          %and3A_362 = vector.broadcast %and3A_361 : i32 to vector<16xi32>
          %and3A_363 = arith.andi %iota3A, %and3A_362 : vector<16xi32>
          %eq3A_364 = arith.constant 0 : i32
          %eq3A_365 = vector.broadcast %eq3A_364 : i32 to vector<16xi32>
          %eq3A_366 = arith.cmpi eq, %and3A_363, %eq3A_365 : vector<16xi32>
          %select_n3A_367 = arith.select %eq3A_366, %add3A_345, %add3A_360 : vector<16xi1>, vector<16xf32>
          %iota3A_368 = tpu.iota {dimensions = array<i32: 0>} : vector<16xi32>
          %xor3A_369 = arith.constant 2 : i32
          %xor3A_370 = vector.broadcast %xor3A_369 : i32 to vector<16xi32>
          %xor3A_371 = arith.xori %iota3A_368, %xor3A_370 : vector<16xi32>
          %lt3A_372 = arith.constant 0 : i32
          %lt3A_373 = vector.broadcast %lt3A_372 : i32 to vector<16xi32>
          %lt3A_374 = arith.cmpi slt, %xor3A_371, %lt3A_373 : vector<16xi32>
          %add3A_375 = arith.constant 16 : i32
          %add3A_376 = vector.broadcast %add3A_375 : i32 to vector<16xi32>
          %add3A_377 = arith.addi %xor3A_371, %add3A_376 : vector<16xi32>
          %select_n3A_378 = arith.select %lt3A_374, %add3A_377, %xor3A_371 : vector<16xi1>, vector<16xi32>
          %broadcast_in_dim3A_379 = vector.shape_cast %select_n3A_378 : vector<16xi32> to vector<16x1xi32>
          %gather3A_380 = vector.shape_cast %broadcast_in_dim3A_379 : vector<16x1xi32> to vector<16xi32>
          %gather3A_381 = tpu.dynamic_gather %select_n3A_256[%gather3A_380] in [0] : vector<16xf32>, vector<16xi32> -> vector<16xf32>
          %add3A_382 = arith.addf %select_n3A_256, %gather3A_381 : vector<16xf32>
          %iota3A_383 = tpu.iota {dimensions = array<i32: 0>} : vector<16xi32>
          %xor3A_384 = arith.constant 2 : i32
          %xor3A_385 = vector.broadcast %xor3A_384 : i32 to vector<16xi32>
          %xor3A_386 = arith.xori %iota3A_383, %xor3A_385 : vector<16xi32>
          %lt3A_387 = arith.constant 0 : i32
          %lt3A_388 = vector.broadcast %lt3A_387 : i32 to vector<16xi32>
          %lt3A_389 = arith.cmpi slt, %xor3A_386, %lt3A_388 : vector<16xi32>
          %add3A_390 = arith.constant 16 : i32
          %add3A_391 = vector.broadcast %add3A_390 : i32 to vector<16xi32>
          %add3A_392 = arith.addi %xor3A_386, %add3A_391 : vector<16xi32>
          %select_n3A_393 = arith.select %lt3A_389, %add3A_392, %xor3A_386 : vector<16xi1>, vector<16xi32>
          %broadcast_in_dim3A_394 = vector.shape_cast %select_n3A_393 : vector<16xi32> to vector<16x1xi32>
          %gather3A_395 = vector.shape_cast %broadcast_in_dim3A_394 : vector<16x1xi32> to vector<16xi32>
          %gather3A_396 = tpu.dynamic_gather %select_n3A_293[%gather3A_395] in [0] : vector<16xf32>, vector<16xi32> -> vector<16xf32>
          %add3A_397 = arith.addf %select_n3A_293, %gather3A_396 : vector<16xf32>
          %iota3A_398 = tpu.iota {dimensions = array<i32: 0>} : vector<16xi32>
          %xor3A_399 = arith.constant 2 : i32
          %xor3A_400 = vector.broadcast %xor3A_399 : i32 to vector<16xi32>
          %xor3A_401 = arith.xori %iota3A_398, %xor3A_400 : vector<16xi32>
          %lt3A_402 = arith.constant 0 : i32
          %lt3A_403 = vector.broadcast %lt3A_402 : i32 to vector<16xi32>
          %lt3A_404 = arith.cmpi slt, %xor3A_401, %lt3A_403 : vector<16xi32>
          %add3A_405 = arith.constant 16 : i32
          %add3A_406 = vector.broadcast %add3A_405 : i32 to vector<16xi32>
          %add3A_407 = arith.addi %xor3A_401, %add3A_406 : vector<16xi32>
          %select_n3A_408 = arith.select %lt3A_404, %add3A_407, %xor3A_401 : vector<16xi1>, vector<16xi32>
          %broadcast_in_dim3A_409 = vector.shape_cast %select_n3A_408 : vector<16xi32> to vector<16x1xi32>
          %gather3A_410 = vector.shape_cast %broadcast_in_dim3A_409 : vector<16x1xi32> to vector<16xi32>
          %gather3A_411 = tpu.dynamic_gather %select_n3A_330[%gather3A_410] in [0] : vector<16xf32>, vector<16xi32> -> vector<16xf32>
          %add3A_412 = arith.addf %select_n3A_330, %gather3A_411 : vector<16xf32>
          %iota3A_413 = tpu.iota {dimensions = array<i32: 0>} : vector<16xi32>
          %xor3A_414 = arith.constant 2 : i32
          %xor3A_415 = vector.broadcast %xor3A_414 : i32 to vector<16xi32>
          %xor3A_416 = arith.xori %iota3A_413, %xor3A_415 : vector<16xi32>
          %lt3A_417 = arith.constant 0 : i32
          %lt3A_418 = vector.broadcast %lt3A_417 : i32 to vector<16xi32>
          %lt3A_419 = arith.cmpi slt, %xor3A_416, %lt3A_418 : vector<16xi32>
          %add3A_420 = arith.constant 16 : i32
          %add3A_421 = vector.broadcast %add3A_420 : i32 to vector<16xi32>
          %add3A_422 = arith.addi %xor3A_416, %add3A_421 : vector<16xi32>
          %select_n3A_423 = arith.select %lt3A_419, %add3A_422, %xor3A_416 : vector<16xi1>, vector<16xi32>
          %broadcast_in_dim3A_424 = vector.shape_cast %select_n3A_423 : vector<16xi32> to vector<16x1xi32>
          %gather3A_425 = vector.shape_cast %broadcast_in_dim3A_424 : vector<16x1xi32> to vector<16xi32>
          %gather3A_426 = tpu.dynamic_gather %select_n3A_367[%gather3A_425] in [0] : vector<16xf32>, vector<16xi32> -> vector<16xf32>
          %add3A_427 = arith.addf %select_n3A_367, %gather3A_426 : vector<16xf32>
          %and3A_428 = arith.constant 2 : i32
          %and3A_429 = vector.broadcast %and3A_428 : i32 to vector<16xi32>
          %and3A_430 = arith.andi %iota3A, %and3A_429 : vector<16xi32>
          %eq3A_431 = arith.constant 0 : i32
          %eq3A_432 = vector.broadcast %eq3A_431 : i32 to vector<16xi32>
          %eq3A_433 = arith.cmpi eq, %and3A_430, %eq3A_432 : vector<16xi32>
          %select_n3A_434 = arith.select %eq3A_433, %add3A_382, %add3A_397 : vector<16xi1>, vector<16xf32>
          %and3A_435 = arith.constant 2 : i32
          %and3A_436 = vector.broadcast %and3A_435 : i32 to vector<16xi32>
          %and3A_437 = arith.andi %iota3A, %and3A_436 : vector<16xi32>
          %eq3A_438 = arith.constant 0 : i32
          %eq3A_439 = vector.broadcast %eq3A_438 : i32 to vector<16xi32>
          %eq3A_440 = arith.cmpi eq, %and3A_437, %eq3A_439 : vector<16xi32>
          %select_n3A_441 = arith.select %eq3A_440, %add3A_412, %add3A_427 : vector<16xi1>, vector<16xf32>
          %iota3A_442 = tpu.iota {dimensions = array<i32: 0>} : vector<16xi32>
          %xor3A_443 = arith.constant 4 : i32
          %xor3A_444 = vector.broadcast %xor3A_443 : i32 to vector<16xi32>
          %xor3A_445 = arith.xori %iota3A_442, %xor3A_444 : vector<16xi32>
          %lt3A_446 = arith.constant 0 : i32
          %lt3A_447 = vector.broadcast %lt3A_446 : i32 to vector<16xi32>
          %lt3A_448 = arith.cmpi slt, %xor3A_445, %lt3A_447 : vector<16xi32>
          %add3A_449 = arith.constant 16 : i32
          %add3A_450 = vector.broadcast %add3A_449 : i32 to vector<16xi32>
          %add3A_451 = arith.addi %xor3A_445, %add3A_450 : vector<16xi32>
          %select_n3A_452 = arith.select %lt3A_448, %add3A_451, %xor3A_445 : vector<16xi1>, vector<16xi32>
          %broadcast_in_dim3A_453 = vector.shape_cast %select_n3A_452 : vector<16xi32> to vector<16x1xi32>
          %gather3A_454 = vector.shape_cast %broadcast_in_dim3A_453 : vector<16x1xi32> to vector<16xi32>
          %gather3A_455 = tpu.dynamic_gather %select_n3A_434[%gather3A_454] in [0] : vector<16xf32>, vector<16xi32> -> vector<16xf32>
          %add3A_456 = arith.addf %select_n3A_434, %gather3A_455 : vector<16xf32>
          %iota3A_457 = tpu.iota {dimensions = array<i32: 0>} : vector<16xi32>
          %xor3A_458 = arith.constant 4 : i32
          %xor3A_459 = vector.broadcast %xor3A_458 : i32 to vector<16xi32>
          %xor3A_460 = arith.xori %iota3A_457, %xor3A_459 : vector<16xi32>
          %lt3A_461 = arith.constant 0 : i32
          %lt3A_462 = vector.broadcast %lt3A_461 : i32 to vector<16xi32>
          %lt3A_463 = arith.cmpi slt, %xor3A_460, %lt3A_462 : vector<16xi32>
          %add3A_464 = arith.constant 16 : i32
          %add3A_465 = vector.broadcast %add3A_464 : i32 to vector<16xi32>
          %add3A_466 = arith.addi %xor3A_460, %add3A_465 : vector<16xi32>
          %select_n3A_467 = arith.select %lt3A_463, %add3A_466, %xor3A_460 : vector<16xi1>, vector<16xi32>
          %broadcast_in_dim3A_468 = vector.shape_cast %select_n3A_467 : vector<16xi32> to vector<16x1xi32>
          %gather3A_469 = vector.shape_cast %broadcast_in_dim3A_468 : vector<16x1xi32> to vector<16xi32>
          %gather3A_470 = tpu.dynamic_gather %select_n3A_441[%gather3A_469] in [0] : vector<16xf32>, vector<16xi32> -> vector<16xf32>
          %add3A_471 = arith.addf %select_n3A_441, %gather3A_470 : vector<16xf32>
          %and3A_472 = arith.constant 4 : i32
          %and3A_473 = vector.broadcast %and3A_472 : i32 to vector<16xi32>
          %and3A_474 = arith.andi %iota3A, %and3A_473 : vector<16xi32>
          %eq3A_475 = arith.constant 0 : i32
          %eq3A_476 = vector.broadcast %eq3A_475 : i32 to vector<16xi32>
          %eq3A_477 = arith.cmpi eq, %and3A_474, %eq3A_476 : vector<16xi32>
          %select_n3A_478 = arith.select %eq3A_477, %add3A_456, %add3A_471 : vector<16xi1>, vector<16xf32>
          %iota3A_479 = tpu.iota {dimensions = array<i32: 0>} : vector<16xi32>
          %xor3A_480 = arith.constant 8 : i32
          %xor3A_481 = vector.broadcast %xor3A_480 : i32 to vector<16xi32>
          %xor3A_482 = arith.xori %iota3A_479, %xor3A_481 : vector<16xi32>
          %lt3A_483 = arith.constant 0 : i32
          %lt3A_484 = vector.broadcast %lt3A_483 : i32 to vector<16xi32>
          %lt3A_485 = arith.cmpi slt, %xor3A_482, %lt3A_484 : vector<16xi32>
          %add3A_486 = arith.constant 16 : i32
          %add3A_487 = vector.broadcast %add3A_486 : i32 to vector<16xi32>
          %add3A_488 = arith.addi %xor3A_482, %add3A_487 : vector<16xi32>
          %select_n3A_489 = arith.select %lt3A_485, %add3A_488, %xor3A_482 : vector<16xi1>, vector<16xi32>
          %broadcast_in_dim3A_490 = vector.shape_cast %select_n3A_489 : vector<16xi32> to vector<16x1xi32>
          %gather3A_491 = vector.shape_cast %broadcast_in_dim3A_490 : vector<16x1xi32> to vector<16xi32>
          %gather3A_492 = tpu.dynamic_gather %select_n3A_478[%gather3A_491] in [0] : vector<16xf32>, vector<16xi32> -> vector<16xf32>
          %add3A_493 = arith.addf %select_n3A_478, %gather3A_492 : vector<16xf32>
          %exp3A = math.exp %add3A_493 : vector<16xf32>
          %broadcast_in_dim3A_494 = arith.constant 0 : i32
          %broadcast_in_dim3A_495 = vector.broadcast %broadcast_in_dim3A_494 : i32 to vector<16xi32>
          %lt3A_496 = arith.constant 0 : i32
          %lt3A_497 = vector.broadcast %lt3A_496 : i32 to vector<16xi32>
          %lt3A_498 = arith.cmpi slt, %broadcast_in_dim3A_495, %lt3A_497 : vector<16xi32>
          %add3A_499 = arith.constant 16 : i32
          %add3A_500 = vector.broadcast %add3A_499 : i32 to vector<16xi32>
          %add3A_501 = arith.addi %broadcast_in_dim3A_495, %add3A_500 : vector<16xi32>
          %select_n3A_502 = arith.select %lt3A_498, %add3A_501, %broadcast_in_dim3A_495 : vector<16xi1>, vector<16xi32>
          %broadcast_in_dim3A_503 = vector.shape_cast %select_n3A_502 : vector<16xi32> to vector<16x1xi32>
          %gather3A_504 = vector.shape_cast %broadcast_in_dim3A_503 : vector<16x1xi32> to vector<16xi32>
          %gather3A_505 = tpu.dynamic_gather %exp3A[%gather3A_504] in [0] : vector<16xf32>, vector<16xi32> -> vector<16xf32>
          %mul3A_506 = arith.mulf %gather3A_505, %get3A_100 : vector<16xf32>
          %swap3A = arith.index_cast %scan3A_87 : i32 to index
          %swap3A_507 = arith.constant 0 : index
          %swap3A_508 = tpu.vector_load %arg16[%swap3A, %swap3A_507] {strides = array<i32>} : memref<80x128xf32, #tpu.memory_space<vmem>>, vector<16xf32>,
          tpu.vector_store %arg16[%swap3A, %swap3A_507], %mul3A_506 {strides = array<i32>} : memref<80x128xf32, #tpu.memory_space<vmem>>, vector<16xf32>,
          %broadcast_in_dim3A_509 = arith.constant 1 : i32
          %broadcast_in_dim3A_510 = vector.broadcast %broadcast_in_dim3A_509 : i32 to vector<16xi32>
          %lt3A_511 = arith.constant 0 : i32
          %lt3A_512 = vector.broadcast %lt3A_511 : i32 to vector<16xi32>
          %lt3A_513 = arith.cmpi slt, %broadcast_in_dim3A_510, %lt3A_512 : vector<16xi32>
          %add3A_514 = arith.constant 16 : i32
          %add3A_515 = vector.broadcast %add3A_514 : i32 to vector<16xi32>
          %add3A_516 = arith.addi %broadcast_in_dim3A_510, %add3A_515 : vector<16xi32>
          %select_n3A_517 = arith.select %lt3A_513, %add3A_516, %broadcast_in_dim3A_510 : vector<16xi1>, vector<16xi32>
          %broadcast_in_dim3A_518 = vector.shape_cast %select_n3A_517 : vector<16xi32> to vector<16x1xi32>
          %gather3A_519 = vector.shape_cast %broadcast_in_dim3A_518 : vector<16x1xi32> to vector<16xi32>
          %gather3A_520 = tpu.dynamic_gather %exp3A[%gather3A_519] in [0] : vector<16xf32>, vector<16xi32> -> vector<16xf32>
          %mul3A_521 = arith.mulf %gather3A_520, %get3A_114 : vector<16xf32>
          %swap3A_522 = arith.index_cast %scan3A_87 : i32 to index
          %swap3A_523 = arith.constant 16 : index
          %swap3A_524 = tpu.vector_load %arg16[%swap3A_522, %swap3A_523] {strides = array<i32>} : memref<80x128xf32, #tpu.memory_space<vmem>>, vector<16xf32>,
          tpu.vector_store %arg16[%swap3A_522, %swap3A_523], %mul3A_521 {strides = array<i32>} : memref<80x128xf32, #tpu.memory_space<vmem>>, vector<16xf32>,
          %broadcast_in_dim3A_525 = arith.constant 2 : i32
          %broadcast_in_dim3A_526 = vector.broadcast %broadcast_in_dim3A_525 : i32 to vector<16xi32>
          %lt3A_527 = arith.constant 0 : i32
          %lt3A_528 = vector.broadcast %lt3A_527 : i32 to vector<16xi32>
          %lt3A_529 = arith.cmpi slt, %broadcast_in_dim3A_526, %lt3A_528 : vector<16xi32>
          %add3A_530 = arith.constant 16 : i32
          %add3A_531 = vector.broadcast %add3A_530 : i32 to vector<16xi32>
          %add3A_532 = arith.addi %broadcast_in_dim3A_526, %add3A_531 : vector<16xi32>
          %select_n3A_533 = arith.select %lt3A_529, %add3A_532, %broadcast_in_dim3A_526 : vector<16xi1>, vector<16xi32>
          %broadcast_in_dim3A_534 = vector.shape_cast %select_n3A_533 : vector<16xi32> to vector<16x1xi32>
          %gather3A_535 = vector.shape_cast %broadcast_in_dim3A_534 : vector<16x1xi32> to vector<16xi32>
          %gather3A_536 = tpu.dynamic_gather %exp3A[%gather3A_535] in [0] : vector<16xf32>, vector<16xi32> -> vector<16xf32>
          %mul3A_537 = arith.mulf %gather3A_536, %get3A_130 : vector<16xf32>
          %swap3A_538 = arith.index_cast %scan3A_87 : i32 to index
          %swap3A_539 = arith.constant 32 : index
          %swap3A_540 = tpu.vector_load %arg16[%swap3A_538, %swap3A_539] {strides = array<i32>} : memref<80x128xf32, #tpu.memory_space<vmem>>, vector<16xf32>,
          tpu.vector_store %arg16[%swap3A_538, %swap3A_539], %mul3A_537 {strides = array<i32>} : memref<80x128xf32, #tpu.memory_space<vmem>>, vector<16xf32>,
          %broadcast_in_dim3A_541 = arith.constant 3 : i32
          %broadcast_in_dim3A_542 = vector.broadcast %broadcast_in_dim3A_541 : i32 to vector<16xi32>
          %lt3A_543 = arith.constant 0 : i32
          %lt3A_544 = vector.broadcast %lt3A_543 : i32 to vector<16xi32>
          %lt3A_545 = arith.cmpi slt, %broadcast_in_dim3A_542, %lt3A_544 : vector<16xi32>
          %add3A_546 = arith.constant 16 : i32
          %add3A_547 = vector.broadcast %add3A_546 : i32 to vector<16xi32>
          %add3A_548 = arith.addi %broadcast_in_dim3A_542, %add3A_547 : vector<16xi32>
          %select_n3A_549 = arith.select %lt3A_545, %add3A_548, %broadcast_in_dim3A_542 : vector<16xi1>, vector<16xi32>
          %broadcast_in_dim3A_550 = vector.shape_cast %select_n3A_549 : vector<16xi32> to vector<16x1xi32>
          %gather3A_551 = vector.shape_cast %broadcast_in_dim3A_550 : vector<16x1xi32> to vector<16xi32>
          %gather3A_552 = tpu.dynamic_gather %exp3A[%gather3A_551] in [0] : vector<16xf32>, vector<16xi32> -> vector<16xf32>
          %mul3A_553 = arith.mulf %gather3A_552, %get3A_146 : vector<16xf32>
          %swap3A_554 = arith.index_cast %scan3A_87 : i32 to index
          %swap3A_555 = arith.constant 48 : index
          %swap3A_556 = tpu.vector_load %arg16[%swap3A_554, %swap3A_555] {strides = array<i32>} : memref<80x128xf32, #tpu.memory_space<vmem>>, vector<16xf32>,
          tpu.vector_store %arg16[%swap3A_554, %swap3A_555], %mul3A_553 {strides = array<i32>} : memref<80x128xf32, #tpu.memory_space<vmem>>, vector<16xf32>,
          %broadcast_in_dim3A_557 = arith.constant 4 : i32
          %broadcast_in_dim3A_558 = vector.broadcast %broadcast_in_dim3A_557 : i32 to vector<16xi32>
          %lt3A_559 = arith.constant 0 : i32
          %lt3A_560 = vector.broadcast %lt3A_559 : i32 to vector<16xi32>
          %lt3A_561 = arith.cmpi slt, %broadcast_in_dim3A_558, %lt3A_560 : vector<16xi32>
          %add3A_562 = arith.constant 16 : i32
          %add3A_563 = vector.broadcast %add3A_562 : i32 to vector<16xi32>
          %add3A_564 = arith.addi %broadcast_in_dim3A_558, %add3A_563 : vector<16xi32>
          %select_n3A_565 = arith.select %lt3A_561, %add3A_564, %broadcast_in_dim3A_558 : vector<16xi1>, vector<16xi32>
          %broadcast_in_dim3A_566 = vector.shape_cast %select_n3A_565 : vector<16xi32> to vector<16x1xi32>
          %gather3A_567 = vector.shape_cast %broadcast_in_dim3A_566 : vector<16x1xi32> to vector<16xi32>
          %gather3A_568 = tpu.dynamic_gather %exp3A[%gather3A_567] in [0] : vector<16xf32>, vector<16xi32> -> vector<16xf32>
          %mul3A_569 = arith.mulf %gather3A_568, %get3A_162 : vector<16xf32>
          %swap3A_570 = arith.index_cast %scan3A_87 : i32 to index
          %swap3A_571 = arith.constant 64 : index
          %swap3A_572 = tpu.vector_load %arg16[%swap3A_570, %swap3A_571] {strides = array<i32>} : memref<80x128xf32, #tpu.memory_space<vmem>>, vector<16xf32>,
          tpu.vector_store %arg16[%swap3A_570, %swap3A_571], %mul3A_569 {strides = array<i32>} : memref<80x128xf32, #tpu.memory_space<vmem>>, vector<16xf32>,
          %broadcast_in_dim3A_573 = arith.constant 5 : i32
          %broadcast_in_dim3A_574 = vector.broadcast %broadcast_in_dim3A_573 : i32 to vector<16xi32>
          %lt3A_575 = arith.constant 0 : i32
          %lt3A_576 = vector.broadcast %lt3A_575 : i32 to vector<16xi32>
          %lt3A_577 = arith.cmpi slt, %broadcast_in_dim3A_574, %lt3A_576 : vector<16xi32>
          %add3A_578 = arith.constant 16 : i32
          %add3A_579 = vector.broadcast %add3A_578 : i32 to vector<16xi32>
          %add3A_580 = arith.addi %broadcast_in_dim3A_574, %add3A_579 : vector<16xi32>
          %select_n3A_581 = arith.select %lt3A_577, %add3A_580, %broadcast_in_dim3A_574 : vector<16xi1>, vector<16xi32>
          %broadcast_in_dim3A_582 = vector.shape_cast %select_n3A_581 : vector<16xi32> to vector<16x1xi32>
          %gather3A_583 = vector.shape_cast %broadcast_in_dim3A_582 : vector<16x1xi32> to vector<16xi32>
          %gather3A_584 = tpu.dynamic_gather %exp3A[%gather3A_583] in [0] : vector<16xf32>, vector<16xi32> -> vector<16xf32>
          %mul3A_585 = arith.mulf %gather3A_584, %get3A_178 : vector<16xf32>
          %swap3A_586 = arith.index_cast %scan3A_87 : i32 to index
          %swap3A_587 = arith.constant 80 : index
          %swap3A_588 = tpu.vector_load %arg16[%swap3A_586, %swap3A_587] {strides = array<i32>} : memref<80x128xf32, #tpu.memory_space<vmem>>, vector<16xf32>,
          tpu.vector_store %arg16[%swap3A_586, %swap3A_587], %mul3A_585 {strides = array<i32>} : memref<80x128xf32, #tpu.memory_space<vmem>>, vector<16xf32>,
          %broadcast_in_dim3A_589 = arith.constant 6 : i32
          %broadcast_in_dim3A_590 = vector.broadcast %broadcast_in_dim3A_589 : i32 to vector<16xi32>
          %lt3A_591 = arith.constant 0 : i32
          %lt3A_592 = vector.broadcast %lt3A_591 : i32 to vector<16xi32>
          %lt3A_593 = arith.cmpi slt, %broadcast_in_dim3A_590, %lt3A_592 : vector<16xi32>
          %add3A_594 = arith.constant 16 : i32
          %add3A_595 = vector.broadcast %add3A_594 : i32 to vector<16xi32>
          %add3A_596 = arith.addi %broadcast_in_dim3A_590, %add3A_595 : vector<16xi32>
          %select_n3A_597 = arith.select %lt3A_593, %add3A_596, %broadcast_in_dim3A_590 : vector<16xi1>, vector<16xi32>
          %broadcast_in_dim3A_598 = vector.shape_cast %select_n3A_597 : vector<16xi32> to vector<16x1xi32>
          %gather3A_599 = vector.shape_cast %broadcast_in_dim3A_598 : vector<16x1xi32> to vector<16xi32>
          %gather3A_600 = tpu.dynamic_gather %exp3A[%gather3A_599] in [0] : vector<16xf32>, vector<16xi32> -> vector<16xf32>
          %mul3A_601 = arith.mulf %gather3A_600, %get3A_194 : vector<16xf32>
          %swap3A_602 = arith.index_cast %scan3A_87 : i32 to index
          %swap3A_603 = arith.constant 96 : index
          %swap3A_604 = tpu.vector_load %arg16[%swap3A_602, %swap3A_603] {strides = array<i32>} : memref<80x128xf32, #tpu.memory_space<vmem>>, vector<16xf32>,
          tpu.vector_store %arg16[%swap3A_602, %swap3A_603], %mul3A_601 {strides = array<i32>} : memref<80x128xf32, #tpu.memory_space<vmem>>, vector<16xf32>,
          %broadcast_in_dim3A_605 = arith.constant 7 : i32
          %broadcast_in_dim3A_606 = vector.broadcast %broadcast_in_dim3A_605 : i32 to vector<16xi32>
          %lt3A_607 = arith.constant 0 : i32
          %lt3A_608 = vector.broadcast %lt3A_607 : i32 to vector<16xi32>
          %lt3A_609 = arith.cmpi slt, %broadcast_in_dim3A_606, %lt3A_608 : vector<16xi32>
          %add3A_610 = arith.constant 16 : i32
          %add3A_611 = vector.broadcast %add3A_610 : i32 to vector<16xi32>
          %add3A_612 = arith.addi %broadcast_in_dim3A_606, %add3A_611 : vector<16xi32>
          %select_n3A_613 = arith.select %lt3A_609, %add3A_612, %broadcast_in_dim3A_606 : vector<16xi1>, vector<16xi32>
          %broadcast_in_dim3A_614 = vector.shape_cast %select_n3A_613 : vector<16xi32> to vector<16x1xi32>
          %gather3A_615 = vector.shape_cast %broadcast_in_dim3A_614 : vector<16x1xi32> to vector<16xi32>
          %gather3A_616 = tpu.dynamic_gather %exp3A[%gather3A_615] in [0] : vector<16xf32>, vector<16xi32> -> vector<16xf32>
          %mul3A_617 = arith.mulf %gather3A_616, %get3A_210 : vector<16xf32>
          %swap3A_618 = arith.index_cast %scan3A_87 : i32 to index
          %swap3A_619 = arith.constant 112 : index
          %swap3A_620 = tpu.vector_load %arg16[%swap3A_618, %swap3A_619] {strides = array<i32>} : memref<80x128xf32, #tpu.memory_space<vmem>>, vector<16xf32>,
          tpu.vector_store %arg16[%swap3A_618, %swap3A_619], %mul3A_617 {strides = array<i32>} : memref<80x128xf32, #tpu.memory_space<vmem>>, vector<16xf32>,
          %ge3A = arith.constant 8 : i32
          %ge3A_621 = vector.broadcast %ge3A : i32 to vector<16xi32>
          %ge3A_622 = arith.cmpi sge, %iota3A, %ge3A_621 : vector<16xi32>
          %eq3A_623 = arith.constant 8 : i32
          %eq3A_624 = vector.broadcast %eq3A_623 : i32 to vector<16xi32>
          %eq3A_625 = arith.cmpi eq, %mul3A_93, %eq3A_624 : vector<16xi32>
          %eq3A_626 = arith.xori %ge3A_622, %eq3A_625 : vector<16xi1>
          %eq3A_627 = arith.constant dense<true> : vector<16xi1>
          %eq3A_628 = arith.xori %eq3A_626, %eq3A_627 : vector<16xi1>
          %jit3A = arith.constant 0.000000e+00 : f32
          %broadcast_in_dim3A_629 = vector.broadcast %jit3A : f32 to vector<16xf32>
          %select_n3A_630 = arith.select %eq3A_628, %exp3A, %broadcast_in_dim3A_629 : vector<16xi1>, vector<16xf32>
          %eq3A_631 = arith.constant 0 : i32
          %eq3A_632 = vector.broadcast %eq3A_631 : i32 to vector<16xi32>
          %eq3A_633 = arith.cmpi eq, %and3A_98, %eq3A_632 : vector<16xi32>
          %jit3A_634 = arith.constant 0.000000e+00 : f32
          %broadcast_in_dim3A_635 = vector.broadcast %jit3A_634 : f32 to vector<16xf32>
          %select_n3A_636 = arith.select %eq3A_633, %select_n3A_630, %broadcast_in_dim3A_635 : vector<16xi1>, vector<16xf32>
          %swap3A_637 = arith.index_cast %scan3A_87 : i32 to index
          %swap3A_638 = arith.constant 0 : index
          %swap3A_639 = tpu.vector_load %arg15[%swap3A_637, %swap3A_638] {strides = array<i32>} : memref<80x128xf32, #tpu.memory_space<vmem>>, vector<16xf32>,
          tpu.vector_store %arg15[%swap3A_637, %swap3A_638], %select_n3A_636 {strides = array<i32>} : memref<80x128xf32, #tpu.memory_space<vmem>>, vector<16xf32>,
          %eq3A_640 = arith.constant 1 : i32
          %eq3A_641 = vector.broadcast %eq3A_640 : i32 to vector<16xi32>
          %eq3A_642 = arith.cmpi eq, %and3A_98, %eq3A_641 : vector<16xi32>
          %jit3A_643 = arith.constant 0.000000e+00 : f32
          %broadcast_in_dim3A_644 = vector.broadcast %jit3A_643 : f32 to vector<16xf32>
          %select_n3A_645 = arith.select %eq3A_642, %select_n3A_630, %broadcast_in_dim3A_644 : vector<16xi1>, vector<16xf32>
          %swap3A_646 = arith.index_cast %scan3A_87 : i32 to index
          %swap3A_647 = arith.constant 16 : index
          %swap3A_648 = tpu.vector_load %arg15[%swap3A_646, %swap3A_647] {strides = array<i32>} : memref<80x128xf32, #tpu.memory_space<vmem>>, vector<16xf32>,
          tpu.vector_store %arg15[%swap3A_646, %swap3A_647], %select_n3A_645 {strides = array<i32>} : memref<80x128xf32, #tpu.memory_space<vmem>>, vector<16xf32>,
          %eq3A_649 = arith.constant 2 : i32
          %eq3A_650 = vector.broadcast %eq3A_649 : i32 to vector<16xi32>
          %eq3A_651 = arith.cmpi eq, %and3A_98, %eq3A_650 : vector<16xi32>
          %jit3A_652 = arith.constant 0.000000e+00 : f32
          %broadcast_in_dim3A_653 = vector.broadcast %jit3A_652 : f32 to vector<16xf32>
          %select_n3A_654 = arith.select %eq3A_651, %select_n3A_630, %broadcast_in_dim3A_653 : vector<16xi1>, vector<16xf32>
          %swap3A_655 = arith.index_cast %scan3A_87 : i32 to index
          %swap3A_656 = arith.constant 32 : index
          %swap3A_657 = tpu.vector_load %arg15[%swap3A_655, %swap3A_656] {strides = array<i32>} : memref<80x128xf32, #tpu.memory_space<vmem>>, vector<16xf32>,
          tpu.vector_store %arg15[%swap3A_655, %swap3A_656], %select_n3A_654 {strides = array<i32>} : memref<80x128xf32, #tpu.memory_space<vmem>>, vector<16xf32>,
          %eq3A_658 = arith.constant 3 : i32
          %eq3A_659 = vector.broadcast %eq3A_658 : i32 to vector<16xi32>
          %eq3A_660 = arith.cmpi eq, %and3A_98, %eq3A_659 : vector<16xi32>
          %jit3A_661 = arith.constant 0.000000e+00 : f32
          %broadcast_in_dim3A_662 = vector.broadcast %jit3A_661 : f32 to vector<16xf32>
          %select_n3A_663 = arith.select %eq3A_660, %select_n3A_630, %broadcast_in_dim3A_662 : vector<16xi1>, vector<16xf32>
          %swap3A_664 = arith.index_cast %scan3A_87 : i32 to index
          %swap3A_665 = arith.constant 48 : index
          %swap3A_666 = tpu.vector_load %arg15[%swap3A_664, %swap3A_665] {strides = array<i32>} : memref<80x128xf32, #tpu.memory_space<vmem>>, vector<16xf32>,
          tpu.vector_store %arg15[%swap3A_664, %swap3A_665], %select_n3A_663 {strides = array<i32>} : memref<80x128xf32, #tpu.memory_space<vmem>>, vector<16xf32>,
          %eq3A_667 = arith.constant 4 : i32
          %eq3A_668 = vector.broadcast %eq3A_667 : i32 to vector<16xi32>
          %eq3A_669 = arith.cmpi eq, %and3A_98, %eq3A_668 : vector<16xi32>
          %jit3A_670 = arith.constant 0.000000e+00 : f32
          %broadcast_in_dim3A_671 = vector.broadcast %jit3A_670 : f32 to vector<16xf32>
          %select_n3A_672 = arith.select %eq3A_669, %select_n3A_630, %broadcast_in_dim3A_671 : vector<16xi1>, vector<16xf32>
          %swap3A_673 = arith.index_cast %scan3A_87 : i32 to index
          %swap3A_674 = arith.constant 64 : index
          %swap3A_675 = tpu.vector_load %arg15[%swap3A_673, %swap3A_674] {strides = array<i32>} : memref<80x128xf32, #tpu.memory_space<vmem>>, vector<16xf32>,
          tpu.vector_store %arg15[%swap3A_673, %swap3A_674], %select_n3A_672 {strides = array<i32>} : memref<80x128xf32, #tpu.memory_space<vmem>>, vector<16xf32>,
          %eq3A_676 = arith.constant 5 : i32
          %eq3A_677 = vector.broadcast %eq3A_676 : i32 to vector<16xi32>
          %eq3A_678 = arith.cmpi eq, %and3A_98, %eq3A_677 : vector<16xi32>
          %jit3A_679 = arith.constant 0.000000e+00 : f32
          %broadcast_in_dim3A_680 = vector.broadcast %jit3A_679 : f32 to vector<16xf32>
          %select_n3A_681 = arith.select %eq3A_678, %select_n3A_630, %broadcast_in_dim3A_680 : vector<16xi1>, vector<16xf32>
          %swap3A_682 = arith.index_cast %scan3A_87 : i32 to index
          %swap3A_683 = arith.constant 80 : index
          %swap3A_684 = tpu.vector_load %arg15[%swap3A_682, %swap3A_683] {strides = array<i32>} : memref<80x128xf32, #tpu.memory_space<vmem>>, vector<16xf32>,
          tpu.vector_store %arg15[%swap3A_682, %swap3A_683], %select_n3A_681 {strides = array<i32>} : memref<80x128xf32, #tpu.memory_space<vmem>>, vector<16xf32>,
          %eq3A_685 = arith.constant 6 : i32
          %eq3A_686 = vector.broadcast %eq3A_685 : i32 to vector<16xi32>
          %eq3A_687 = arith.cmpi eq, %and3A_98, %eq3A_686 : vector<16xi32>
          %jit3A_688 = arith.constant 0.000000e+00 : f32
          %broadcast_in_dim3A_689 = vector.broadcast %jit3A_688 : f32 to vector<16xf32>
          %select_n3A_690 = arith.select %eq3A_687, %select_n3A_630, %broadcast_in_dim3A_689 : vector<16xi1>, vector<16xf32>
          %swap3A_691 = arith.index_cast %scan3A_87 : i32 to index
          %swap3A_692 = arith.constant 96 : index
          %swap3A_693 = tpu.vector_load %arg15[%swap3A_691, %swap3A_692] {strides = array<i32>} : memref<80x128xf32, #tpu.memory_space<vmem>>, vector<16xf32>,
          tpu.vector_store %arg15[%swap3A_691, %swap3A_692], %select_n3A_690 {strides = array<i32>} : memref<80x128xf32, #tpu.memory_space<vmem>>, vector<16xf32>,
          %eq3A_694 = arith.constant 7 : i32
          %eq3A_695 = vector.broadcast %eq3A_694 : i32 to vector<16xi32>
          %eq3A_696 = arith.cmpi eq, %and3A_98, %eq3A_695 : vector<16xi32>
          %jit3A_697 = arith.constant 0.000000e+00 : f32
          %broadcast_in_dim3A_698 = vector.broadcast %jit3A_697 : f32 to vector<16xf32>
          %select_n3A_699 = arith.select %eq3A_696, %select_n3A_630, %broadcast_in_dim3A_698 : vector<16xi1>, vector<16xf32>
          %swap3A_700 = arith.index_cast %scan3A_87 : i32 to index
          %swap3A_701 = arith.constant 112 : index
          %swap3A_702 = tpu.vector_load %arg15[%swap3A_700, %swap3A_701] {strides = array<i32>} : memref<80x128xf32, #tpu.memory_space<vmem>>, vector<16xf32>,
          tpu.vector_store %arg15[%swap3A_700, %swap3A_701], %select_n3A_699 {strides = array<i32>} : memref<80x128xf32, #tpu.memory_space<vmem>>, vector<16xf32>,
        }
        %scan3A_62 = arith.constant 80 : i32
        %dma_start3A_63 = arith.constant 0 : i32
        %dma_start3A_64 = tpu.memref_slice %arg11[%scan3A_35, %dma_start3A_63] : memref<5x80xi32, #tpu.memory_space<vmem>> -> memref<1x80xi32, #tpu.memory_space<vmem>>
        %dma_start3A_65 = tpu.memref_squeeze %dma_start3A_64 : memref<1x80xi32, #tpu.memory_space<vmem>> -> memref<80xi32, #tpu.memory_space<vmem>>
        %dma_start3A_66 = arith.constant 0 : i32
        %dma_start3A_67 = arith.constant 0 : i32
        %dma_start3A_68 = tpu.memref_slice %arg18[%dma_start3A_66, %dma_start3A_67] : memref<10112x128xf32, #tpu.memory_space<vmem_shared>> -> memref<10112x128xf32, #tpu.memory_space<vmem_shared>>
        tpu.enqueue_indirect_dma source(%arg16 : memref<80x128xf32, #tpu.memory_space<vmem>>) target(%dma_start3A_68 : memref<10112x128xf32, #tpu.memory_space<vmem_shared>>) offsets(%dma_start3A_65 : memref<80xi32, #tpu.memory_space<vmem>>) semaphore(%arg20 : memref<!tpu.dma_semaphore, #tpu.memory_space<semaphore_mem>>) {add = true}
        %dma_start3A_69 = arith.constant 0 : i32
        %dma_start3A_70 = tpu.memref_slice %arg13[%scan3A_35, %dma_start3A_69] : memref<5x80xi32, #tpu.memory_space<vmem>> -> memref<1x80xi32, #tpu.memory_space<vmem>>
        %dma_start3A_71 = tpu.memref_squeeze %dma_start3A_70 : memref<1x80xi32, #tpu.memory_space<vmem>> -> memref<80xi32, #tpu.memory_space<vmem>>
        %dma_start3A_72 = arith.constant 0 : i32
        %dma_start3A_73 = arith.constant 0 : i32
        %dma_start3A_74 = tpu.memref_slice %arg19[%dma_start3A_72, %dma_start3A_73] : memref<640x128xf32, #tpu.memory_space<vmem_shared>> -> memref<640x128xf32, #tpu.memory_space<vmem_shared>>
        tpu.enqueue_indirect_dma source(%arg15 : memref<80x128xf32, #tpu.memory_space<vmem>>) target(%dma_start3A_74 : memref<640x128xf32, #tpu.memory_space<vmem_shared>>) offsets(%dma_start3A_71 : memref<80xi32, #tpu.memory_space<vmem>>) semaphore(%arg21 : memref<!tpu.dma_semaphore, #tpu.memory_space<semaphore_mem>>) {add = true}
        %dma_wait3A_75 = arith.constant 0 : i32
        %dma_wait3A_76 = tpu.memref_slice %arg11[%scan3A_35, %dma_wait3A_75] : memref<5x80xi32, #tpu.memory_space<vmem>> -> memref<1x80xi32, #tpu.memory_space<vmem>>
        %dma_wait3A_77 = tpu.memref_squeeze %dma_wait3A_76 : memref<1x80xi32, #tpu.memory_space<vmem>> -> memref<80xi32, #tpu.memory_space<vmem>>
        %dma_wait3A_78 = arith.constant 0 : i32
        %dma_wait3A_79 = arith.constant 0 : i32
        %dma_wait3A_80 = tpu.memref_slice %arg18[%dma_wait3A_78, %dma_wait3A_79] : memref<10112x128xf32, #tpu.memory_space<vmem_shared>> -> memref<10112x128xf32, #tpu.memory_space<vmem_shared>>
        tpu.wait_indirect_dma semaphore(%arg20 : memref<!tpu.dma_semaphore, #tpu.memory_space<semaphore_mem>>) src(%arg16 : memref<80x128xf32, #tpu.memory_space<vmem>>) dst(%dma_wait3A_80 : memref<10112x128xf32, #tpu.memory_space<vmem_shared>>)
        %dma_wait3A_81 = arith.constant 0 : i32
        %dma_wait3A_82 = tpu.memref_slice %arg13[%scan3A_35, %dma_wait3A_81] : memref<5x80xi32, #tpu.memory_space<vmem>> -> memref<1x80xi32, #tpu.memory_space<vmem>>
        %dma_wait3A_83 = tpu.memref_squeeze %dma_wait3A_82 : memref<1x80xi32, #tpu.memory_space<vmem>> -> memref<80xi32, #tpu.memory_space<vmem>>
        %dma_wait3A_84 = arith.constant 0 : i32
        %dma_wait3A_85 = arith.constant 0 : i32
        %dma_wait3A_86 = tpu.memref_slice %arg19[%dma_wait3A_84, %dma_wait3A_85] : memref<640x128xf32, #tpu.memory_space<vmem_shared>> -> memref<640x128xf32, #tpu.memory_space<vmem_shared>>
        tpu.wait_indirect_dma semaphore(%arg21 : memref<!tpu.dma_semaphore, #tpu.memory_space<semaphore_mem>>) src(%arg15 : memref<80x128xf32, #tpu.memory_space<vmem>>) dst(%dma_wait3A_86 : memref<640x128xf32, #tpu.memory_space<vmem_shared>>)
      }
      %scan3A_34 = arith.constant 5 : i32
    }
    %scan3A_14 = arith.constant 50 : i32
    %barrier3A_15 = arith.constant 0 : index
    tpu.barrier barrier_id(%barrier3A_15)
    %mul3A_16 = arith.constant 632 : i32
    %mul3A_17 = arith.muli %arg1, %mul3A_16 : i32
    %mul3A_18 = arith.constant 632 : i32
    %mul3A_19 = arith.muli %arg1, %mul3A_18 : i32
    "tpu.region"() ({
      %run_scoped3A = tpu.sem_alloc : memref<!tpu.dma_semaphore, #tpu.memory_space<semaphore_mem>>
      %dma_start3A = arith.constant 0 : i32
      %dma_start3A_24 = tpu.memref_slice %arg8[%arg0, %mul3A_19, %dma_start3A] : memref<2x10112x128xf32, #tpu.memory_space<hbm>> -> memref<1x632x128xf32, #tpu.memory_space<hbm>>
      %dma_start3A_25 = tpu.memref_squeeze %dma_start3A_24 : memref<1x632x128xf32, #tpu.memory_space<hbm>> -> memref<632x128xf32, #tpu.memory_space<hbm>>
      %dma_start3A_26 = arith.constant 0 : i32
      %dma_start3A_27 = tpu.memref_slice %arg18[%mul3A_17, %dma_start3A_26] : memref<10112x128xf32, #tpu.memory_space<vmem_shared>> -> memref<632x128xf32, #tpu.memory_space<vmem_shared>>
      tpu.enqueue_dma source(%dma_start3A_27 : memref<632x128xf32, #tpu.memory_space<vmem_shared>>) target(%dma_start3A_25 : memref<632x128xf32, #tpu.memory_space<hbm>>) target_semaphore(%run_scoped3A : memref<!tpu.dma_semaphore, #tpu.memory_space<semaphore_mem>>)
      %dma_wait3A = arith.constant 0 : i32
      %dma_wait3A_28 = tpu.memref_slice %arg8[%arg0, %mul3A_19, %dma_wait3A] : memref<2x10112x128xf32, #tpu.memory_space<hbm>> -> memref<1x632x128xf32, #tpu.memory_space<hbm>>
      %dma_wait3A_29 = tpu.memref_squeeze %dma_wait3A_28 : memref<1x632x128xf32, #tpu.memory_space<hbm>> -> memref<632x128xf32, #tpu.memory_space<hbm>>
      %dma_wait3A_30 = arith.constant 0 : i32
      %dma_wait3A_31 = tpu.memref_slice %arg18[%mul3A_17, %dma_wait3A_30] : memref<10112x128xf32, #tpu.memory_space<vmem_shared>> -> memref<632x128xf32, #tpu.memory_space<vmem_shared>>
      tpu.wait_dma2 semaphore(%run_scoped3A : memref<!tpu.dma_semaphore, #tpu.memory_space<semaphore_mem>>) src(%dma_wait3A_31 : memref<632x128xf32, #tpu.memory_space<vmem_shared>>) dst(%dma_wait3A_29 : memref<632x128xf32, #tpu.memory_space<hbm>>)
      tpu.yield
    }) : () -> ()
    %mul3A_20 = arith.constant 40 : i32
    %mul3A_21 = arith.muli %arg1, %mul3A_20 : i32
    %mul3A_22 = arith.constant 40 : i32
    %mul3A_23 = arith.muli %arg1, %mul3A_22 : i32
    "tpu.region"() ({
      %run_scoped3A = tpu.sem_alloc : memref<!tpu.dma_semaphore, #tpu.memory_space<semaphore_mem>>
      %dma_start3A = arith.constant 0 : i32
      %dma_start3A_24 = tpu.memref_slice %arg9[%arg0, %mul3A_23, %dma_start3A] : memref<2x640x128xf32, #tpu.memory_space<hbm>> -> memref<1x40x128xf32, #tpu.memory_space<hbm>>
      %dma_start3A_25 = tpu.memref_squeeze %dma_start3A_24 : memref<1x40x128xf32, #tpu.memory_space<hbm>> -> memref<40x128xf32, #tpu.memory_space<hbm>>
      %dma_start3A_26 = arith.constant 0 : i32
      %dma_start3A_27 = tpu.memref_slice %arg19[%mul3A_21, %dma_start3A_26] : memref<640x128xf32, #tpu.memory_space<vmem_shared>> -> memref<40x128xf32, #tpu.memory_space<vmem_shared>>
      tpu.enqueue_dma source(%dma_start3A_27 : memref<40x128xf32, #tpu.memory_space<vmem_shared>>) target(%dma_start3A_25 : memref<40x128xf32, #tpu.memory_space<hbm>>) target_semaphore(%run_scoped3A : memref<!tpu.dma_semaphore, #tpu.memory_space<semaphore_mem>>)
      %dma_wait3A = arith.constant 0 : i32
      %dma_wait3A_28 = tpu.memref_slice %arg9[%arg0, %mul3A_23, %dma_wait3A] : memref<2x640x128xf32, #tpu.memory_space<hbm>> -> memref<1x40x128xf32, #tpu.memory_space<hbm>>
      %dma_wait3A_29 = tpu.memref_squeeze %dma_wait3A_28 : memref<1x40x128xf32, #tpu.memory_space<hbm>> -> memref<40x128xf32, #tpu.memory_space<hbm>>
      %dma_wait3A_30 = arith.constant 0 : i32
      %dma_wait3A_31 = tpu.memref_slice %arg19[%mul3A_21, %dma_wait3A_30] : memref<640x128xf32, #tpu.memory_space<vmem_shared>> -> memref<40x128xf32, #tpu.memory_space<vmem_shared>>
      tpu.wait_dma2 semaphore(%run_scoped3A : memref<!tpu.dma_semaphore, #tpu.memory_space<semaphore_mem>>) src(%dma_wait3A_31 : memref<40x128xf32, #tpu.memory_space<vmem_shared>>) dst(%dma_wait3A_29 : memref<40x128xf32, #tpu.memory_space<hbm>>)
      tpu.yield
    }) : () -> ()
    return
  }
}

module attributes {stable_mosaic.version = 14 : i64} {
  func.func @_proj_body(%arg0: i32, %arg1: memref<1000x128xf32, #tpu.memory_space<vmem>>, %arg2: memref<128x512xf32, #tpu.memory_space<vmem>>, %arg3: memref<1x512xf32, #tpu.memory_space<vmem>>, %arg4: memref<1000x512xf32, #tpu.memory_space<vmem>>) attributes {dimension_semantics = [#tpu.dimension_semantics<arbitrary>], iteration_bounds = array<i64: 10>, scalar_prefetch = 0 : i64, scratch_operands = 0 : i64, tpu.core_type = #tpu.core_type<tc>, window_params = [{transform_indices = @transform_0, window_bounds = array<i64: 1000, 128>}, {pipeline_mode = #tpu.pipeline_mode<synchronous>, transform_indices = @transform_1, window_bounds = array<i64: 128, 512>}, {pipeline_mode = #tpu.pipeline_mode<synchronous>, transform_indices = @transform_2, window_bounds = array<i64: 1, 512>}, {transform_indices = @transform_3, window_bounds = array<i64: 1000, 512>}]} {
    %get3A = arith.constant 0 : index
    %get3A_0 = arith.constant 0 : index
    %get3A_1 = vector.load %arg1[%get3A, %get3A_0] : memref<1000x128xf32, #tpu.memory_space<vmem>>, vector<1000x128xf32>
    %get3A_2 = arith.constant 0 : index
    %get3A_3 = arith.constant 0 : index
    %get3A_4 = vector.load %arg2[%get3A_2, %get3A_3] : memref<128x512xf32, #tpu.memory_space<vmem>>, vector<128x512xf32>
    %dot_general3A = arith.constant dense<0.000000e+00> : vector<1000x512xf32>
    %dot_general3A_5 = tpu.matmul %get3A_1, %get3A_4, %dot_general3A {dimension_numbers = #tpu.dot_dimension_numbers<[1], [0], [0], [1], [0, 0, 1, 1], [], []>, transpose_lhs_hint = false} : vector<1000x128xf32>, vector<128x512xf32>, vector<1000x512xf32> -> vector<1000x512xf32>
    %get3A_6 = arith.constant 0 : index
    %get3A_7 = arith.constant 0 : index
    %get3A_8 = vector.load %arg3[%get3A_6, %get3A_7] : memref<1x512xf32, #tpu.memory_space<vmem>>, vector<1x512xf32>
    %add3A = vector.broadcast %get3A_8 : vector<1x512xf32> to vector<1000x512xf32>
    %add3A_9 = arith.addf %dot_general3A_5, %add3A : vector<1000x512xf32>
    %swap3A = arith.constant 0 : index
    %swap3A_10 = arith.constant 0 : index
    %swap3A_11 = vector.load %arg4[%swap3A, %swap3A_10] : memref<1000x512xf32, #tpu.memory_space<vmem>>, vector<1000x512xf32>
    tpu.vector_store %arg4[%swap3A, %swap3A_10], %add3A_9 {strides = array<i32>} : memref<1000x512xf32, #tpu.memory_space<vmem>>, vector<1000x512xf32>,
    return
  }
  func.func @transform_0(%arg0: i32) -> (i32, i32) {
    %c0_i32 = arith.constant 0 : i32
    %c0_i32_0 = arith.constant 0 : i32
    return %arg0, %c0_i32 : i32, i32
  }
  func.func @transform_1(%arg0: i32) -> (i32, i32) {
    %c0_i32 = arith.constant 0 : i32
    %c0_i32_0 = arith.constant 0 : i32
    %c0_i32_1 = arith.constant 0 : i32
    return %c0_i32, %c0_i32_0 : i32, i32
  }
  func.func @transform_2(%arg0: i32) -> (i32, i32) {
    %c0_i32 = arith.constant 0 : i32
    %c0_i32_0 = arith.constant 0 : i32
    %c0_i32_1 = arith.constant 0 : i32
    return %c0_i32, %c0_i32_0 : i32, i32
  }
  func.func @transform_3(%arg0: i32) -> (i32, i32) {
    %c0_i32 = arith.constant 0 : i32
    %c0_i32_0 = arith.constant 0 : i32
    return %arg0, %c0_i32 : i32, i32
  }
}

module attributes {stable_mosaic.version = 14 : i64} {
  func.func @_mid_body(%arg0: i32, %arg1: memref<1000x128xf32, #tpu.memory_space<vmem>>, %arg2: memref<1000x128xf32, #tpu.memory_space<vmem>>, %arg3: memref<1000x8xf32, #tpu.memory_space<vmem>>, %arg4: memref<1000x8xf32, #tpu.memory_space<vmem>>, %arg5: memref<1x256xf32, #tpu.memory_space<vmem>>, %arg6: memref<256x16xf32, #tpu.memory_space<vmem>>, %arg7: memref<1x16xf32, #tpu.memory_space<vmem>>, %arg8: memref<256x16xf32, #tpu.memory_space<vmem>>, %arg9: memref<1x16xf32, #tpu.memory_space<vmem>>, %arg10: memref<1000x128xf32, #tpu.memory_space<vmem>>) attributes {dimension_semantics = [#tpu.dimension_semantics<arbitrary>], iteration_bounds = array<i64: 10>, scalar_prefetch = 0 : i64, scratch_operands = 0 : i64, tpu.core_type = #tpu.core_type<tc>, window_params = [{transform_indices = @transform_0, window_bounds = array<i64: 1000, 128>}, {transform_indices = @transform_1, window_bounds = array<i64: 1000, 128>}, {transform_indices = @transform_2, window_bounds = array<i64: 1000, 8>}, {transform_indices = @transform_3, window_bounds = array<i64: 1000, 8>}, {pipeline_mode = #tpu.pipeline_mode<synchronous>, transform_indices = @transform_4, window_bounds = array<i64: 1, 256>}, {pipeline_mode = #tpu.pipeline_mode<synchronous>, transform_indices = @transform_5, window_bounds = array<i64: 256, 16>}, {pipeline_mode = #tpu.pipeline_mode<synchronous>, transform_indices = @transform_6, window_bounds = array<i64: 1, 16>}, {pipeline_mode = #tpu.pipeline_mode<synchronous>, transform_indices = @transform_7, window_bounds = array<i64: 256, 16>}, {pipeline_mode = #tpu.pipeline_mode<synchronous>, transform_indices = @transform_8, window_bounds = array<i64: 1, 16>}, {transform_indices = @transform_9, window_bounds = array<i64: 1000, 128>}]} {
    %get3A = arith.constant 0 : index
    %get3A_0 = arith.constant 0 : index
    %get3A_1 = vector.load %arg1[%get3A, %get3A_0] : memref<1000x128xf32, #tpu.memory_space<vmem>>, vector<1000x128xf32>
    %get3A_2 = arith.constant 0 : index
    %get3A_3 = arith.constant 0 : index
    %get3A_4 = vector.load %arg2[%get3A_2, %get3A_3] : memref<1000x128xf32, #tpu.memory_space<vmem>>, vector<1000x128xf32>
    %concatenate3A = tpu.concatenate %get3A_1, %get3A_4 in 1 : vector<1000x128xf32>, vector<1000x128xf32> -> vector<1000x256xf32>
    %get3A_5 = arith.constant 0 : index
    %get3A_6 = arith.constant 0 : index
    %get3A_7 = vector.load %arg3[%get3A_5, %get3A_6] : memref<1000x8xf32, #tpu.memory_space<vmem>>, vector<1000x8xf32>
    %get3A_8 = arith.constant 0 : index
    %get3A_9 = arith.constant 0 : index
    %get3A_10 = vector.load %arg4[%get3A_8, %get3A_9] : memref<1000x8xf32, #tpu.memory_space<vmem>>, vector<1000x8xf32>
    %concatenate3A_11 = tpu.concatenate %get3A_7, %get3A_10 in 1 : vector<1000x8xf32>, vector<1000x8xf32> -> vector<1000x16xf32>
    %broadcast_in_dim3A = vector.shape_cast %concatenate3A_11 : vector<1000x16xf32> to vector<1000x16x1xf32>
    %broadcast_in_dim3A_12 = vector.shape_cast %broadcast_in_dim3A : vector<1000x16x1xf32> to vector<1000x16x1xf32>
    %broadcast_in_dim3A_13 = vector.broadcast %broadcast_in_dim3A_12 : vector<1000x16x1xf32> to vector<1000x16x16xf32>
    %reshape3A = vector.shape_cast %broadcast_in_dim3A_13 : vector<1000x16x16xf32> to vector<1000x256xf32>
    %eq3A = arith.constant 0.000000e+00 : f32
    %eq3A_14 = vector.broadcast %eq3A : f32 to vector<1000x256xf32>
    %eq3A_15 = arith.cmpf oeq, %reshape3A, %eq3A_14 : vector<1000x256xf32>
    %jit3A = arith.constant 1.000000e+00 : f32
    %broadcast_in_dim3A_16 = vector.broadcast %jit3A : f32 to vector<1000x256xf32>
    %select_n3A = arith.select %eq3A_15, %broadcast_in_dim3A_16, %reshape3A : vector<1000x256xi1>, vector<1000x256xf32>
    %div3A = arith.divf %concatenate3A, %select_n3A : vector<1000x256xf32>
    %get3A_17 = arith.constant 0 : index
    %get3A_18 = arith.constant 0 : index
    %get3A_19 = vector.load %arg5[%get3A_17, %get3A_18] : memref<1x256xf32, #tpu.memory_space<vmem>>, vector<1x256xf32>
    %add3A = vector.broadcast %get3A_19 : vector<1x256xf32> to vector<1000x256xf32>
    %add3A_20 = arith.addf %div3A, %add3A : vector<1000x256xf32>
    %gt3A = arith.constant 0.000000e+00 : f32
    %gt3A_21 = vector.broadcast %gt3A : f32 to vector<1000x256xf32>
    %gt3A_22 = arith.cmpf ogt, %add3A_20, %gt3A_21 : vector<1000x256xf32>
    %exp3A = math.exp %add3A_20 : vector<1000x256xf32>
    %sub3A = arith.constant 1.000000e+00 : f32
    %sub3A_23 = vector.broadcast %sub3A : f32 to vector<1000x256xf32>
    %sub3A_24 = arith.subf %exp3A, %sub3A_23 : vector<1000x256xf32>
    %select_n3A_25 = arith.select %gt3A_22, %add3A_20, %sub3A_24 : vector<1000x256xi1>, vector<1000x256xf32>
    %get3A_26 = arith.constant 0 : index
    %get3A_27 = arith.constant 0 : index
    %get3A_28 = vector.load %arg6[%get3A_26, %get3A_27] : memref<256x16xf32, #tpu.memory_space<vmem>>, vector<256x16xf32>
    %dot_general3A = arith.constant dense<0.000000e+00> : vector<1000x16xf32>
    %dot_general3A_29 = tpu.matmul %select_n3A_25, %get3A_28, %dot_general3A {dimension_numbers = #tpu.dot_dimension_numbers<[1], [0], [0], [1], [0, 0, 1, 1], [], []>, transpose_lhs_hint = false} : vector<1000x256xf32>, vector<256x16xf32>, vector<1000x16xf32> -> vector<1000x16xf32>
    %get3A_30 = arith.constant 0 : index
    %get3A_31 = arith.constant 0 : index
    %get3A_32 = vector.load %arg7[%get3A_30, %get3A_31] : memref<1x16xf32, #tpu.memory_space<vmem>>, vector<1x16xf32>
    %add3A_33 = vector.broadcast %get3A_32 : vector<1x16xf32> to vector<1000x16xf32>
    %add3A_34 = arith.addf %dot_general3A_29, %add3A_33 : vector<1000x16xf32>
    %get3A_35 = arith.constant 0 : index
    %get3A_36 = arith.constant 0 : index
    %get3A_37 = vector.load %arg8[%get3A_35, %get3A_36] : memref<256x16xf32, #tpu.memory_space<vmem>>, vector<256x16xf32>
    %dot_general3A_38 = arith.constant dense<0.000000e+00> : vector<1000x16xf32>
    %dot_general3A_39 = tpu.matmul %select_n3A_25, %get3A_37, %dot_general3A_38 {dimension_numbers = #tpu.dot_dimension_numbers<[1], [0], [0], [1], [0, 0, 1, 1], [], []>, transpose_lhs_hint = false} : vector<1000x256xf32>, vector<256x16xf32>, vector<1000x16xf32> -> vector<1000x16xf32>
    %get3A_40 = arith.constant 0 : index
    %get3A_41 = arith.constant 0 : index
    %get3A_42 = vector.load %arg9[%get3A_40, %get3A_41] : memref<1x16xf32, #tpu.memory_space<vmem>>, vector<1x16xf32>
    %add3A_43 = vector.broadcast %get3A_42 : vector<1x16xf32> to vector<1000x16xf32>
    %add3A_44 = arith.addf %dot_general3A_39, %add3A_43 : vector<1000x16xf32>
    %broadcast_in_dim3A_45 = arith.constant 1.000000e+00 : f32
    %broadcast_in_dim3A_46 = vector.broadcast %broadcast_in_dim3A_45 : f32 to vector<1000x1xf32>
    %broadcast_in_dim3A_47 = arith.constant 0.000000e+00 : f32
    %broadcast_in_dim3A_48 = vector.broadcast %broadcast_in_dim3A_47 : f32 to vector<1000x15xf32>
    %broadcast_in_dim3A_49 = arith.constant 0.000000e+00 : f32
    %broadcast_in_dim3A_50 = vector.broadcast %broadcast_in_dim3A_49 : f32 to vector<1000x80xf32>
    %concatenate3A_51 = tpu.concatenate %add3A_34, %broadcast_in_dim3A_46, %broadcast_in_dim3A_48, %add3A_44, %broadcast_in_dim3A_50 in 1 : vector<1000x16xf32>, vector<1000x1xf32>, vector<1000x15xf32>, vector<1000x16xf32>, vector<1000x80xf32> -> vector<1000x128xf32>
    %swap3A = arith.constant 0 : index
    %swap3A_52 = arith.constant 0 : index
    %swap3A_53 = vector.load %arg10[%swap3A, %swap3A_52] : memref<1000x128xf32, #tpu.memory_space<vmem>>, vector<1000x128xf32>
    tpu.vector_store %arg10[%swap3A, %swap3A_52], %concatenate3A_51 {strides = array<i32>} : memref<1000x128xf32, #tpu.memory_space<vmem>>, vector<1000x128xf32>,
    return
  }
  func.func @transform_0(%arg0: i32) -> (i32, i32) {
    %c0_i32 = arith.constant 0 : i32
    %c0_i32_0 = arith.constant 0 : i32
    return %arg0, %c0_i32 : i32, i32
  }
  func.func @transform_1(%arg0: i32) -> (i32, i32) {
    %c0_i32 = arith.constant 0 : i32
    %c0_i32_0 = arith.constant 0 : i32
    return %arg0, %c0_i32 : i32, i32
  }
  func.func @transform_2(%arg0: i32) -> (i32, i32) {
    %c0_i32 = arith.constant 0 : i32
    %c0_i32_0 = arith.constant 0 : i32
    return %arg0, %c0_i32 : i32, i32
  }
  func.func @transform_3(%arg0: i32) -> (i32, i32) {
    %c0_i32 = arith.constant 0 : i32
    %c0_i32_0 = arith.constant 0 : i32
    return %arg0, %c0_i32 : i32, i32
  }
  func.func @transform_4(%arg0: i32) -> (i32, i32) {
    %c0_i32 = arith.constant 0 : i32
    %c0_i32_0 = arith.constant 0 : i32
    %c0_i32_1 = arith.constant 0 : i32
    return %c0_i32, %c0_i32_0 : i32, i32
  }
  func.func @transform_5(%arg0: i32) -> (i32, i32) {
    %c0_i32 = arith.constant 0 : i32
    %c0_i32_0 = arith.constant 0 : i32
    %c0_i32_1 = arith.constant 0 : i32
    return %c0_i32, %c0_i32_0 : i32, i32
  }
  func.func @transform_6(%arg0: i32) -> (i32, i32) {
    %c0_i32 = arith.constant 0 : i32
    %c0_i32_0 = arith.constant 0 : i32
    %c0_i32_1 = arith.constant 0 : i32
    return %c0_i32, %c0_i32_0 : i32, i32
  }
  func.func @transform_7(%arg0: i32) -> (i32, i32) {
    %c0_i32 = arith.constant 0 : i32
    %c0_i32_0 = arith.constant 0 : i32
    %c0_i32_1 = arith.constant 0 : i32
    return %c0_i32, %c0_i32_0 : i32, i32
  }
  func.func @transform_8(%arg0: i32) -> (i32, i32) {
    %c0_i32 = arith.constant 0 : i32
    %c0_i32_0 = arith.constant 0 : i32
    %c0_i32_1 = arith.constant 0 : i32
    return %c0_i32, %c0_i32_0 : i32, i32
  }
  func.func @transform_9(%arg0: i32) -> (i32, i32) {
    %c0_i32 = arith.constant 0 : i32
    %c0_i32_0 = arith.constant 0 : i32
    return %arg0, %c0_i32 : i32, i32
  }
}

module attributes {stable_mosaic.version = 14 : i64} {
  func.func @_head_body(%arg0: memref<10000x128xf32, #tpu.memory_space<vmem>>, %arg1: memref<10000x128xf32, #tpu.memory_space<vmem>>, %arg2: memref<10000x1xi32, #tpu.memory_space<vmem>>, %arg3: memref<1x16xf32, #tpu.memory_space<vmem>>, %arg4: memref<16x16xf32, #tpu.memory_space<vmem>>, %arg5: memref<1x16xf32, #tpu.memory_space<vmem>>, %arg6: memref<16x1xf32, #tpu.memory_space<vmem>>, %arg7: memref<1x1xf32, #tpu.memory_space<vmem>>, %arg8: memref<64x1xf32, #tpu.memory_space<vmem>>) attributes {dimension_semantics = [], scalar_prefetch = 0 : i64, scratch_operands = 0 : i64, tpu.core_type = #tpu.core_type<tc>} {
    %get3A = arith.constant 0 : index
    %get3A_0 = arith.constant 0 : index
    %get3A_1 = vector.load %arg0[%get3A, %get3A_0] : memref<10000x128xf32, #tpu.memory_space<vmem>>, vector<10000x128xf32>
    %get3A_2 = arith.constant 0 : index
    %get3A_3 = arith.constant 0 : index
    %get3A_4 = vector.load %arg1[%get3A_2, %get3A_3] : memref<10000x128xf32, #tpu.memory_space<vmem>>, vector<10000x128xf32>
    %add3A = arith.addf %get3A_1, %get3A_4 : vector<10000x128xf32>
    %slice3A = vector.extract_strided_slice %add3A {offsets = [0, 0], sizes = [10000, 16], strides = [1, 1]} : vector<10000x128xf32> to vector<10000x16xf32>
    %slice3A_5 = vector.extract_strided_slice %add3A {offsets = [0, 16], sizes = [10000, 1], strides = [1, 1]} : vector<10000x128xf32> to vector<10000x1xf32>
    %eq3A = arith.constant 0.000000e+00 : f32
    %eq3A_6 = vector.broadcast %eq3A : f32 to vector<10000x1xf32>
    %eq3A_7 = arith.cmpf oeq, %slice3A_5, %eq3A_6 : vector<10000x1xf32>
    %jit3A = arith.constant 1.000000e+00 : f32
    %broadcast_in_dim3A = vector.broadcast %jit3A : f32 to vector<10000x1xf32>
    %select_n3A = arith.select %eq3A_7, %broadcast_in_dim3A, %slice3A_5 : vector<10000x1xi1>, vector<10000x1xf32>
    %div3A = vector.broadcast %select_n3A : vector<10000x1xf32> to vector<10000x16xf32>
    %div3A_8 = arith.divf %slice3A, %div3A : vector<10000x16xf32>
    %get3A_9 = arith.constant 0 : index
    %get3A_10 = arith.constant 0 : index
    %get3A_11 = vector.load %arg3[%get3A_9, %get3A_10] : memref<1x16xf32, #tpu.memory_space<vmem>>, vector<1x16xf32>
    %add3A_12 = vector.broadcast %get3A_11 : vector<1x16xf32> to vector<10000x16xf32>
    %add3A_13 = arith.addf %div3A_8, %add3A_12 : vector<10000x16xf32>
    %get3A_14 = arith.constant 0 : index
    %get3A_15 = arith.constant 0 : index
    %get3A_16 = vector.load %arg2[%get3A_14, %get3A_15] : memref<10000x1xi32, #tpu.memory_space<vmem>>, vector<10000x1xi32>
    %iota3A = tpu.iota {dimensions = array<i32: 1>} : vector<1x64xi32>
    %eq3A_17 = vector.broadcast %get3A_16 : vector<10000x1xi32> to vector<10000x64xi32>
    %eq3A_18 = vector.broadcast %iota3A : vector<1x64xi32> to vector<10000x64xi32>
    %eq3A_19 = arith.cmpi eq, %eq3A_17, %eq3A_18 : vector<10000x64xi32>
    %convert_element_type3A = arith.extui %eq3A_19 : vector<10000x64xi1> to vector<10000x64xi32>
    %convert_element_type3A_20 = arith.sitofp %convert_element_type3A : vector<10000x64xi32> to vector<10000x64xf32>
    %dot_general3A = arith.constant dense<0.000000e+00> : vector<64x16xf32>
    %dot_general3A_21 = tpu.matmul %convert_element_type3A_20, %add3A_13, %dot_general3A {dimension_numbers = #tpu.dot_dimension_numbers<[0], [0], [1], [1], [0, 1, 1, 1], [], []>, precision = #tpu.contract_precision<fp32>, transpose_lhs_hint = false} : vector<10000x64xf32>, vector<10000x16xf32>, vector<64x16xf32> -> vector<64x16xf32>
    %reduce_sum3A = arith.constant dense<0.000000e+00> : vector<64xf32>
    %reduce_sum3A_22 = vector.multi_reduction <add>, %convert_element_type3A_20, %reduce_sum3A [0] : vector<10000x64xf32> to vector<64xf32>
    %broadcast_in_dim3A_23 = vector.shape_cast %reduce_sum3A_22 : vector<64xf32> to vector<64x1xf32>
    %max3A = arith.constant 1.000000e+00 : f32
    %max3A_24 = vector.broadcast %max3A : f32 to vector<64x1xf32>
    %max3A_25 = arith.maximumf %broadcast_in_dim3A_23, %max3A_24 : vector<64x1xf32>
    %div3A_26 = vector.broadcast %max3A_25 : vector<64x1xf32> to vector<64x16xf32>
    %div3A_27 = arith.divf %dot_general3A_21, %div3A_26 : vector<64x16xf32>
    %get3A_28 = arith.constant 0 : index
    %get3A_29 = arith.constant 0 : index
    %get3A_30 = vector.load %arg4[%get3A_28, %get3A_29] : memref<16x16xf32, #tpu.memory_space<vmem>>, vector<16x16xf32>
    %dot_general3A_31 = arith.constant dense<0.000000e+00> : vector<64x16xf32>
    %dot_general3A_32 = tpu.matmul %div3A_27, %get3A_30, %dot_general3A_31 {dimension_numbers = #tpu.dot_dimension_numbers<[1], [0], [0], [1], [0, 0, 1, 1], [], []>, transpose_lhs_hint = false} : vector<64x16xf32>, vector<16x16xf32>, vector<64x16xf32> -> vector<64x16xf32>
    %get3A_33 = arith.constant 0 : index
    %get3A_34 = arith.constant 0 : index
    %get3A_35 = vector.load %arg5[%get3A_33, %get3A_34] : memref<1x16xf32, #tpu.memory_space<vmem>>, vector<1x16xf32>
    %add3A_36 = vector.broadcast %get3A_35 : vector<1x16xf32> to vector<64x16xf32>
    %add3A_37 = arith.addf %dot_general3A_32, %add3A_36 : vector<64x16xf32>
    %max3A_38 = arith.constant 0.000000e+00 : f32
    %max3A_39 = vector.broadcast %max3A_38 : f32 to vector<64x16xf32>
    %max3A_40 = arith.maximumf %add3A_37, %max3A_39 : vector<64x16xf32>
    %get3A_41 = arith.constant 0 : index
    %get3A_42 = arith.constant 0 : index
    %get3A_43 = vector.load %arg6[%get3A_41, %get3A_42] : memref<16x1xf32, #tpu.memory_space<vmem>>, vector<16x1xf32>
    %dot_general3A_44 = arith.constant dense<0.000000e+00> : vector<64x1xf32>
    %dot_general3A_45 = tpu.matmul %max3A_40, %get3A_43, %dot_general3A_44 {dimension_numbers = #tpu.dot_dimension_numbers<[1], [0], [0], [1], [0, 0, 1, 1], [], []>, transpose_lhs_hint = false} : vector<64x16xf32>, vector<16x1xf32>, vector<64x1xf32> -> vector<64x1xf32>
    %get3A_46 = arith.constant 0 : index
    %get3A_47 = arith.constant 0 : index
    %get3A_48 = vector.load %arg7[%get3A_46, %get3A_47] : memref<1x1xf32, #tpu.memory_space<vmem>>, vector<1x1xf32>
    %add3A_49 = vector.broadcast %get3A_48 : vector<1x1xf32> to vector<64x1xf32>
    %add3A_50 = arith.addf %dot_general3A_45, %add3A_49 : vector<64x1xf32>
    %swap3A = arith.constant 0 : index
    %swap3A_51 = arith.constant 0 : index
    %swap3A_52 = vector.load %arg8[%swap3A, %swap3A_51] : memref<64x1xf32, #tpu.memory_space<vmem>>, vector<64x1xf32>
    tpu.vector_store %arg8[%swap3A, %swap3A_51], %add3A_50 {strides = array<i32>} : memref<64x1xf32, #tpu.memory_space<vmem>>, vector<64x1xf32>,
    return
  }
}

</mosaic_0001>

<sc_bundles>
// kernel: kernel.10.cloned.1.call-start
scs
__scs_entry_jumppad:
0x0: {  	(pc) =	sbr.rel $0x88, $3  }
0x1: {  	(tag) =	ssettag $0x0;
	lr =	simm.s32 $0x1  }
0x2: {  	[smem:$0x3F8E] =	sst lr;
	_ =	strace $0xD0000000  }
0x3: {  	_ = 	snop  }
0x4: {  	_ = 	snop  }
0x5: {  	_ = 	snop  }
0x6: {  	_ = 	snop  }
0x7: {  	_ = 	snop  }
__scs_overlays_trampoline_lowered:
0x8: {  	[smem:$0x3F9D] =	sst s0  }
0x9: {  	[smem:$0x3F9E] =	sst s1  }
0xa: {  	[smem:$0x3F9F] =	sst s2  }
0xb: {  	[smem:$0x3FA0] =	sst s3  }
0xc: {  	[smem:$0x3FA1] =	sst s4  }
0xd: {  	[smem:$0x3FA2] =	sst s5  }
0xe: {  	[smem:$0x3FA3] =	sst s6  }
0xf: {  	[smem:$0x3FA4] =	sst s7  }
0x10: {  	[smem:$0x3FA5] =	sst s8  }
0x11: {  	[smem:$0x3FA6] =	sst s9;
	s0 =	simm.s32 @!p0 $0x0  }
0x12: {  	s1 =	sld [smem:$0x3F8C];
	s0 =	simm.s32 @p0 $0x1  }
0x13: {  	[smem:$0x3FA7] =	sst s0;
	s0 =	simm.s32 @!p1 $0x0  }
0x14: {  	s2 =	sld [smem:$0x3F8B];
	s0 =	simm.s32 @p1 $0x1  }
0x15: {  	[smem:$0x3FA8] =	sst s0;
	s0 =	simm.s32 @!p2 $0x0  }
0x16: {  	s3 =	sld [smem:$0x3FDB];
	s0 =	simm.s32 @p2 $0x1  }
0x17: {  	s4 =	simm.s32 $0x1BF5;
	[smem:$0x3FAA] =	sst s0  }
0x18: {  	s0 =	sld [smem:$0x3F8D];
	_ =	swait.ge [sflag:s4], $0x0  }
0x19: {  	s7 =	sld [smem:$0x3F8E]  }
0x1a: {  	s8 =	sadd.s32 $0xFFFFE003, lr  }
0x1b: {  	s9 =	sadd.s32 $0xFFFFFEF7, lr;
	s5 =	simm.s32 $0xFFFFFFFF;
	p2 =	slt.u32 s8, $0xFFFFF086  }
0x1c: {  	p1 =	slt.u32 s9, $0xF7A;
	s5 =	simm.s32 @!p2 $0x0  }
0x1d: {  	s5 =	simm.s32 @p1 $0x1;
	p0 =	seq.s32 s7, s2  }
0x1e: {  	s7 =	smul.u32 @!p0 $0xF7A, s2;
	p2 =	seq.s32 @!p0 s5, $0x0  }
0x1f: {  	s9 =	smul.u32 $0xF7A, s1;
	s8 =	simm.s32 @!p0 $0x1BF5;
	p2 =	por !p2, p0  }
0x20: {  	[sflag:s8] =	ssyncset.s32 @!p0 $0xFFFFF086;
	s6 =	sadd.s32 @!p0 s3, s7;
	s7 =	simm.s32 @!p0 $0x108  }
0x21: {  	s3 =	sadd.s32 s3, s9;
	s6 =	sadd.s32 @!p0 $0x88, s6;
	s7 =	simm.s32 @p2 $0x1082  }
0x22: {  	[simem:s7], [sflag:s8] =	dma.local @!p0 [hbm:s6], $0xF7A  }
0x23: {  	s9 =	sor.u32 $0xD0000000, s2;
	s6 =	simm.s32 $0x108;
	_ =	swait.ge @!p0 [sflag:s8], $0x0  }
0x24: {  	s3 =	sadd.s32 $0x88, s3;
	s6 =	simm.s32 @!p1 $0x1082;
	[sflag:s4] =	ssyncset.s32 $0xFFFFF086  }
0x25: {  	[simem:s6], [sflag:s4] =	dma.local [hbm:s3], $0xF7A  }
0x26: {  	[smem:$0x3F8E] =	sst s1;
	(tag) =	ssettag s2;
	_ =	strace s9  }
0x27: {  	s1 =	sld [smem:$0x3F9E]  }
0x28: {  	s2 =	sld [smem:$0x3F9F]  }
0x29: {  	s4 =	sld [smem:$0x3FA1]  }
0x2a: {  	p0 =	seq.s32 s5, $0x0;
	s5 =	sld [smem:$0x3FA2]  }
0x2b: {  	s6 =	sld [smem:$0x3FA3]  }
0x2c: {  	s7 =	sld [smem:$0x3FA4]  }
0x2d: {  	s3 =	simm.s32 $0x108;
	s8 =	sld [smem:$0x3FA5]  }
0x2e: {  	s3 =	simm.s32 @!p0 $0x1082;
	s9 =	sld [smem:$0x3FA6]  }
0x2f: {  	lr =	sadd.s32 s0, s3;
	s0 =	sld [smem:$0x3F9D]  }
0x30: {  	s3 =	sld [smem:$0x3FA0]  }
0x31: {  	[smem:$0x3FA9] =	sst s10  }
0x32: {  	s10 =	sld [smem:$0x3FA7];
	_ =	sdelay $0x3  }
0x33: {  	p0 =	seq.s32 s10, $0x1;
	s10 =	sld [smem:$0x3FA9];
	_ =	sdelay $0x3  }
0x34: {  	[smem:$0x3FA9] =	sst s10  }
0x35: {  	s10 =	sld [smem:$0x3FA8];
	_ =	sdelay $0x3  }
0x36: {  	p1 =	seq.s32 s10, $0x1;
	s10 =	sld [smem:$0x3FA9];
	_ =	sdelay $0x3  }
0x37: {  	[smem:$0x3FA9] =	sst s10  }
0x38: {  	s10 =	sld [smem:$0x3FAA]  }
0x39: {  	_ = 	snop;
	(pc) =	sbr.ind lr, $3  }
0x3a: {  	_ = 	snop  }
0x3b: {  	_ = 	snop  }
0x3c: {  	p2 =	seq.s32 s10, $0x1;
	s10 =	sld [smem:$0x3FA9]  }
0x3d: {  	_ =	shalt  }
0x3e: {  	_ =	shalt  }
0x3f: {  	_ =	shalt  }
0x40: {  	_ =	shalt  }
0x41: {  	_ =	shalt  }
0x42: {  	_ =	shalt  }
0x43: {  	_ =	shalt  }
0x44: {  	_ =	shalt  }
0x45: {  	_ =	shalt  }
0x46: {  	_ =	shalt  }
0x47: {  	_ =	shalt  }
0x48: {  	_ =	shalt  }
0x49: {  	_ =	shalt  }
0x4a: {  	_ =	shalt  }
0x4b: {  	_ =	shalt  }
0x4c: {  	_ =	shalt  }
0x4d: {  	_ =	shalt  }
0x4e: {  	_ =	shalt  }
0x4f: {  	_ =	shalt  }
0x50: {  	_ =	shalt  }
0x51: {  	_ =	shalt  }
0x52: {  	_ =	shalt  }
0x53: {  	_ =	shalt  }
0x54: {  	_ =	shalt  }
0x55: {  	_ =	shalt  }
0x56: {  	_ =	shalt  }
0x57: {  	_ =	shalt  }
0x58: {  	_ =	shalt  }
0x59: {  	_ =	shalt  }
0x5a: {  	_ =	shalt  }
0x5b: {  	_ =	shalt  }
0x5c: {  	_ =	shalt  }
0x5d: {  	_ =	shalt  }
0x5e: {  	_ =	shalt  }
0x5f: {  	_ =	shalt  }
0x60: {  	_ =	shalt  }
0x61: {  	_ =	shalt  }
0x62: {  	_ =	shalt  }
0x63: {  	_ =	shalt  }
0x64: {  	_ =	shalt  }
0x65: {  	_ =	shalt  }
0x66: {  	_ =	shalt  }
0x67: {  	_ =	shalt  }
0x68: {  	_ =	shalt  }
0x69: {  	_ =	shalt  }
0x6a: {  	_ =	shalt  }
0x6b: {  	_ =	shalt  }
0x6c: {  	_ =	shalt  }
0x6d: {  	_ =	shalt  }
0x6e: {  	_ =	shalt  }
0x6f: {  	_ =	shalt  }
0x70: {  	_ =	shalt  }
0x71: {  	_ =	shalt  }
0x72: {  	_ =	shalt  }
0x73: {  	_ =	shalt  }
0x74: {  	_ =	shalt  }
0x75: {  	_ =	shalt  }
0x76: {  	_ =	shalt  }
0x77: {  	_ =	shalt  }
0x78: {  	_ =	shalt  }
0x79: {  	_ =	shalt  }
0x7a: {  	_ =	shalt  }
0x7b: {  	_ =	shalt  }
0x7c: {  	_ =	shalt  }
0x7d: {  	_ =	shalt  }
0x7e: {  	_ =	shalt  }
0x7f: {  	_ =	shalt  }
0x80: {  	_ =	shalt  }
0x81: {  	_ =	shalt  }
0x82: {  	_ =	shalt  }
0x83: {  	_ =	shalt  }
0x84: {  	_ =	shalt  }
0x85: {  	_ =	shalt  }
0x86: {  	_ =	shalt  }
0x87: {  	_ =	shalt  }
.Lfunc_end0:
.L_simem_size_0:
called_computation.1_lowered:
.L_overlay_start_0:
0x88: {  	s2 =	sld [smem:$0x3FD9]  }
0x89: {  	s3 =	sld [smem:$0x3FFE];
	_ =	sdelay $0x1  }
0x8a: {  	s1 =	srdreg.scid  }
0x8b: {  	s0 =	sand.u32 $0x1, s1  }
0x8c: {  	s17 =	sshll.u32 s0, $0xA;
	s2 =	sadd.s32 s3, s2  }
0x8d: {  	s2 =	sadd.s32 s2, s17  }
0x8e: {  	[smem:$0x3FB5] =	sst s2  }
0x8f: {  	_ = 	snop  }
0x90: {  	s2 =	sld [smem:$0x3FBC];
	(tm) =	ssettm $0x1  }
0x91: {  	s18 =	sld [smem:$0x3FFB];
	_ =	sdelay $0x3  }
0x92: {  	_ =	strace s18  }
0x93: {  	s3 =	sld [smem:$0x3FFC];
	_ =	sdelay $0x3  }
0x94: {  	_ =	strace s3  }
0x95: {  	s3 =	sld [smem:$0x3FFD];
	_ =	sdelay $0x3  }
0x96: {  	_ =	strace s3  }
0x97: {  	_ =	strace $0x8FFFFFFF  }
0x98: {  	s19 =	sld [smem:$0x3FDB];
	_ =	sdelay $0x1  }
0x99: {  	s4 =	simm.s32 $_scs_section_size  }
0x9a: {  	s5 =	simm.s32 $_size__tile_overlayer_lowered;
	s6 =	simm.s32 $_tile_overlayer_lowered  }
0x9b: {  	s22 =	simm.s32 $0x1BFF;
	s21 =	sshll.u32 s6, $0x1;
	s3 =	sadd.s32 s4, s19  }
0x9c: {  	s7 =	simm.s32 $0x0;
	s20 =	sshll.u32 s5, $0x1;
	s5 =	sadd.s32 s21, s3  }
0x9d: {  	[timem:s7], [sflag:s22] =	dma.local [hbm:s5], s20  }
0x9e: {  	_ =	swait.ge [sflag:s22], s20  }
0x9f: {  	s4 =	ssub.s32 $0x0, s20;
	[sflag:s22] =	ssyncset.done $0x0  }
0xa0: {  	[sflag:s22] =	ssyncadd.s32 s4;
	_ =	sdelay $0x1  }
0xa1: {  	s23 =	simm.s32 $0x1B8B  }
0xa2: {  	_ =	swait.ge [sflag:s23], $0x1  }
0xa3: {  	[sflag:s23] =	ssyncset.done $0x0  }
0xa4: {  	s25 =	simm.s32 $0x1B8E;
	s24 =	sld [smem:$0x3FFE];
	[sflag:s23] =	ssyncadd.s32 $0xFFFFFFFF  }
0xa5: {  	s26 =	simm.s32 $execute0_lowered;
	[smem:$0x3FD2] =	sst s25  }
0xa6: {  	s5 =	sshll.u32 s26, $0x1;
	_ =	strace $0x80000049;
	[dreg:$0x1] =	wrdreg $0xFFFFFFFF  }
0xa7: {  	s28 =	simm.s32 $_size_execute0_lowered;
	s3 =	sadd.s32 s3, s5;
	[dreg:$0x0] =	wrdreg $0x0  }
0xa8: {  	s5 =	sshll.u32 s28, $0x1;
	[dreg:$0x2] =	wrdreg s3  }
0xa9: {  	[dreg:$0x3] =	wrdreg s5  }
0xaa: {  	[dreg:$0x4] =	wrdreg $0xC0  }
0xab: {  	_ =	task [dreg:s7], $0x5FFFF  }
0xac: {  	[dreg:$0x1] =	wrdreg $0xFFFFFFFF  }
0xad: {  	[dreg:$0x0] =	wrdreg $0x60  }
0xae: {  	[dreg:$0x2] =	wrdreg s24  }
0xaf: {  	[dreg:$0x3] =	wrdreg s2  }
0xb0: {  	[dreg:$0x4] =	wrdreg $0x80800  }
0xb1: {  	[dreg:$0x5] =	wrdreg $0x9  }
0xb2: {  	_ =	task.clear_ibuf [dreg:s7], $0x6FFFF;
	_ =	strace $0x90000049  }
0xb3: {  	s29 =	simm.s32 $0x9;
	_ =	strace $0x8000004B  }
0xb4: {  	_ =	swait.ge [sflag:s29], $0x1  }
0xb5: {  	[sflag:s29] =	ssyncadd.s32 $0xFFFFFFFF  }
0xb6: {  	_ =	strace $0x9000004B  }
0xb7: {  	_ =	sfence  }
0xb8: {  	s30 =	sld [smem:$0x0];
	_ =	sdelay $0x2  }
0xb9: {  	s31 =	sshll.u32 s1, $0xD;
	s1 =	sshrl.u32 s1, $0x2  }
0xba: {  	s3 =	sand.u32 $0x4000, s31;
	s1 =	sadd.s32 s1, s30  }
0xbb: {  	s0 =	sor.u32 s3, s0;
	s1 =	sshll.u32 s1, $0x11  }
0xbc: {  	s0 =	sor.u32 s1, s0  }
0xbd: {  	s0 =	sadd.s32 $0x8F2B, s0  }
0xbe: {  	[sflag:s0] =	ssyncadd.remote.s32 $0x1  }
0xbf: {  	_ =	sfence.sel $0xFFFF  }
0xc0: {  	[dreg:$0x0] =	wrdreg $0xFFFFFFFF;
	(pc) =	sbr.abs _section_cstart, $3  }
0xc1: {  	[dreg:$0x1] =	wrdreg $0xFFFFFFFF  }
0xc2: {  	_ =	task.clear_ibuf [dreg:s7], $0x2FFFF;
	_ =	strace $0x9FFFFFFF  }
0xc3: {  	(tm) =	ssettm $0x7FFFFFFF  }
tec
execute0_lowered:
.L_overlay_start_1:
0x0: {  	(tag) =	ssettag $0x1  }
0x1: {  	v0 =	vimm.s32 $0xEFCDAB89;
	vm0 =	vcmask $0xB08;
	vm1 =	vcmask $0x300  }
0x2: {  	v1 =	vimm.s32 $0x67452301;
	v2 =	vimm.s32 $0xDCFE98BA;
	v3 =	vimm.s32 $0x54761032  }
0x3: {  	vm2 =	vcmask $0x700;
	v4 =	vimm.s32 $0x32107654;
	v5 =	vimm.s32 $0xFEDCBA98  }
0x4: {  	v6 =	vimm.s32 $0x76543210;
	vm3 =	vcmask $0xF00;
	v7 =	vimm.s32 $0x2  }
0x5: {  	v8 =	vimm.s32 $0x3;
	v9 =	vimm.s32 $0x4;
	v10 =	vimm.s32 $0x5  }
0x6: {  	s8 =	rddreg [dreg:$0x0];
	v11 =	vimm.s32 $0x6;
	v12 =	vimm.s32 $0x7;
	v0 =	vunpack.c.l.s4.s8 v0  }
0x7: {  	s0 =	rddreg [dreg:$0x1];
	vm0 =	vmor vm1, vm0;
	vm1 =	vcmask $0x1310;
	v1 =	vunpack.c.l.s4.s8 v1  }
0x8: {  	s2 =	rddreg [dreg:$0x2];
	v2 =	vunpack.c.l.s4.s8 v2;
	v3 =	vunpack.c.l.s4.s8 v3;
	v4 =	vunpack.c.l.s4.s8 v4  }
0x9: {  	s1 =	rddreg [dreg:$0x3];
	s4 =	simm.s32 $0x0;
	s3 =	stileid.u32;
	v5 =	vunpack.c.l.s4.s8 v5;
	vm0 =	vmor vm0, vm1;
	vm1 =	vcmask $0x1B18  }
0xa: {  	s5 =	srdreg.scid;
	s16 =	simm.s32 $0x400;
	s17 =	simm.s32 $0x50;
	v6 =	vunpack.c.l.s4.s8 v6;
	v0 =	vunpack.c.0.s8.s32 v0;
	vm0 =	vmor vm0, vm1  }
0xb: {  	s18 =	simm.s32 $0x800;
	s19 =	simm.s32 $0x3000;
	s20 =	simm.s32 $0x1;
	vm1 =	vcmask $0x2320;
	v1 =	vunpack.c.0.s8.s32 v1;
	v2 =	vunpack.c.0.s8.s32 v2  }
0xc: {  	s21 =	simm.s32 $0x2;
	s22 =	simm.s32 $0x5800;
	s23 =	simm.s32 $0x0;
	v3 =	vunpack.c.0.s8.s32 v3;
	vm0 =	vmor vm0, vm1;
	vm1 =	vcmask $0x2B28  }
0xd: {  	[smem:$0x7FF] =	sst s4;
	s9 =	smul.u32 $0x13C00, s3;
	s10 =	sand.u32 $0x1, s5;
	v4 =	vunpack.c.0.s8.s32 v4;
	vm0 =	vmor vm0, vm1;
	vm1 =	vcmask $0x3330  }
0xe: {  	s5 =	sadd.s32 $0x14D000, s8;
	s6 =	sadd.s32 $0x166000, s8;
	s7 =	sadd.s32 $0xF9000, s8;
	v1 =	vcombine.low v1, v0;
	v2 =	vcombine.low v3, v2;
	v3 =	vimm.s32 $0xBA98FEDC  }
0xf: {  	s25 =	smul.u32 $0x4F000, s3;
	s30 =	sshll.u32 s3, $0x6;
	_ =	strace $0x8000004A;
	vm0 =	vmor vm0, vm1;
	vm1 =	vcmask $0x3B38;
	v3 =	vunpack.c.l.s4.s8 v3  }
0x10: {  	s11 =	smul.u32 $0x13C000, s10;
	s13 =	ssub.s32 $0x2, s10;
	s29 =	sshll.u32 s10, $0x4;
	v0 =	vimm.f32 $0.0e+00;
	vm0 =	vmor vm0, vm1;
	vm1 =	vcmask $0x1710  }
0x11: {  	s12 =	sshrl.u32 s9, $0x3;
	s26 =	sshrl.u32 s13, $0x1;
	s28 =	sshrl.u32 s25, $0x2;
	vm1 =	vmor vm2, vm1;
	vm2 =	vcmask $0x2720;
	v3 =	vunpack.c.0.s8.s32 v3  }
0x12: {  	s31 =	sor.u32 s3, s29;
	s9 =	sadd.s32 s9, s11;
	s12 =	sadd.s32 s12, s8;
	v1 =	vand.u32 $0xF, v1;
	v2 =	vand.u32 $0xF, v2;
	vm1 =	vmor vm1, vm2  }
0x13: {  	s13 =	ssub.s32 s13, s26;
	s15 =	sadd.s32 s28, s2;
	s9 =	sshrl.u32 s9, $0x3;
	vm2 =	vcmask $0x3730;
	v3 =	vcombine.low v4, v3;
	v4 =	vunpack.c.0.s8.s32 v5  }
0x14: {  	s10 =	smul.u32 $0x6400, s31;
	s14 =	sadd.s32 s9, s8;
	s8 =	sadd.s32 $0xD1800, s12;
	vm1 =	vmor vm1, vm2;
	vm2 =	vcmask $0x2F20;
	v5 =	vunpack.c.0.s8.s32 v6  }
0x15: {  	s9 =	sor.u32 $0x1C03, s30;
	s12 =	smax.u32 s13, $0x1;
	s13 =	sshrl.u32 s15, $0x3;
	v6 =	vimm.s32 $0x1;
	vm2 =	vmor vm3, vm2;
	v4 =	vand.u32 $0xF, v4  }
0x16: {  	s15 =	simm.s32 $0x8000;
	s11 =	sadd.s32 $0x3400, s14;
	s14 =	simm.s32 $0x3;
	v3 =	vand.u32 $0xF, v3;
	v4 =	vcombine.low v4, v5;
	v5 =	vimm.s32 $0x0  }
.LBB2_1:
0x17: {  	[spmem:s13], [sflag:s9] =	dma.local [hbm:s8], $0x2780  }
0x18: {  	_ =	swait.ge [sflag:s14], $0x2780  }
0x19: {  	[sflag:s14] =	ssyncset.done $0x0  }
0x1a: {  	[sflag:s14] =	ssyncadd.s32 $0xFFFFD880  }
0x1b: {  	[tilespmem:s15], [sflag:$0x3] =	stream.linear.gather [hbm4b:s0+s4], $0x80, $0x38;
	[tilespmem:$0x1BC80] =	vst v63  }
0x1c: {  	_ =	swait.ge [sflag:s14], $0x80  }
0x1d: {  	[sflag:s14] =	ssyncset.done $0x0  }
0x1e: {  	s24 =	simm.s32 $0x0;
	[sflag:s14] =	ssyncadd.s32 $0xFFFFFF80  }
0x1f: {  	[tilespmem:s24+$0x5870] =	vst v0  }
0x20: {  	[tilespmem:s24+$0x5820] =	vst v0  }
0x21: {  	[tilespmem:s24+$0x5830] =	vst v0  }
0x22: {  	[tilespmem:s24+$0x5840] =	vst v0  }
0x23: {  	s25 =	simm.s32 $0x200;
	[tilespmem:s24+$0x5850] =	vst v0  }
.LBB2_2:
0x24: {  	p0 =	sne.s32 s25, $0x9E00;
	[tilespmem:s24+$0x5860] =	vst v0;
	s24 =	sshra.s32 s25, $0x2;
	s25 =	sadd.s32 $0x200, s25  }
.Ltmp0:
0x25: {  	[tilespmem:s24+$0x5870] =	vst v0;
	(pc) =	sbr.rel @p0 .LBB2_2-.Ltmp0, $4  }
0x26: {  	[tilespmem:s24+$0x5820] =	vst v0  }
0x27: {  	[tilespmem:s24+$0x5830] =	vst v0  }
0x28: {  	[tilespmem:s24+$0x5840] =	vst v0  }
0x29: {  	[tilespmem:s24+$0x5850] =	vst v0  }
0x2a: {  	[tilespmem:s24+$0x5860] =	vst v0  }
0x2b: {  	s24 =	simm.s32 $0x0;
	s25 =	simm.s32 $0x0;
	[bflag:$0x0] =	sbarrier.arrive $0xFFFF  }
.LBB2_4:
0x2c: {  	s26 =	sshll.u32 s25, $0xA  }
0x2d: {  	s26 =	sadd.s32 s10, s26  }
0x2e: {  	s26 =	sshrl.u32 s26, $0x3  }
0x2f: {  	s28 =	sadd.s32 s5, s26  }
0x30: {  	[tilespmem:s24], [sflag:$0x3] =	stream.linear.gather [hbm4b:s28+s24], $0x280, $0x38;
	[tilespmem:$0x1BC80] =	vst v63  }
0x31: {  	_ =	swait.ge [sflag:s14], $0x280  }
0x32: {  	[sflag:s14] =	ssyncset.done $0x0  }
0x33: {  	s26 =	sadd.s32 s6, s26;
	[sflag:s14] =	ssyncadd.s32 $0xFFFFFD80  }
0x34: {  	[tilespmem:s16], [sflag:$0x3] =	stream.linear.gather [hbm4b:s26+s24], $0x280, $0x38;
	[tilespmem:$0x1BC80] =	vst v63  }
0x35: {  	_ =	swait.ge [sflag:s14], $0x280  }
0x36: {  	[sflag:s14] =	ssyncset.done $0x0  }
0x37: {  	s26 =	simm.s32 $0x0;
	[sflag:s14] =	ssyncadd.s32 $0xFFFFFD80  }
.LBB2_5:
0x38: {  	s28 =	sshll.u32 s26, $0x7  }
0x39: {  	[tilespmem:s18], [sflag:$0x1] =	stream.indirect.gather [hbm4b:s7+s17], $0x80, s28, s17, $0xb8;
	[tilespmem:$0x1BC80] =	vst v63  }
0x3a: {  	s28 =	sadd.s32 $0x400, s28  }
0x3b: {  	[tilespmem:s19], [sflag:$0x2] =	stream.indirect.gather [hbm4b:s7+s17], $0x80, s28, s17, $0xb8;
	[tilespmem:$0x1BC80] =	vst v63  }
0x3c: {  	_ =	swait.ge [sflag:s20], $0x2800  }
0x3d: {  	[sflag:s20] =	ssyncset.done $0x0  }
0x3e: {  	[sflag:s20] =	ssyncadd.s32 $0xFFFFD800  }
0x3f: {  	_ =	swait.ge [sflag:s21], $0x2800  }
0x40: {  	[sflag:s21] =	ssyncset.done $0x0  }
0x41: {  	s29 =	simm.s32 $0x0;
	[sflag:s21] =	ssyncadd.s32 $0xFFFFD800  }
0x42: {  	v20 =	vld [tilespmem:s29+$0x800]  }
0x43: {  	v16 =	vld [tilespmem:s29+$0x3020]  }
0x44: {  	v18 =	vld [tilespmem:s29+$0x880]  }
0x45: {  	v21 =	vld [tilespmem:s29+$0x30A0]  }
0x46: {  	v17 =	vld [tilespmem:s29+$0x900]  }
0x47: {  	v22 =	vld [tilespmem:s29+$0x3120]  }
0x48: {  	v19 =	vld [tilespmem:s29+$0x980]  }
0x49: {  	v23 =	vld [tilespmem:s29+$0x31A0]  }
0x4a: {  	v13 =	vld [tilespmem:s29+$0xA00]  }
0x4b: {  	v27 =	vld [tilespmem:s29+$0x3220]  }
0x4c: {  	v14 =	vld [tilespmem:s29+$0xA80]  }
0x4d: {  	v31 =	vld [tilespmem:s29+$0x32A0]  }
0x4e: {  	v15 =	vld [tilespmem:s29+$0xB00]  }
0x4f: {  	v33 =	vld [tilespmem:s29+$0x3320]  }
0x50: {  	v29 =	vld [tilespmem:s29+$0x33A0]  }
0x51: {  	v24 =	vadd.f32 v16, v20;
	v16 =	vld [tilespmem:s29+$0xB80]  }
0x52: {  	v25 =	vadd.f32 v21, v18  }
0x53: {  	v26 =	vadd.f32 v22, v17;
	v22 =	vadd.f32 v23, v19  }
0x54: {  	v28 =	vadd.f32 v27, v13;
	v23 =	vadd.f32 v31, v14;
	v30 =	vmul.f32 $2.000000030e-01, v24  }
0x55: {  	s30 =	simm.s32 $0x1000;
	v21 =	vld [tilespmem:$0x8000];
	v27 =	vadd.f32 v33, v15;
	v32 =	vmul.f32 $2.000000030e-01, v25;
	v31 =	vmul.f32 $2.000000030e-01, v26  }
.LBB2_6:
0x56: {  	p0 =	sne.s32 s30, $0x9000;
	v33 =	vmul.f32 $2.000000030e-01, v22;
	v34 =	vmul.f32 $2.000000030e-01, v28;
	v29 =	vadd.f32 v29, v16  }
0x57: {  	v35 =	vmul.f32 $2.000000030e-01, v23;
	v36 =	vmul.f32 $2.000000030e-01, v27  }
0x58: {  	v24 =	vmax.f32 v24, v30;
	v25 =	vmax.f32 v25, v32;
	v30 =	vmul.f32 $2.000000030e-01, v29  }
0x59: {  	v26 =	vmax.f32 v26, v31;
	v22 =	vmax.f32 v22, v33;
	v28 =	vmax.f32 v28, v34  }
0x5a: {  	v23 =	vmax.f32 v23, v35;
	v24 =	vmul.f32 v24, v21;
	v25 =	vmul.f32 v25, v21  }
0x5b: {  	v27 =	vmax.f32 v27, v36;
	v26 =	vmul.f32 v26, v21;
	v22 =	vmul.f32 v22, v21  }
0x5c: {  	v28 =	vmul.f32 v28, v21;
	v23 =	vmul.f32 v23, v21;
	v29 =	vmax.f32 v29, v30  }
0x5d: {  	v27 =	vmul.f32 v27, v21;
	v21 =	vmul.f32 v29, v21  }
0x5e: {  	v29 =	vperm.xlane v24, v1;
	v30 =	vperm.xlane v25, v1  }
0x5f: {  	v31 =	vperm.xlane v26, v1;
	v32 =	vperm.xlane v22, v1  }
0x60: {  	v33 =	vperm.xlane v28, v1;
	v34 =	vperm.xlane v23, v1  }
0x61: {  	v24 =	vadd.f32 v29, v24;
	v25 =	vadd.f32 v30, v25;
	v29 =	vperm.xlane v27, v1  }
0x62: {  	v26 =	vadd.f32 v31, v26;
	v22 =	vadd.f32 v32, v22;
	v30 =	vperm.xlane v21, v1  }
0x63: {  	v28 =	vadd.f32 v33, v28;
	v23 =	vadd.f32 v34, v23  }
0x64: {  	v27 =	vadd.f32 v29, v27;
	v21 =	vadd.f32 v30, v21  }
0x65: {  	v24 =	vsel vm0, v24, v25;
	v22 =	vsel vm0, v26, v22;
	v23 =	vsel vm0, v28, v23  }
0x66: {  	v25 =	vperm.xlane v24, v2;
	v26 =	vperm.xlane v22, v2;
	v21 =	vsel vm0, v27, v21  }
0x67: {  	v27 =	vperm.xlane v23, v2;
	v28 =	vperm.xlane v21, v2  }
0x68: {  	v24 =	vadd.f32 v25, v24;
	v22 =	vadd.f32 v26, v22  }
0x69: {  	v23 =	vadd.f32 v27, v23;
	v21 =	vadd.f32 v28, v21;
	_ =	sdelay $0x1  }
0x6a: {  	v22 =	vsel vm1, v24, v22;
	v21 =	vsel vm1, v23, v21  }
0x6b: {  	v23 =	vperm.xlane v22, v3;
	v24 =	vperm.xlane v21, v3;
	_ =	sdelay $0x1  }
0x6c: {  	v22 =	vadd.f32 v23, v22;
	v21 =	vadd.f32 v24, v21;
	_ =	sdelay $0x1  }
0x6d: {  	v21 =	vsel vm2, v22, v21  }
0x6e: {  	v22 =	vperm.xlane v21, v4;
	_ =	sdelay $0x1  }
0x6f: {  	v21 =	vadd.f32 v21, v22;
	_ =	sdelay $0x1  }
0x70: {  	v21 =	vmul.f32 $1.442695020e+00, v21;
	_ =	sdelay $0x1  }
0x71: {  	(erf) = vpow2.f32 v21;
	_ =	sdelay $0x2  }
0x72: {  	v21 =	vld [tilespmem:s29+$0x810]  }
0x73: {  	v22 =	vld [tilespmem:s29+$0x890]  }
0x74: {  	v23 =	vld [tilespmem:s29+$0x910]  }
0x75: {  	v24 =	vld [tilespmem:s29+$0x990]  }
0x76: {  	v25 =	vld [tilespmem:s29+$0xA10]  }
0x77: {  	v26 =	vld [tilespmem:s29+$0xA90]  }
0x78: {  	v27 =	vld [tilespmem:s29+$0xB10];
	v28 =	vpop (erf)  }
0x79: {  	s31 =	sshra.s32 s30, $0x2;
	v29 =	vld [tilespmem:s29+$0xB90];
	v30 =	vperm.xlane v28, v5;
	v31 =	vperm.xlane v28, v6  }
0x7a: {  	v33 =	vperm.xlane v28, v7;
	v34 =	vperm.xlane v28, v8;
	v32 =	vld [tilespmem:s31+$0x800]  }
0x7b: {  	v35 =	vld [tilespmem:s31+$0x3020];
	v20 =	vmul.f32 v30, v20;
	v21 =	vmul.f32 v30, v21  }
0x7c: {  	v30 =	vmul.f32 v31, v18;
	v22 =	vmul.f32 v31, v22;
	v18 =	vld [tilespmem:s31+$0x880]  }
0x7d: {  	v36 =	vmul.f32 v33, v17;
	v23 =	vmul.f32 v33, v23;
	v31 =	vld [tilespmem:s31+$0x30A0];
	[tilespmem:s29+$0x5800] =	vst v20  }
0x7e: {  	v24 =	vmul.f32 v34, v24;
	v17 =	vld [tilespmem:s31+$0x900];
	[tilespmem:s29+$0x5810] =	vst v21;
	v21 =	vmul.f32 v34, v19  }
0x7f: {  	v34 =	vperm.xlane v28, v10;
	v33 =	vld [tilespmem:s31+$0x3120];
	[tilespmem:s29+$0x5880] =	vst v30;
	v30 =	vperm.xlane v28, v9;
	v20 =	vmov v32  }
0x80: {  	v19 =	vld [tilespmem:s31+$0x980];
	[tilespmem:s29+$0x5890] =	vst v22;
	v22 =	vperm.xlane v28, v11;
	v28 =	vperm.xlane v28, v12  }
0x81: {  	v32 =	vld [tilespmem:s31+$0x31A0];
	[tilespmem:s29+$0x5900] =	vst v36;
	v36 =	vmul.f32 v30, v13;
	v25 =	vmul.f32 v30, v25  }
0x82: {  	v26 =	vmul.f32 v34, v26;
	v13 =	vld [tilespmem:s31+$0xA00];
	[tilespmem:s29+$0x5910] =	vst v23;
	v23 =	vmul.f32 v34, v14  }
0x83: {  	v34 =	vld [tilespmem:s31+$0x3220];
	[tilespmem:s29+$0x5980] =	vst v21;
	v21 =	vmul.f32 v22, v15;
	v22 =	vmul.f32 v22, v27  }
0x84: {  	v37 =	vmul.f32 v28, v29;
	v27 =	vmul.f32 v28, v16;
	v14 =	vld [tilespmem:s31+$0xA80];
	[tilespmem:s29+$0x5990] =	vst v24  }
0x85: {  	v38 =	vld [tilespmem:s31+$0x32A0];
	[tilespmem:s29+$0x5A00] =	vst v36  }
0x86: {  	v15 =	vld [tilespmem:s31+$0xB00];
	[tilespmem:s29+$0x5A10] =	vst v25  }
0x87: {  	v36 =	vld [tilespmem:s31+$0x3320];
	[tilespmem:s29+$0x5A80] =	vst v23  }
0x88: {  	v16 =	vld [tilespmem:s31+$0xB80];
	[tilespmem:s29+$0x5A90] =	vst v26  }
.Ltmp1:
0x89: {  	v29 =	vld [tilespmem:s31+$0x33A0];
	[tilespmem:s29+$0x5B00] =	vst v21;
	(pc) =	sbr.rel @p0 .LBB2_6-.Ltmp1, $4  }
0x8a: {  	v24 =	vadd.f32 v35, v20;
	v25 =	vadd.f32 v31, v18;
	[tilespmem:s29+$0x5B10] =	vst v22  }
0x8b: {  	v26 =	vadd.f32 v33, v17;
	v22 =	vadd.f32 v32, v19;
	[tilespmem:s29+$0x5B80] =	vst v27  }
0x8c: {  	v30 =	vmul.f32 $2.000000030e-01, v24;
	v28 =	vadd.f32 v34, v13;
	v23 =	vadd.f32 v38, v14;
	[tilespmem:s29+$0x5B90] =	vst v37;
	s29 =	smov.u32 s31  }
0x8d: {  	s30 =	sadd.s32 $0x1000, s30;
	v32 =	vmul.f32 $2.000000030e-01, v25;
	v31 =	vmul.f32 $2.000000030e-01, v26;
	v27 =	vadd.f32 v36, v15;
	v21 =	vld [tilespmem:$0x8000]  }
0x8e: {  	v33 =	vmul.f32 $2.000000030e-01, v22;
	v34 =	vmul.f32 $2.000000030e-01, v28  }
0x8f: {  	v29 =	vadd.f32 v29, v16;
	v35 =	vmul.f32 $2.000000030e-01, v23;
	v24 =	vmax.f32 v24, v30  }
0x90: {  	v36 =	vmul.f32 $2.000000030e-01, v27;
	v25 =	vmax.f32 v25, v32;
	v26 =	vmax.f32 v26, v31  }
0x91: {  	v57 =	vmul.f32 $2.000000030e-01, v29;
	v22 =	vmax.f32 v22, v33;
	v28 =	vmax.f32 v28, v34  }
0x92: {  	v23 =	vmax.f32 v23, v35;
	v24 =	vmul.f32 v24, v21;
	v25 =	vmul.f32 v25, v21  }
0x93: {  	v27 =	vmax.f32 v27, v36;
	v26 =	vmul.f32 v26, v21;
	v22 =	vmul.f32 v22, v21  }
0x94: {  	v28 =	vmul.f32 v28, v21;
	v23 =	vmul.f32 v23, v21;
	v29 =	vmax.f32 v29, v57  }
0x95: {  	v27 =	vmul.f32 v27, v21;
	v58 =	vmul.f32 v29, v21  }
0x96: {  	v59 =	vperm.xlane v24, v1;
	v60 =	vperm.xlane v25, v1  }
0x97: {  	v61 =	vperm.xlane v26, v1;
	v62 =	vperm.xlane v22, v1  }
0x98: {  	v63 =	vperm.xlane v28, v1;
	v36 =	vperm.xlane v23, v1  }
0x99: {  	v37 =	vperm.xlane v27, v1;
	v24 =	vadd.f32 v59, v24;
	v25 =	vadd.f32 v60, v25  }
0x9a: {  	v38 =	vperm.xlane v58, v1;
	v26 =	vadd.f32 v61, v26;
	v22 =	vadd.f32 v62, v22  }
0x9b: {  	v28 =	vadd.f32 v63, v28;
	v23 =	vadd.f32 v36, v23  }
0x9c: {  	v27 =	vadd.f32 v37, v27;
	v21 =	vadd.f32 v38, v58  }
0x9d: {  	v24 =	vsel vm0, v24, v25;
	v22 =	vsel vm0, v26, v22;
	v23 =	vsel vm0, v28, v23  }
0x9e: {  	v21 =	vsel vm0, v27, v21;
	v25 =	vperm.xlane v24, v2;
	v26 =	vperm.xlane v22, v2  }
0x9f: {  	v39 =	vperm.xlane v23, v2;
	v40 =	vperm.xlane v21, v2  }
0xa0: {  	v24 =	vadd.f32 v25, v24;
	v22 =	vadd.f32 v26, v22  }
0xa1: {  	v23 =	vadd.f32 v39, v23;
	v21 =	vadd.f32 v40, v21;
	_ =	sdelay $0x1  }
0xa2: {  	v22 =	vsel vm1, v24, v22;
	v21 =	vsel vm1, v23, v21  }
0xa3: {  	v41 =	vperm.xlane v22, v3;
	v42 =	vperm.xlane v21, v3;
	_ =	sdelay $0x1  }
0xa4: {  	v22 =	vadd.f32 v41, v22;
	v21 =	vadd.f32 v42, v21;
	_ =	sdelay $0x1  }
0xa5: {  	v21 =	vsel vm2, v22, v21  }
0xa6: {  	v22 =	vperm.xlane v21, v4;
	_ =	sdelay $0x1  }
0xa7: {  	v21 =	vadd.f32 v21, v22;
	_ =	sdelay $0x1  }
0xa8: {  	v21 =	vmul.f32 $1.442695020e+00, v21;
	_ =	sdelay $0x1  }
0xa9: {  	(erf) = vpow2.f32 v21;
	_ =	sdelay $0x7  }
0xaa: {  	v43 =	vld [tilespmem:s29+$0x810]  }
0xab: {  	v47 =	vpop (erf)  }
0xac: {  	v44 =	vld [tilespmem:s29+$0x890];
	v49 =	vperm.xlane v47, v5;
	_ =	sdelay $0x1  }
0xad: {  	v45 =	vld [tilespmem:s29+$0x910];
	v52 =	vperm.xlane v47, v6;
	v20 =	vmul.f32 v49, v20  }
0xae: {  	v21 =	vmul.f32 v49, v43  }
0xaf: {  	v46 =	vld [tilespmem:s29+$0x990];
	v54 =	vperm.xlane v47, v7;
	v18 =	vmul.f32 v52, v18;
	[tilespmem:s29+$0x5800] =	vst v20  }
0xb0: {  	v55 =	vmul.f32 v52, v44;
	[tilespmem:s29+$0x5810] =	vst v21  }
0xb1: {  	v48 =	vld [tilespmem:s29+$0xA10];
	v56 =	vperm.xlane v47, v8;
	v17 =	vmul.f32 v54, v17;
	[tilespmem:s29+$0x5880] =	vst v18  }
0xb2: {  	v57 =	vmul.f32 v54, v45;
	[tilespmem:s29+$0x5890] =	vst v55  }
0xb3: {  	v58 =	vperm.xlane v47, v9;
	v19 =	vmul.f32 v56, v19;
	[tilespmem:s29+$0x5900] =	vst v17  }
0xb4: {  	v50 =	vld [tilespmem:s29+$0xA90];
	v59 =	vmul.f32 v56, v46;
	[tilespmem:s29+$0x5910] =	vst v57  }
0xb5: {  	v51 =	vld [tilespmem:s29+$0xB10];
	v60 =	vperm.xlane v47, v10;
	v13 =	vmul.f32 v58, v13;
	[tilespmem:s29+$0x5980] =	vst v19  }
0xb6: {  	v53 =	vld [tilespmem:s29+$0xB90];
	v62 =	vperm.xlane v47, v11;
	v61 =	vmul.f32 v58, v48;
	[tilespmem:s29+$0x5990] =	vst v59  }
0xb7: {  	v14 =	vmul.f32 v60, v14;
	[tilespmem:s29+$0x5A00] =	vst v13  }
0xb8: {  	v15 =	vmul.f32 v62, v15;
	[tilespmem:s29+$0x5A10] =	vst v61  }
0xb9: {  	v63 =	vperm.xlane v47, v12;
	v13 =	vmul.f32 v60, v50;
	[tilespmem:s29+$0x5A80] =	vst v14  }
0xba: {  	v14 =	vmul.f32 v62, v51;
	[tilespmem:s29+$0x5B00] =	vst v15  }
0xbb: {  	v15 =	vmul.f32 v63, v53;
	[tilespmem:s29+$0x5A90] =	vst v13  }
0xbc: {  	s26 =	sadd.s32 $0x1, s26;
	v13 =	vmul.f32 v63, v16;
	[tilespmem:s29+$0x5B10] =	vst v14  }
0xbd: {  	p0 =	sne.s32 s26, $0x5;
	[tilespmem:s29+$0x5B90] =	vst v15  }
.Ltmp2:
0xbe: {  	[tilespmem:s29+$0x5B80] =	vst v13;
	(pc) =	sbr.rel @p0 .LBB2_5-.Ltmp2, $4  }
0xbf: {  	[spmem:s2] =	stream.indirect.scatter.add.f32 [tilespmem:s22], [sflag:$0x3], $0x80, s28, s17, $0xb8;
	[tilespmem:$0x1BC80] =	vst v63  }
0xc0: {  	_ =	swait.ge [sflag:s14], $0x2800  }
0xc1: {  	[sflag:s14] =	ssyncset.done $0x0  }
0xc2: {  	[sflag:s14] =	ssyncadd.s32 $0xFFFFD800  }
0xc3: {  	s25 =	sadd.s32 $0x1, s25  }
0xc4: {  	p0 =	sne.s32 s25, $0x19  }
.Ltmp3:
0xc5: {  	_ = 	snop;
	(pc) =	sbr.rel @p0 .LBB2_4-.Ltmp3, $1  }
0xc6: {  	_ =	sdelay $0x3  }
0xc7: {  	s23 =	sadd.s32 $0x1, s23  }
0xc8: {  	p0 =	sne.s32 s23, s12  }
.Ltmp4:
0xc9: {  	[bflag:$0x0] =	sbarrier.arrive $0xFFFF;
	(pc) =	sbr.rel @p0 .LBB2_1-.Ltmp4, $4  }
0xca: {  	[hbm:s11], [sflag:s9] =	dma.local [spmem:s13], $0x2780  }
0xcb: {  	_ =	swait.ge [sflag:s14], $0x2780  }
0xcc: {  	[sflag:s14] =	ssyncset.done $0x0  }
0xcd: {  	[sflag:s14] =	ssyncadd.s32 $0xFFFFD880  }
0xce: {  	_ =	sfence.sel $0x180000  }
0xcf: {  	[bflag:$0x0] =	sbarrier.arrive $0xFFFF  }
0xd0: {  	p0 =	sne.s32 s3, $0x0;
	_ =	strace $0x9000004A  }
0xd1: {  	s0 =	sadd.s32 @!p0 $0x100000, s1;
	[bflag:$0x2] =	sbarrier.arrive $0xFFFF  }
0xd2: {  	[sflag:s0] =	ssyncadd.tile.s32 @!p0 $0x1;
	_ =	shalt  }
.Lfunc_end2:
_tile_overlayer_lowered:
.L_overlay_start_2:
0xd3: {  	(tag) =	ssettag $0x2  }
0xd4: {  	s0 =	rddreg [dreg:$0x0];
	s2 =	stileid.u32  }
0xd5: {  	s1 =	rddreg [dreg:$0x1];
	p0 =	sne.s32 s2, $0x0  }
0xd6: {  	s3 =	rddreg [dreg:$0x2];
	[bflag:$0x3] =	sbarrier.arrive $0xFFFF;
	s2 =	simm.s32 @!p0 $0x1C03  }
0xd7: {  	[timem:s3], [sflag:s2] =	dma.local @!p0 [hbm:s0], s1  }
0xd8: {  	s0 =	simm.s32 @!p0 $0x3  }
0xd9: {  	_ =	swait.ge @!p0 [sflag:s0], s1  }
0xda: {  	s1 =	ssub.s32 @!p0 $0x0, s1;
	[sflag:s0] =	ssyncset.done @!p0 $0x0  }
0xdb: {  	[sflag:s0] =	ssyncadd.s32 @!p0 s1  }
0xdc: {  	[bflag:$0x3] =	sbarrier.arrive $0xFFFF  }
0xdd: {  	_ =	shalt  }

// kernel: kernel.7.cloned.1.call-start
scs
__scs_entry_jumppad:
0x0: {  	(pc) =	sbr.rel $0x88, $3  }
0x1: {  	(tag) =	ssettag $0x0;
	lr =	simm.s32 $0x1  }
0x2: {  	[smem:$0x3F8E] =	sst lr;
	_ =	strace $0xD0000000  }
0x3: {  	_ = 	snop  }
0x4: {  	_ = 	snop  }
0x5: {  	_ = 	snop  }
0x6: {  	_ = 	snop  }
0x7: {  	_ = 	snop  }
__scs_overlays_trampoline_lowered:
0x8: {  	[smem:$0x3F9D] =	sst s0  }
0x9: {  	[smem:$0x3F9E] =	sst s1  }
0xa: {  	[smem:$0x3F9F] =	sst s2  }
0xb: {  	[smem:$0x3FA0] =	sst s3  }
0xc: {  	[smem:$0x3FA1] =	sst s4  }
0xd: {  	[smem:$0x3FA2] =	sst s5  }
0xe: {  	[smem:$0x3FA3] =	sst s6  }
0xf: {  	[smem:$0x3FA4] =	sst s7  }
0x10: {  	[smem:$0x3FA5] =	sst s8  }
0x11: {  	[smem:$0x3FA6] =	sst s9;
	s0 =	simm.s32 @!p0 $0x0  }
0x12: {  	s1 =	sld [smem:$0x3F8C];
	s0 =	simm.s32 @p0 $0x1  }
0x13: {  	[smem:$0x3FA7] =	sst s0;
	s0 =	simm.s32 @!p1 $0x0  }
0x14: {  	s2 =	sld [smem:$0x3F8B];
	s0 =	simm.s32 @p1 $0x1  }
0x15: {  	[smem:$0x3FA8] =	sst s0;
	s0 =	simm.s32 @!p2 $0x0  }
0x16: {  	s3 =	sld [smem:$0x3FDB];
	s0 =	simm.s32 @p2 $0x1  }
0x17: {  	s4 =	simm.s32 $0x1BF5;
	[smem:$0x3FAA] =	sst s0  }
0x18: {  	s0 =	sld [smem:$0x3F8D];
	_ =	swait.ge [sflag:s4], $0x0  }
0x19: {  	s7 =	sld [smem:$0x3F8E]  }
0x1a: {  	s8 =	sadd.s32 $0xFFFFE003, lr  }
0x1b: {  	s9 =	sadd.s32 $0xFFFFFEF7, lr;
	s5 =	simm.s32 $0xFFFFFFFF;
	p2 =	slt.u32 s8, $0xFFFFF086  }
0x1c: {  	p1 =	slt.u32 s9, $0xF7A;
	s5 =	simm.s32 @!p2 $0x0  }
0x1d: {  	s5 =	simm.s32 @p1 $0x1;
	p0 =	seq.s32 s7, s2  }
0x1e: {  	s7 =	smul.u32 @!p0 $0xF7A, s2;
	p2 =	seq.s32 @!p0 s5, $0x0  }
0x1f: {  	s9 =	smul.u32 $0xF7A, s1;
	s8 =	simm.s32 @!p0 $0x1BF5;
	p2 =	por !p2, p0  }
0x20: {  	[sflag:s8] =	ssyncset.s32 @!p0 $0xFFFFF086;
	s6 =	sadd.s32 @!p0 s3, s7;
	s7 =	simm.s32 @!p0 $0x108  }
0x21: {  	s3 =	sadd.s32 s3, s9;
	s6 =	sadd.s32 @!p0 $0x88, s6;
	s7 =	simm.s32 @p2 $0x1082  }
0x22: {  	[simem:s7], [sflag:s8] =	dma.local @!p0 [hbm:s6], $0xF7A  }
0x23: {  	s9 =	sor.u32 $0xD0000000, s2;
	s6 =	simm.s32 $0x108;
	_ =	swait.ge @!p0 [sflag:s8], $0x0  }
0x24: {  	s3 =	sadd.s32 $0x88, s3;
	s6 =	simm.s32 @!p1 $0x1082;
	[sflag:s4] =	ssyncset.s32 $0xFFFFF086  }
0x25: {  	[simem:s6], [sflag:s4] =	dma.local [hbm:s3], $0xF7A  }
0x26: {  	[smem:$0x3F8E] =	sst s1;
	(tag) =	ssettag s2;
	_ =	strace s9  }
0x27: {  	s1 =	sld [smem:$0x3F9E]  }
0x28: {  	s2 =	sld [smem:$0x3F9F]  }
0x29: {  	s4 =	sld [smem:$0x3FA1]  }
0x2a: {  	p0 =	seq.s32 s5, $0x0;
	s5 =	sld [smem:$0x3FA2]  }
0x2b: {  	s6 =	sld [smem:$0x3FA3]  }
0x2c: {  	s7 =	sld [smem:$0x3FA4]  }
0x2d: {  	s3 =	simm.s32 $0x108;
	s8 =	sld [smem:$0x3FA5]  }
0x2e: {  	s3 =	simm.s32 @!p0 $0x1082;
	s9 =	sld [smem:$0x3FA6]  }
0x2f: {  	lr =	sadd.s32 s0, s3;
	s0 =	sld [smem:$0x3F9D]  }
0x30: {  	s3 =	sld [smem:$0x3FA0]  }
0x31: {  	[smem:$0x3FA9] =	sst s10  }
0x32: {  	s10 =	sld [smem:$0x3FA7];
	_ =	sdelay $0x3  }
0x33: {  	p0 =	seq.s32 s10, $0x1;
	s10 =	sld [smem:$0x3FA9];
	_ =	sdelay $0x3  }
0x34: {  	[smem:$0x3FA9] =	sst s10  }
0x35: {  	s10 =	sld [smem:$0x3FA8];
	_ =	sdelay $0x3  }
0x36: {  	p1 =	seq.s32 s10, $0x1;
	s10 =	sld [smem:$0x3FA9];
	_ =	sdelay $0x3  }
0x37: {  	[smem:$0x3FA9] =	sst s10  }
0x38: {  	s10 =	sld [smem:$0x3FAA]  }
0x39: {  	_ = 	snop;
	(pc) =	sbr.ind lr, $3  }
0x3a: {  	_ = 	snop  }
0x3b: {  	_ = 	snop  }
0x3c: {  	p2 =	seq.s32 s10, $0x1;
	s10 =	sld [smem:$0x3FA9]  }
0x3d: {  	_ =	shalt  }
0x3e: {  	_ =	shalt  }
0x3f: {  	_ =	shalt  }
0x40: {  	_ =	shalt  }
0x41: {  	_ =	shalt  }
0x42: {  	_ =	shalt  }
0x43: {  	_ =	shalt  }
0x44: {  	_ =	shalt  }
0x45: {  	_ =	shalt  }
0x46: {  	_ =	shalt  }
0x47: {  	_ =	shalt  }
0x48: {  	_ =	shalt  }
0x49: {  	_ =	shalt  }
0x4a: {  	_ =	shalt  }
0x4b: {  	_ =	shalt  }
0x4c: {  	_ =	shalt  }
0x4d: {  	_ =	shalt  }
0x4e: {  	_ =	shalt  }
0x4f: {  	_ =	shalt  }
0x50: {  	_ =	shalt  }
0x51: {  	_ =	shalt  }
0x52: {  	_ =	shalt  }
0x53: {  	_ =	shalt  }
0x54: {  	_ =	shalt  }
0x55: {  	_ =	shalt  }
0x56: {  	_ =	shalt  }
0x57: {  	_ =	shalt  }
0x58: {  	_ =	shalt  }
0x59: {  	_ =	shalt  }
0x5a: {  	_ =	shalt  }
0x5b: {  	_ =	shalt  }
0x5c: {  	_ =	shalt  }
0x5d: {  	_ =	shalt  }
0x5e: {  	_ =	shalt  }
0x5f: {  	_ =	shalt  }
0x60: {  	_ =	shalt  }
0x61: {  	_ =	shalt  }
0x62: {  	_ =	shalt  }
0x63: {  	_ =	shalt  }
0x64: {  	_ =	shalt  }
0x65: {  	_ =	shalt  }
0x66: {  	_ =	shalt  }
0x67: {  	_ =	shalt  }
0x68: {  	_ =	shalt  }
0x69: {  	_ =	shalt  }
0x6a: {  	_ =	shalt  }
0x6b: {  	_ =	shalt  }
0x6c: {  	_ =	shalt  }
0x6d: {  	_ =	shalt  }
0x6e: {  	_ =	shalt  }
0x6f: {  	_ =	shalt  }
0x70: {  	_ =	shalt  }
0x71: {  	_ =	shalt  }
0x72: {  	_ =	shalt  }
0x73: {  	_ =	shalt  }
0x74: {  	_ =	shalt  }
0x75: {  	_ =	shalt  }
0x76: {  	_ =	shalt  }
0x77: {  	_ =	shalt  }
0x78: {  	_ =	shalt  }
0x79: {  	_ =	shalt  }
0x7a: {  	_ =	shalt  }
0x7b: {  	_ =	shalt  }
0x7c: {  	_ =	shalt  }
0x7d: {  	_ =	shalt  }
0x7e: {  	_ =	shalt  }
0x7f: {  	_ =	shalt  }
0x80: {  	_ =	shalt  }
0x81: {  	_ =	shalt  }
0x82: {  	_ =	shalt  }
0x83: {  	_ =	shalt  }
0x84: {  	_ =	shalt  }
0x85: {  	_ =	shalt  }
0x86: {  	_ =	shalt  }
0x87: {  	_ =	shalt  }
.Lfunc_end0:
.L_simem_size_0:
called_computation_lowered:
.L_overlay_start_0:
0x88: {  	s2 =	sld [smem:$0x3FD9]  }
0x89: {  	s3 =	sld [smem:$0x3FFE];
	_ =	sdelay $0x1  }
0x8a: {  	s1 =	srdreg.scid  }
0x8b: {  	s0 =	sand.u32 $0x1, s1  }
0x8c: {  	s17 =	sshll.u32 s0, $0xA;
	s2 =	sadd.s32 s3, s2  }
0x8d: {  	s2 =	sadd.s32 s2, s17  }
0x8e: {  	[smem:$0x3FB5] =	sst s2  }
0x8f: {  	_ = 	snop  }
0x90: {  	s2 =	sld [smem:$0x3FC2];
	(tm) =	ssettm $0x1  }
0x91: {  	s18 =	sld [smem:$0x3FFB];
	_ =	sdelay $0x3  }
0x92: {  	_ =	strace s18  }
0x93: {  	s3 =	sld [smem:$0x3FFC];
	_ =	sdelay $0x3  }
0x94: {  	_ =	strace s3  }
0x95: {  	s3 =	sld [smem:$0x3FFD];
	_ =	sdelay $0x3  }
0x96: {  	_ =	strace s3  }
0x97: {  	_ =	strace $0x8FFFFFFF  }
0x98: {  	s19 =	sld [smem:$0x3FDB];
	_ =	sdelay $0x1  }
0x99: {  	s4 =	simm.s32 $_scs_section_size  }
0x9a: {  	s5 =	simm.s32 $_size__tile_overlayer_lowered;
	s6 =	simm.s32 $_tile_overlayer_lowered  }
0x9b: {  	s22 =	simm.s32 $0x1BFF;
	s21 =	sshll.u32 s6, $0x1;
	s3 =	sadd.s32 s4, s19  }
0x9c: {  	s7 =	simm.s32 $0x0;
	s20 =	sshll.u32 s5, $0x1;
	s5 =	sadd.s32 s21, s3  }
0x9d: {  	[timem:s7], [sflag:s22] =	dma.local [hbm:s5], s20  }
0x9e: {  	_ =	swait.ge [sflag:s22], s20  }
0x9f: {  	s4 =	ssub.s32 $0x0, s20;
	[sflag:s22] =	ssyncset.done $0x0  }
0xa0: {  	[sflag:s22] =	ssyncadd.s32 s4;
	_ =	sdelay $0x1  }
0xa1: {  	s23 =	simm.s32 $0x1B8B  }
0xa2: {  	_ =	swait.ge [sflag:s23], $0x1  }
0xa3: {  	[sflag:s23] =	ssyncset.done $0x0  }
0xa4: {  	s25 =	simm.s32 $0x1B8E;
	s24 =	sld [smem:$0x3FFE];
	[sflag:s23] =	ssyncadd.s32 $0xFFFFFFFF  }
0xa5: {  	s26 =	simm.s32 $execute0_lowered;
	[smem:$0x3FD2] =	sst s25  }
0xa6: {  	s5 =	sshll.u32 s26, $0x1;
	_ =	strace $0x80000046;
	[dreg:$0x1] =	wrdreg $0xFFFFFFFF  }
0xa7: {  	s28 =	simm.s32 $_size_execute0_lowered;
	s3 =	sadd.s32 s3, s5;
	[dreg:$0x0] =	wrdreg $0x0  }
0xa8: {  	s5 =	sshll.u32 s28, $0x1;
	[dreg:$0x2] =	wrdreg s3  }
0xa9: {  	[dreg:$0x3] =	wrdreg s5  }
0xaa: {  	[dreg:$0x4] =	wrdreg $0xC0  }
0xab: {  	_ =	task [dreg:s7], $0x5FFFF  }
0xac: {  	[dreg:$0x1] =	wrdreg $0xFFFFFFFF  }
0xad: {  	[dreg:$0x0] =	wrdreg $0x60  }
0xae: {  	[dreg:$0x2] =	wrdreg s24  }
0xaf: {  	[dreg:$0x3] =	wrdreg s2  }
0xb0: {  	[dreg:$0x4] =	wrdreg $0x8C000  }
0xb1: {  	[dreg:$0x5] =	wrdreg $0x1C8000  }
0xb2: {  	[dreg:$0x6] =	wrdreg $0x9  }
0xb3: {  	_ =	task.clear_ibuf [dreg:s7], $0x7FFFF;
	_ =	strace $0x90000046  }
0xb4: {  	s29 =	simm.s32 $0x9;
	_ =	strace $0x80000048  }
0xb5: {  	_ =	swait.ge [sflag:s29], $0x1  }
0xb6: {  	[sflag:s29] =	ssyncadd.s32 $0xFFFFFFFF  }
0xb7: {  	_ =	strace $0x90000048  }
0xb8: {  	_ =	sfence  }
0xb9: {  	s30 =	sld [smem:$0x0];
	_ =	sdelay $0x2  }
0xba: {  	s31 =	sshll.u32 s1, $0xD;
	s1 =	sshrl.u32 s1, $0x2  }
0xbb: {  	s3 =	sand.u32 $0x4000, s31;
	s1 =	sadd.s32 s1, s30  }
0xbc: {  	s0 =	sor.u32 s3, s0;
	s1 =	sshll.u32 s1, $0x11  }
0xbd: {  	s0 =	sor.u32 s1, s0  }
0xbe: {  	s0 =	sadd.s32 $0x8F2B, s0  }
0xbf: {  	[sflag:s0] =	ssyncadd.remote.s32 $0x1  }
0xc0: {  	_ =	sfence.sel $0xFFFF  }
0xc1: {  	[dreg:$0x0] =	wrdreg $0xFFFFFFFF;
	(pc) =	sbr.abs _section_cstart, $3  }
0xc2: {  	[dreg:$0x1] =	wrdreg $0xFFFFFFFF  }
0xc3: {  	_ =	task.clear_ibuf [dreg:s7], $0x2FFFF;
	_ =	strace $0x9FFFFFFF  }
0xc4: {  	(tm) =	ssettm $0x7FFFFFFF  }
0xc5: {  	_ =	shalt  }
tec
execute0_lowered:
.L_overlay_start_1:
0x0: {  	(tag) =	ssettag $0x1  }
0x1: {  	v2 =	vimm.s32 $0xEFCDAB89;
	s4 =	rddreg [dreg:$0x0]  }
0x2: {  	v1 =	vimm.s32 $0x1;
	s2 =	rddreg [dreg:$0x1];
	v3 =	vimm.s32 $0x67452301;
	vm0 =	vcmask $0xB08  }
0x3: {  	s0 =	srdreg.scid;
	vm1 =	vcmask $0x300;
	s3 =	rddreg [dreg:$0x3];
	v5 =	vimm.s32 $0x54761032;
	vm2 =	vcmask $0x700  }
0x4: {  	s17 =	stileid.u32;
	s5 =	simm.s32 $0x0;
	v7 =	vimm.s32 $0xFEDCBA98;
	v8 =	vimm.s32 $0x76543210;
	s18 =	simm.s32 $0x3;
	vm3 =	vcmask $0xF00  }
0x5: {  	v9 =	vimm.s32 $0x3;
	v10 =	vimm.s32 $0x4;
	v11 =	vimm.s32 $0x5;
	s28 =	simm.s32 $0x6000;
	s29 =	simm.s32 $0x0;
	s9 =	smul.u32 $0x13C00, s17  }
0x6: {  	v12 =	vimm.s32 $0x6;
	s31 =	simm.s32 $0x0;
	s1 =	sand.u32 $0x1, s0;
	v2 =	vunpack.c.l.s4.s8 v2;
	v3 =	vunpack.c.l.s4.s8 v3;
	s11 =	smul.u32 $0x1400, s17  }
0x7: {  	vm0 =	vmor vm1, vm0;
	vm1 =	vcmask $0x1310;
	[smem:$0x7FF] =	sst s5;
	v5 =	vunpack.c.l.s4.s8 v5;
	s5 =	sadd.s32 $0x3400, s4;
	s15 =	smul.u32 $0x4F000, s17  }
0x8: {  	s6 =	sadd.s32 $0x1C400, s4;
	s7 =	sadd.s32 $0x35400, s4;
	s23 =	smul.u32 $0x5000, s17;
	vm0 =	vmor vm0, vm1;
	vm1 =	vcmask $0x1B18;
	v4 =	vunpack.c.0.s8.s32 v2  }
0x9: {  	s8 =	sadd.s32 $0x83600, s4;
	s13 =	sadd.s32 $0xD1800, s4;
	s0 =	smul.u32 $0x2710, s1;
	v3 =	vunpack.c.0.s8.s32 v3;
	vm0 =	vmor vm0, vm1;
	v2 =	vimm.s32 $0xDCFE98BA  }
0xa: {  	s24 =	sshll.u32 s17, $0x6;
	s10 =	smul.u32 $0x13C000, s1;
	s14 =	ssub.s32 $0x2, s1;
	vm1 =	vcmask $0x2320;
	v5 =	vunpack.c.0.s8.s32 v5;
	v6 =	vunpack.c.l.s4.s8 v2  }
0xb: {  	s12 =	smul.u32 $0x14000, s1;
	s1 =	sshll.u32 s1, $0x7;
	s20 =	sshrl.u32 s14, $0x1;
	vm0 =	vmor vm0, vm1;
	vm1 =	vcmask $0x2B28;
	v3 =	vcombine.low v3, v4  }
0xc: {  	s22 =	sshrl.u32 s15, $0x2;
	s25 =	sshrl.u32 s23, $0x2;
	s1 =	sadd.s32 s2, s1;
	vm0 =	vmor vm0, vm1;
	vm1 =	vcmask $0x3330;
	v4 =	vunpack.c.0.s8.s32 v6  }
0xd: {  	v7 =	vunpack.c.l.s4.s8 v7;
	s23 =	simm.s32 $0x1000;
	v0 =	vmov s0;
	s0 =	rddreg [dreg:$0x2];
	_ =	strace $0x80000047;
	vm0 =	vmor vm0, vm1  }
0xe: {  	s10 =	sadd.s32 s9, s10;
	s12 =	sadd.s32 s11, s12;
	s21 =	ssub.s32 s14, s20;
	v6 =	vimm.s32 $0x32107654;
	v4 =	vcombine.low v5, v4;
	v5 =	vimm.s32 $0xBA98FEDC  }
0xf: {  	s9 =	sshrl.u32 s9, $0x3;
	s11 =	sshrl.u32 s11, $0x3;
	[dreg:$0x7] =	wrdreg s1;
	vm1 =	vcmask $0x3B38;
	v6 =	vunpack.c.l.s4.s8 v6;
	v5 =	vunpack.c.l.s4.s8 v5  }
0x10: {  	v7 =	vunpack.c.0.s8.s32 v7;
	v2 =	vimm.s32 $0x7;
	s10 =	sshrl.u32 s10, $0x3;
	s12 =	sshrl.u32 s12, $0x3;
	s15 =	sadd.s32 s22, s0;
	vm0 =	vmor vm0, vm1  }
0x11: {  	s9 =	sadd.s32 s13, s9;
	s11 =	sadd.s32 s13, s11;
	s13 =	smul.u32 $0xC800, s17;
	vm1 =	vcmask $0x1710;
	v6 =	vunpack.c.0.s8.s32 v6;
	v5 =	vunpack.c.0.s8.s32 v5  }
0x12: {  	v7 =	vand.u32 $0xF, v7;
	s22 =	simm.s32 $0x50;
	s16 =	sadd.s32 s10, s4;
	s4 =	sadd.s32 s12, s4;
	v3 =	vand.u32 $0xF, v3;
	vm1 =	vmor vm2, vm1  }
0x13: {  	[dreg:$0x5] =	wrdreg s9;
	s10 =	sor.u32 $0x1C03, s24;
	s9 =	sadd.s32 s25, s3;
	vm2 =	vcmask $0x2720;
	v5 =	vcombine.low v6, v5;
	v6 =	vunpack.c.l.s4.s8 v8  }
0x14: {  	[dreg:$0x6] =	wrdreg s11;
	s17 =	sshrl.u32 s15, $0x3;
	s24 =	simm.s32 $0x3800;
	vm1 =	vmor vm1, vm2;
	vm2 =	vcmask $0x3730;
	v4 =	vand.u32 $0xF, v4  }
0x15: {  	s25 =	simm.s32 $0x1;
	s26 =	sadd.s32 $0xFE000, s16;
	s30 =	sadd.s32 $0xF9000, s4;
	vm1 =	vmor vm1, vm2;
	vm2 =	vcmask $0x2F20;
	v6 =	vunpack.c.0.s8.s32 v6  }
0x16: {  	s16 =	smax.u32 s21, $0x1;
	s19 =	sshrl.u32 s9, $0x3;
	[dreg:$0x8] =	wrdreg s26;
	vm2 =	vmor vm3, vm2;
	vm3 =	vmmov $0xff;
	v8 =	vimm.s32 $0x2  }
0x17: {  	s21 =	simm.s32 $0x400;
	[dreg:$0x9] =	wrdreg s30;
	s26 =	simm.s32 $0x2;
	v5 =	vand.u32 $0xF, v5;
	v6 =	vcombine.low v7, v6;
	v7 =	vimm.s32 $0x0  }
.LBB2_1:
0x18: {  	s1 =	rddreg [dreg:$0x5]  }
0x19: {  	[spmem:s17], [sflag:s10] =	dma.local [hbm:s1], $0x2780  }
0x1a: {  	_ =	swait.ge [sflag:s18], $0x2780  }
0x1b: {  	[sflag:s18] =	ssyncset.done $0x0  }
0x1c: {  	s15 =	rddreg [dreg:$0x6];
	[sflag:s18] =	ssyncadd.s32 $0xFFFFD880  }
0x1d: {  	[spmem:s19], [sflag:s10] =	dma.local [hbm:s15], $0x280  }
0x1e: {  	_ =	swait.ge [sflag:s18], $0x280  }
0x1f: {  	s20 =	simm.s32 $0x0;
	[sflag:s18] =	ssyncset.done $0x0  }
0x20: {  	s4 =	simm.s32 $0x8800;
	s2 =	rddreg [dreg:$0x7];
	[sflag:s18] =	ssyncadd.s32 $0xFFFFFD80  }
0x21: {  	[tilespmem:s4], [sflag:$0x3] =	stream.linear.gather [hbm4b:s2+s20], $0x400, $0x38;
	[tilespmem:$0x1DC00] =	vst v63  }
0x22: {  	_ =	swait.ge [sflag:s18], $0x400  }
0x23: {  	[sflag:s18] =	ssyncset.done $0x0  }
0x24: {  	[sflag:s18] =	ssyncadd.s32 $0xFFFFFC00  }
0x25: {  	s30 =	simm.s32 $0x0;
	[bflag:$0x0] =	sbarrier.arrive $0xFFFF  }
.LBB2_2:
0x26: {  	s1 =	sshll.u32 s30, $0xA  }
0x27: {  	s1 =	sadd.s32 s13, s1  }
0x28: {  	s1 =	sshrl.u32 s1, $0x3  }
0x29: {  	s2 =	sadd.s32 s5, s1  }
0x2a: {  	[tilespmem:s31], [sflag:$0x3] =	stream.linear.gather [hbm4b:s2+s31], $0x280, $0x38;
	[tilespmem:$0x1DC00] =	vst v63  }
0x2b: {  	_ =	swait.ge [sflag:s18], $0x280  }
0x2c: {  	[sflag:s18] =	ssyncset.done $0x0  }
0x2d: {  	s1 =	sadd.s32 s6, s1;
	[sflag:s18] =	ssyncadd.s32 $0xFFFFFD80  }
0x2e: {  	[tilespmem:s21], [sflag:$0x3] =	stream.linear.gather [hbm4b:s1+s31], $0x280, $0x38;
	[tilespmem:$0x1DC00] =	vst v63  }
0x2f: {  	_ =	swait.ge [sflag:s18], $0x280  }
0x30: {  	[sflag:s18] =	ssyncset.done $0x0  }
0x31: {  	[sflag:s18] =	ssyncadd.s32 $0xFFFFFD80  }
0x32: {  	v13 =	vld [tilespmem:$0x400];
	_ =	sdelay $0x1  }
0x33: {  	v14 =	vld [tilespmem:$0x0]  }
0x34: {  	v15 =	vld [tilespmem:$0x410];
	_ =	sdelay $0x1  }
0x35: {  	v17 =	vld [tilespmem:$0x10];
	v16 =	vadd.s32 v0, v13  }
0x36: {  	v41 =	vld [tilespmem:$0x420];
	v13 =	vshra.s32 v13, $0x4;
	[tilespmem:$0x800] =	vst v16  }
0x37: {  	[tilespmem:$0xC00] =	vst v13;
	v13 =	vadd.s32 v0, v14  }
0x38: {  	v14 =	vld [tilespmem:$0x20];
	[tilespmem:$0x0] =	vst v13;
	v13 =	vadd.s32 v0, v15  }
0x39: {  	[tilespmem:$0x810] =	vst v13;
	v13 =	vshra.s32 v15, $0x4;
	v15 =	vld [tilespmem:$0x430]  }
0x3a: {  	[tilespmem:$0xC10] =	vst v13;
	v13 =	vadd.s32 v0, v17  }
0x3b: {  	v42 =	vld [tilespmem:$0x30];
	[tilespmem:$0x10] =	vst v13;
	v13 =	vadd.s32 v0, v41  }
0x3c: {  	v43 =	vld [tilespmem:$0x440];
	[tilespmem:$0x820] =	vst v13;
	v13 =	vshra.s32 v41, $0x4  }
0x3d: {  	[tilespmem:$0xC20] =	vst v13;
	v13 =	vadd.s32 v0, v14  }
0x3e: {  	v14 =	vld [tilespmem:$0x40];
	[tilespmem:$0x20] =	vst v13;
	v13 =	vadd.s32 v0, v15  }
0x3f: {  	[tilespmem:$0x830] =	vst v13;
	v13 =	vshra.s32 v15, $0x4;
	v15 =	vld [tilespmem:$0x480]  }
0x40: {  	[tilespmem:$0xC30] =	vst v13;
	v13 =	vadd.s32 v0, v42  }
0x41: {  	v44 =	vld [tilespmem:$0x80];
	[tilespmem:$0x30] =	vst v13;
	v13 =	vadd.s32 v0, v43  }
0x42: {  	v45 =	vld [tilespmem:$0x490];
	[tilespmem:$0x840] =	vst v13;
	v13 =	vshra.s32 v43, $0x4  }
0x43: {  	[tilespmem:$0xC40] =	vst v13;
	v13 =	vadd.s32 v0, v14  }
0x44: {  	v14 =	vld [tilespmem:$0x90];
	[tilespmem:$0x40] =	vst v13;
	v13 =	vadd.s32 v0, v15  }
0x45: {  	[tilespmem:$0x880] =	vst v13;
	v13 =	vshra.s32 v15, $0x4;
	v15 =	vld [tilespmem:$0x4A0]  }
0x46: {  	[tilespmem:$0xC80] =	vst v13;
	v13 =	vadd.s32 v0, v44  }
0x47: {  	v46 =	vld [tilespmem:$0xA0];
	[tilespmem:$0x80] =	vst v13;
	v13 =	vadd.s32 v0, v45  }
0x48: {  	v47 =	vld [tilespmem:$0x4B0];
	[tilespmem:$0x890] =	vst v13;
	v13 =	vshra.s32 v45, $0x4  }
0x49: {  	[tilespmem:$0xC90] =	vst v13;
	v13 =	vadd.s32 v0, v14  }
0x4a: {  	v14 =	vld [tilespmem:$0xB0];
	[tilespmem:$0x90] =	vst v13;
	v13 =	vadd.s32 v0, v15  }
0x4b: {  	[tilespmem:$0x8A0] =	vst v13;
	v13 =	vshra.s32 v15, $0x4;
	v15 =	vld [tilespmem:$0x4C0]  }
0x4c: {  	[tilespmem:$0xCA0] =	vst v13;
	v13 =	vadd.s32 v0, v46  }
0x4d: {  	v48 =	vld [tilespmem:$0xC0];
	[tilespmem:$0xA0] =	vst v13;
	v13 =	vadd.s32 v0, v47  }
0x4e: {  	v49 =	vld [tilespmem:$0x500];
	[tilespmem:$0x8B0] =	vst v13;
	v13 =	vshra.s32 v47, $0x4  }
0x4f: {  	[tilespmem:$0xCB0] =	vst v13;
	v13 =	vadd.s32 v0, v14  }
0x50: {  	v14 =	vld [tilespmem:$0x100];
	[tilespmem:$0xB0] =	vst v13;
	v13 =	vadd.s32 v0, v15  }
0x51: {  	[tilespmem:$0x8C0] =	vst v13;
	v13 =	vshra.s32 v15, $0x4;
	v15 =	vld [tilespmem:$0x510]  }
0x52: {  	[tilespmem:$0xCC0] =	vst v13;
	v13 =	vadd.s32 v0, v48  }
0x53: {  	v50 =	vld [tilespmem:$0x110];
	[tilespmem:$0xC0] =	vst v13;
	v13 =	vadd.s32 v0, v49  }
0x54: {  	v51 =	vld [tilespmem:$0x520];
	[tilespmem:$0x900] =	vst v13;
	v13 =	vshra.s32 v49, $0x4  }
0x55: {  	[tilespmem:$0xD00] =	vst v13;
	v13 =	vadd.s32 v0, v14  }
0x56: {  	v14 =	vld [tilespmem:$0x120];
	[tilespmem:$0x100] =	vst v13;
	v13 =	vadd.s32 v0, v15  }
0x57: {  	[tilespmem:$0x910] =	vst v13;
	v13 =	vshra.s32 v15, $0x4;
	v15 =	vld [tilespmem:$0x530]  }
0x58: {  	[tilespmem:$0xD10] =	vst v13;
	v13 =	vadd.s32 v0, v50  }
0x59: {  	v52 =	vld [tilespmem:$0x130];
	[tilespmem:$0x110] =	vst v13;
	v13 =	vadd.s32 v0, v51  }
0x5a: {  	v53 =	vld [tilespmem:$0x540];
	[tilespmem:$0x920] =	vst v13;
	v13 =	vshra.s32 v51, $0x4  }
0x5b: {  	[tilespmem:$0xD20] =	vst v13;
	v13 =	vadd.s32 v0, v14  }
0x5c: {  	v14 =	vld [tilespmem:$0x140];
	[tilespmem:$0x120] =	vst v13;
	v13 =	vadd.s32 v0, v15  }
0x5d: {  	[tilespmem:$0x930] =	vst v13;
	v13 =	vshra.s32 v15, $0x4;
	v15 =	vld [tilespmem:$0x580]  }
0x5e: {  	[tilespmem:$0xD30] =	vst v13;
	v13 =	vadd.s32 v0, v52  }
0x5f: {  	v54 =	vld [tilespmem:$0x180];
	[tilespmem:$0x130] =	vst v13;
	v13 =	vadd.s32 v0, v53  }
0x60: {  	v55 =	vld [tilespmem:$0x590];
	[tilespmem:$0x940] =	vst v13;
	v13 =	vshra.s32 v53, $0x4  }
0x61: {  	[tilespmem:$0xD40] =	vst v13;
	v13 =	vadd.s32 v0, v14  }
0x62: {  	v14 =	vld [tilespmem:$0x190];
	[tilespmem:$0x140] =	vst v13;
	v13 =	vadd.s32 v0, v15  }
0x63: {  	[tilespmem:$0x980] =	vst v13;
	v13 =	vshra.s32 v15, $0x4;
	v15 =	vld [tilespmem:$0x5A0]  }
0x64: {  	[tilespmem:$0xD80] =	vst v13;
	v13 =	vadd.s32 v0, v54  }
0x65: {  	v56 =	vld [tilespmem:$0x1A0];
	[tilespmem:$0x180] =	vst v13;
	v13 =	vadd.s32 v0, v55  }
0x66: {  	v57 =	vld [tilespmem:$0x5B0];
	[tilespmem:$0x990] =	vst v13;
	v13 =	vshra.s32 v55, $0x4  }
0x67: {  	[tilespmem:$0xD90] =	vst v13;
	v13 =	vadd.s32 v0, v14  }
0x68: {  	v14 =	vld [tilespmem:$0x1B0];
	[tilespmem:$0x190] =	vst v13;
	v13 =	vadd.s32 v0, v15  }
0x69: {  	[tilespmem:$0x9A0] =	vst v13;
	v13 =	vshra.s32 v15, $0x4;
	v15 =	vld [tilespmem:$0x5C0]  }
0x6a: {  	[tilespmem:$0xDA0] =	vst v13;
	v13 =	vadd.s32 v0, v56  }
0x6b: {  	v58 =	vld [tilespmem:$0x1C0];
	[tilespmem:$0x1A0] =	vst v13;
	v13 =	vadd.s32 v0, v57  }
0x6c: {  	v59 =	vld [tilespmem:$0x600];
	[tilespmem:$0x9B0] =	vst v13;
	v13 =	vshra.s32 v57, $0x4  }
0x6d: {  	[tilespmem:$0xDB0] =	vst v13;
	v13 =	vadd.s32 v0, v14  }
0x6e: {  	v14 =	vld [tilespmem:$0x200];
	[tilespmem:$0x1B0] =	vst v13;
	v13 =	vadd.s32 v0, v15  }
0x6f: {  	[tilespmem:$0x9C0] =	vst v13;
	v13 =	vshra.s32 v15, $0x4;
	v15 =	vld [tilespmem:$0x610]  }
0x70: {  	[tilespmem:$0xDC0] =	vst v13;
	v13 =	vadd.s32 v0, v58  }
0x71: {  	v60 =	vld [tilespmem:$0x210];
	[tilespmem:$0x1C0] =	vst v13;
	v13 =	vadd.s32 v0, v59  }
0x72: {  	v61 =	vld [tilespmem:$0x620];
	[tilespmem:$0xA00] =	vst v13;
	v13 =	vshra.s32 v59, $0x4  }
0x73: {  	[tilespmem:$0xE00] =	vst v13;
	v13 =	vadd.s32 v0, v14  }
0x74: {  	v14 =	vld [tilespmem:$0x220];
	[tilespmem:$0x200] =	vst v13;
	v13 =	vadd.s32 v0, v15  }
0x75: {  	[tilespmem:$0xA10] =	vst v13;
	v13 =	vshra.s32 v15, $0x4;
	v15 =	vld [tilespmem:$0x630]  }
0x76: {  	[tilespmem:$0xE10] =	vst v13;
	v13 =	vadd.s32 v0, v60  }
0x77: {  	v62 =	vld [tilespmem:$0x230];
	[tilespmem:$0x210] =	vst v13;
	v13 =	vadd.s32 v0, v61  }
0x78: {  	v63 =	vld [tilespmem:$0x640];
	[tilespmem:$0xA20] =	vst v13;
	v13 =	vshra.s32 v61, $0x4  }
0x79: {  	[tilespmem:$0xE20] =	vst v13;
	v13 =	vadd.s32 v0, v14  }
0x7a: {  	v14 =	vld [tilespmem:$0x240];
	[tilespmem:$0x220] =	vst v13;
	v13 =	vadd.s32 v0, v15  }
0x7b: {  	[tilespmem:$0xA30] =	vst v13;
	v13 =	vshra.s32 v15, $0x4  }
0x7c: {  	[tilespmem:$0xE30] =	vst v13;
	v13 =	vadd.s32 v0, v62  }
0x7d: {  	[tilespmem:$0x230] =	vst v13;
	v13 =	vadd.s32 v0, v63  }
0x7e: {  	[tilespmem:$0xA40] =	vst v13;
	v13 =	vshra.s32 v63, $0x4  }
0x7f: {  	[tilespmem:$0xE40] =	vst v13;
	v13 =	vadd.s32 v0, v14  }
0x80: {  	s2 =	simm.s32 $0x0;
	[tilespmem:$0x240] =	vst v13  }
.LBB2_3:
0x81: {  	s1 =	sshll.u32 s2, $0x7  }
0x82: {  	[tilespmem:s23], [sflag:$0x1] =	stream.indirect.gather [hbm4b:s7+s22], $0x80, s1, s22, $0xb8;
	[tilespmem:$0x1DC00] =	vst v63  }
0x83: {  	s4 =	sadd.s32 $0x800, s1  }
0x84: {  	[tilespmem:s24], [sflag:$0x2] =	stream.indirect.gather [hbm4b:s8+s22], $0x80, s4, s22, $0xb8;
	[tilespmem:$0x1DC00] =	vst v63  }
0x85: {  	_ =	swait.ge [sflag:s25], $0x2800  }
0x86: {  	[sflag:s25] =	ssyncset.done $0x0  }
0x87: {  	[sflag:s25] =	ssyncadd.s32 $0xFFFFD800  }
0x88: {  	_ =	swait.ge [sflag:s26], $0x2800  }
0x89: {  	[sflag:s26] =	ssyncset.done $0x0  }
0x8a: {  	s4 =	simm.s32 $0x3840;
	[sflag:s26] =	ssyncadd.s32 $0xFFFFD800  }
0x8b: {  	v17 =	vld [tilespmem:s4+$0xFFFFFFC0]  }
0x8c: {  	v22 =	vld [tilespmem:s4+$0xFFFFFFD0]  }
0x8d: {  	v23 =	vld [tilespmem:s4+$0xFFFFFFF0]  }
0x8e: {  	v16 =	vld [tilespmem:s4+$0x30]  }
0x8f: {  	v24 =	vld [tilespmem:$0x8B80]  }
0x90: {  	v25 =	vld [tilespmem:$0x8B00]  }
0x91: {  	s20 =	simm.s32 $0x1040;
	v27 =	vld [tilespmem:s4+$0xFFFFFFE0]  }
0x92: {  	v13 =	vld [tilespmem:s20+$0x30]  }
0x93: {  	v19 =	vld [tilespmem:s4+$0x10]  }
0x94: {  	v28 =	vld [tilespmem:s4+$0x20]  }
0x95: {  	v14 =	vld [tilespmem:s20+$0x20]  }
0x96: {  	v15 =	vld [tilespmem:s20+$0x10]  }
0x97: {  	v29 =	vld [tilespmem:s4+$0x0]  }
0x98: {  	v18 =	vld [tilespmem:s20+$0x0]  }
0x99: {  	v20 =	vld [tilespmem:s20+$0xFFFFFFF0]  }
0x9a: {  	v21 =	vld [tilespmem:s20+$0xFFFFFFE0]  }
0x9b: {  	v26 =	vld [tilespmem:$0x8A80]  }
0x9c: {  	v49 =	vld [tilespmem:$0x8A00];
	v30 =	vadd.f32 v16, v13  }
0x9d: {  	v35 =	vld [tilespmem:$0x8980];
	v32 =	vadd.f32 v19, v15;
	v28 =	vadd.f32 v28, v14  }
0x9e: {  	v51 =	vld [tilespmem:$0x8900];
	v29 =	vadd.f32 v29, v18;
	v23 =	vadd.f32 v23, v20;
	v31 =	vmul.f32 $2.000000030e-01, v30  }
0x9f: {  	v19 =	vld [tilespmem:s20+$0xFFFFFFC0];
	v27 =	vadd.f32 v27, v21;
	v50 =	vmul.f32 $2.000000030e-01, v32;
	v33 =	vmul.f32 $2.000000030e-01, v28  }
0xa0: {  	v16 =	vld [tilespmem:s20+$0xFFFFFFD0];
	v36 =	vmul.f32 $2.000000030e-01, v29;
	v52 =	vmul.f32 $2.000000030e-01, v23  }
0xa1: {  	v37 =	vmul.f32 $2.000000030e-01, v27;
	v30 =	vmax.f32 v30, v31;
	v31 =	vmax.f32 v32, v50  }
0xa2: {  	v28 =	vmax.f32 v28, v33;
	v29 =	vmax.f32 v29, v36;
	v23 =	vmax.f32 v23, v52  }
0xa3: {  	v27 =	vmax.f32 v27, v37;
	v24 =	vmul.f32 v30, v24;
	v26 =	vmul.f32 v31, v26  }
0xa4: {  	v53 =	vld [tilespmem:$0x8800];
	v17 =	vadd.f32 v17, v19;
	v29 =	vmul.f32 v29, v49;
	v25 =	vmul.f32 v28, v25  }
0xa5: {  	v54 =	vld [tilespmem:$0x8880];
	v22 =	vadd.f32 v22, v16;
	v23 =	vmul.f32 v23, v35;
	v27 =	vmul.f32 v27, v51  }
0xa6: {  	v34 =	vperm.xlane v24, v3;
	v55 =	vmul.f32 $2.000000030e-01, v17  }
0xa7: {  	v56 =	vperm.xlane v26, v3;
	v58 =	vmul.f32 $2.000000030e-01, v22  }
0xa8: {  	v57 =	vperm.xlane v29, v3;
	v38 =	vperm.xlane v25, v3  }
0xa9: {  	v60 =	vperm.xlane v23, v3;
	v17 =	vmax.f32 v17, v55;
	v22 =	vmax.f32 v22, v58  }
0xaa: {  	v24 =	vadd.f32 v34, v24;
	v17 =	vmul.f32 v17, v53;
	v22 =	vmul.f32 v22, v54  }
0xab: {  	v61 =	vperm.xlane v27, v3;
	v29 =	vadd.f32 v57, v29;
	v26 =	vadd.f32 v56, v26  }
0xac: {  	v25 =	vadd.f32 v38, v25;
	v59 =	vperm.xlane v17, v3;
	v62 =	vperm.xlane v22, v3  }
0xad: {  	v23 =	vadd.f32 v60, v23;
	v27 =	vadd.f32 v61, v27  }
0xae: {  	v17 =	vadd.f32 v59, v17;
	v22 =	vadd.f32 v62, v22  }
0xaf: {  	v26 =	vsel vm0, v29, v26;
	v24 =	vsel vm0, v25, v24;
	v23 =	vsel vm0, v27, v23  }
0xb0: {  	v25 =	vperm.xlane v26, v4;
	v63 =	vperm.xlane v24, v4;
	v17 =	vsel vm0, v17, v22  }
0xb1: {  	v27 =	vperm.xlane v23, v4;
	v22 =	vperm.xlane v17, v4  }
0xb2: {  	v25 =	vadd.f32 v25, v26;
	v24 =	vadd.f32 v63, v24  }
0xb3: {  	v17 =	vadd.f32 v22, v17;
	v22 =	vadd.f32 v27, v23;
	_ =	sdelay $0x1  }
0xb4: {  	v23 =	vsel vm1, v25, v24;
	v17 =	vsel vm1, v17, v22  }
0xb5: {  	v22 =	vperm.xlane v23, v5;
	v24 =	vperm.xlane v17, v5;
	_ =	sdelay $0x1  }
0xb6: {  	v22 =	vadd.f32 v22, v23;
	v17 =	vadd.f32 v24, v17;
	_ =	sdelay $0x1  }
0xb7: {  	v23 =	vmov s31;
	v22 =	vsel vm2, v17, v22  }
0xb8: {  	v23 =	vand.u32 $0x7F, v23;
	v17 =	vmov s1;
	v24 =	vperm.xlane v22, v6  }
0xb9: {  	v23 =	vadd.s32 v17, v23  }
0xba: {  	v23 =	vbroadcast v23, $0x0;
	v22 =	vadd.f32 v22, v24;
	_ =	sdelay $0x1  }
0xbb: {  	v22 =	vmul.f32 $1.442695020e+00, v22;
	_ =	sdelay $0x1  }
0xbc: {  	(erf) = vpow2.f32 v22;
	_ =	sdelay $0x1  }
0xbd: {  	v22 =	vld.idx.msk [tilespmem:v23+s21+$0x0], $0xffff;
	_ =	sdelay $0x4  }
0xbe: {  	v23 =	vand.u32 $0x1, v22  }
0xbf: {  	vm4 =	veq.s32 v23, $0x1  }
0xc0: {  	s12 =	simm.s32 $0x6040;
	v23 =	vshrl.u32 v22, $0x1;
	vm4 =	vmxor vm4, vm3;
	v24 =	vpop (erf)  }
0xc1: {  	s14 =	simm.s32 $0x1;
	s11 =	simm.s32 $0x6040;
	s9 =	simm.s32 $0x3840;
	v25 =	vperm.xlane v24, v7;
	v26 =	vperm.xlane v24, v1;
	v22 =	vnsel vm4, $0x0, v24  }
.LBB2_4:
0xc2: {  	v27 =	vperm.xlane v24, v8;
	v28 =	vperm.xlane v24, v9;
	s4 =	sadd.s32 $0x80, s4;
	s12 =	sadd.s32 $0x80, s12;
	s20 =	sadd.s32 $0x80, s20  }
0xc3: {  	p0 =	sne.s32 s14, $0x4F;
	v29 =	vperm.xlane v24, v10;
	v30 =	vperm.xlane v24, v11;
	s15 =	smov.u32 s14;
	s14 =	sadd.s32 $0x1, s14  }
0xc4: {  	v21 =	vmul.f32 v27, v21;
	v20 =	vmul.f32 v28, v20  }
0xc5: {  	v18 =	vmul.f32 v29, v18;
	v15 =	vmul.f32 v30, v15  }
0xc6: {  	[tilespmem:s11+$0xFFFFFFF0] =	vst v20;
	v20 =	vperm.xlane v24, v12;
	v24 =	vperm.xlane v24, v2  }
0xc7: {  	v19 =	vmul.f32 v25, v19;
	v16 =	vmul.f32 v26, v16;
	[tilespmem:s11+$0x0] =	vst v18  }
0xc8: {  	[tilespmem:s11+$0x10] =	vst v15;
	v14 =	vmul.f32 v20, v14;
	v13 =	vmul.f32 v24, v13  }
0xc9: {  	[tilespmem:s11+$0xFFFFFFE0] =	vst v21  }
0xca: {  	[tilespmem:s11+$0xFFFFFFD0] =	vst v16  }
0xcb: {  	v15 =	vand.u32 $0x7, v23;
	[tilespmem:s11+$0xFFFFFFC0] =	vst v19  }
0xcc: {  	vm4 =	veq.s32 v15, $0x0;
	[tilespmem:s11+$0x20] =	vst v14  }
0xcd: {  	[tilespmem:s11+$0x30] =	vst v13;
	v13 =	vnsel vm4, $0x0, v22;
	vm4 =	veq.s32 v15, $0x1;
	s11 =	smov.u32 s12  }
0xce: {  	[tilespmem:s9+$0xFFFFFFC0] =	vst v13;
	v13 =	vnsel vm4, $0x0, v22;
	vm4 =	veq.s32 v15, $0x3  }
0xcf: {  	[tilespmem:s9+$0xFFFFFFD0] =	vst v13;
	v13 =	vnsel vm4, $0x0, v22;
	vm4 =	veq.s32 v15, $0x7  }
0xd0: {  	vm5 =	veq.s32 v15, $0x6;
	[tilespmem:s9+$0xFFFFFFF0] =	vst v13;
	v13 =	vnsel vm4, $0x0, v22  }
0xd1: {  	v14 =	vnsel vm5, $0x0, v22;
	vm4 =	veq.s32 v15, $0x5;
	[tilespmem:s9+$0x30] =	vst v13  }
0xd2: {  	vm6 =	veq.s32 v15, $0x4;
	vm5 =	veq.s32 v15, $0x2;
	v13 =	vnsel vm4, $0x0, v22;
	v23 =	vld [tilespmem:s4+$0xFFFFFFC0];
	[tilespmem:s9+$0x20] =	vst v14  }
0xd3: {  	v15 =	vnsel vm6, $0x0, v22;
	v14 =	vnsel vm5, $0x0, v22;
	v24 =	vld [tilespmem:s4+$0xFFFFFFD0];
	[tilespmem:s9+$0x10] =	vst v13  }
0xd4: {  	v22 =	vld [tilespmem:s4+$0xFFFFFFF0];
	[tilespmem:s9+$0xFFFFFFE0] =	vst v14  }
0xd5: {  	v16 =	vld [tilespmem:s4+$0x30];
	[tilespmem:s9+$0x0] =	vst v15;
	s9 =	smov.u32 s4  }
0xd6: {  	v25 =	vld [tilespmem:$0x8B80]  }
0xd7: {  	v26 =	vld [tilespmem:$0x8B00]  }
0xd8: {  	v27 =	vld [tilespmem:$0x8A80]  }
0xd9: {  	v28 =	vld [tilespmem:s4+$0xFFFFFFE0]  }
0xda: {  	v13 =	vld [tilespmem:s20+$0x30]  }
0xdb: {  	v19 =	vld [tilespmem:s4+$0x10]  }
0xdc: {  	v29 =	vld [tilespmem:s4+$0x20]  }
0xdd: {  	v14 =	vld [tilespmem:s20+$0x20]  }
0xde: {  	v15 =	vld [tilespmem:s20+$0x10]  }
0xdf: {  	v30 =	vld [tilespmem:s4+$0x0];
	v31 =	vadd.f32 v16, v13  }
0xe0: {  	v18 =	vld [tilespmem:s20+$0x0]  }
0xe1: {  	v20 =	vld [tilespmem:s20+$0xFFFFFFF0];
	v32 =	vmul.f32 $2.000000030e-01, v31  }
0xe2: {  	v21 =	vld [tilespmem:s20+$0xFFFFFFE0];
	v29 =	vadd.f32 v29, v14  }
0xe3: {  	v16 =	vld [tilespmem:s20+$0xFFFFFFD0];
	v33 =	vadd.f32 v19, v15;
	v31 =	vmax.f32 v31, v32  }
0xe4: {  	v19 =	vld [tilespmem:s20+$0xFFFFFFC0];
	v32 =	vmul.f32 $2.000000030e-01, v29;
	v25 =	vmul.f32 v31, v25  }
0xe5: {  	v30 =	vadd.f32 v30, v18;
	v31 =	vld [tilespmem:$0x8A00];
	v34 =	vmul.f32 $2.000000030e-01, v33  }
0xe6: {  	v22 =	vadd.f32 v22, v20;
	v29 =	vmax.f32 v29, v32;
	v32 =	vperm.xlane v25, v3  }
0xe7: {  	v28 =	vadd.f32 v28, v21;
	v35 =	vld [tilespmem:$0x8980];
	v36 =	vmul.f32 $2.000000030e-01, v30;
	v33 =	vmax.f32 v33, v34  }
0xe8: {  	v24 =	vadd.f32 v24, v16;
	v34 =	vld [tilespmem:$0x8900];
	v37 =	vmul.f32 $2.000000030e-01, v22;
	v27 =	vmul.f32 v33, v27  }
0xe9: {  	v23 =	vadd.f32 v23, v19;
	v33 =	vld [tilespmem:$0x8800];
	v38 =	vmul.f32 $2.000000030e-01, v28;
	v30 =	vmax.f32 v30, v36  }
0xea: {  	v26 =	vmul.f32 v29, v26;
	v22 =	vmax.f32 v22, v37;
	v30 =	vmul.f32 v30, v31  }
0xeb: {  	v31 =	vperm.xlane v27, v3;
	v29 =	vmul.f32 $2.000000030e-01, v23;
	v28 =	vmax.f32 v28, v38  }
0xec: {  	v25 =	vadd.f32 v32, v25;
	v37 =	vperm.xlane v26, v3;
	v36 =	vperm.xlane v30, v3  }
0xed: {  	v22 =	vmul.f32 v22, v35;
	v23 =	vmax.f32 v23, v29;
	v29 =	vld [tilespmem:$0x8880];
	v28 =	vmul.f32 v28, v34  }
0xee: {  	v27 =	vadd.f32 v31, v27;
	v23 =	vmul.f32 v23, v33;
	v30 =	vadd.f32 v36, v30  }
0xef: {  	v31 =	vmul.f32 $2.000000030e-01, v24;
	v26 =	vadd.f32 v37, v26;
	v32 =	vperm.xlane v28, v3  }
0xf0: {  	v34 =	vperm.xlane v22, v3;
	v33 =	vperm.xlane v23, v3;
	v27 =	vsel vm0, v30, v27  }
0xf1: {  	v24 =	vmax.f32 v24, v31;
	v25 =	vsel vm0, v26, v25;
	v26 =	vperm.xlane v27, v4  }
0xf2: {  	v24 =	vmul.f32 v24, v29;
	v23 =	vadd.f32 v33, v23;
	v29 =	vperm.xlane v25, v4  }
0xf3: {  	v22 =	vadd.f32 v34, v22;
	v26 =	vadd.f32 v26, v27  }
0xf4: {  	v28 =	vadd.f32 v32, v28;
	v27 =	vperm.xlane v24, v3;
	v25 =	vadd.f32 v29, v25;
	_ =	sdelay $0x1  }
0xf5: {  	v22 =	vsel vm0, v28, v22;
	v24 =	vadd.f32 v27, v24;
	v25 =	vsel vm1, v26, v25  }
0xf6: {  	v26 =	vperm.xlane v25, v5  }
0xf7: {  	v23 =	vsel vm0, v23, v24  }
0xf8: {  	v27 =	vperm.xlane v22, v4;
	v24 =	vperm.xlane v23, v4;
	v25 =	vadd.f32 v26, v25;
	_ =	sdelay $0x1  }
0xf9: {  	v22 =	vadd.f32 v27, v22;
	v23 =	vadd.f32 v24, v23;
	_ =	sdelay $0x1  }
0xfa: {  	v22 =	vsel vm1, v23, v22  }
0xfb: {  	v23 =	vperm.xlane v22, v5;
	_ =	sdelay $0x1  }
0xfc: {  	v22 =	vadd.f32 v23, v22  }
0xfd: {  	v23 =	vmov s15  }
0xfe: {  	v23 =	vand.u32 $0x7F, v23;
	v22 =	vsel vm2, v22, v25  }
0xff: {  	v23 =	vadd.s32 v17, v23;
	v24 =	vperm.xlane v22, v6  }
0x100: {  	v23 =	vbroadcast v23, $0x0  }
0x101: {  	v22 =	vadd.f32 v22, v24;
	_ =	sdelay $0x1  }
0x102: {  	v22 =	vmul.f32 $1.442695020e+00, v22;
	_ =	sdelay $0x1  }
0x103: {  	(erf) = vpow2.f32 v22  }
0x104: {  	v22 =	vld.idx.msk [tilespmem:v23+s21+$0x0], $0xffff;
	_ =	sdelay $0x4  }
.Ltmp0:
0x105: {  	(pc) =	sbr.rel @p0 .LBB2_4-.Ltmp0, $4  }
0x106: {  	v23 =	vshrl.u32 v22, $0x1;
	v22 =	vand.u32 $0x1, v22  }
0x107: {  	vm4 =	veq.s32 v22, $0x1  }
0x108: {  	vm4 =	vmxor vm4, vm3;
	v24 =	vpop (erf)  }
0x109: {  	v25 =	vperm.xlane v24, v7;
	v26 =	vperm.xlane v24, v1;
	v22 =	vnsel vm4, $0x0, v24  }
0x10a: {  	_ = 	snop  }
0x10b: {  	v17 =	vperm.xlane v24, v9;
	v16 =	vmul.f32 v26, v16  }
0x10c: {  	v28 =	vperm.xlane v24, v11;
	v19 =	vmul.f32 v25, v19  }
0x10d: {  	v27 =	vperm.xlane v24, v10;
	v17 =	vmul.f32 v17, v20;
	[tilespmem:s11+$0xFFFFFFD0] =	vst v16  }
0x10e: {  	v61 =	vperm.xlane v24, v8;
	v15 =	vmul.f32 v28, v15;
	[tilespmem:s11+$0xFFFFFFC0] =	vst v19  }
0x10f: {  	v63 =	vperm.xlane v24, v12;
	v18 =	vmul.f32 v27, v18;
	[tilespmem:s11+$0xFFFFFFF0] =	vst v17  }
0x110: {  	v62 =	vmul.f32 v61, v21;
	[tilespmem:s11+$0x10] =	vst v15;
	v15 =	vperm.xlane v24, v2  }
0x111: {  	v14 =	vmul.f32 v63, v14;
	[tilespmem:s11+$0x0] =	vst v18  }
0x112: {  	[tilespmem:s11+$0xFFFFFFE0] =	vst v62;
	v13 =	vmul.f32 v15, v13;
	v15 =	vand.u32 $0x7, v23  }
0x113: {  	[tilespmem:s11+$0x20] =	vst v14;
	vm4 =	veq.s32 v15, $0x0  }
0x114: {  	vm5 =	veq.s32 v15, $0x6;
	[tilespmem:s11+$0x30] =	vst v13;
	v13 =	vnsel vm4, $0x0, v22  }
0x115: {  	vm4 =	veq.s32 v15, $0x1;
	v14 =	vnsel vm5, $0x0, v22;
	[tilespmem:s9+$0xFFFFFFC0] =	vst v13  }
0x116: {  	vm5 =	veq.s32 v15, $0x2;
	v13 =	vnsel vm4, $0x0, v22;
	[tilespmem:s9+$0x20] =	vst v14  }
0x117: {  	vm4 =	veq.s32 v15, $0x3;
	v14 =	vnsel vm5, $0x0, v22;
	[tilespmem:s9+$0xFFFFFFD0] =	vst v13  }
0x118: {  	v13 =	vnsel vm4, $0x0, v22;
	vm4 =	veq.s32 v15, $0x7;
	[tilespmem:s9+$0xFFFFFFE0] =	vst v14  }
0x119: {  	[tilespmem:s9+$0xFFFFFFF0] =	vst v13;
	v13 =	vnsel vm4, $0x0, v22;
	vm4 =	veq.s32 v15, $0x5  }
0x11a: {  	[tilespmem:s9+$0x30] =	vst v13;
	v13 =	vnsel vm4, $0x0, v22;
	vm4 =	veq.s32 v15, $0x4  }
0x11b: {  	[tilespmem:s9+$0x10] =	vst v13;
	v13 =	vnsel vm4, $0x0, v22  }
0x11c: {  	s4 =	sadd.s32 $0x400, s1;
	[tilespmem:s9+$0x0] =	vst v13  }
0x11d: {  	[spmem:s0] =	stream.indirect.scatter.add.f32 [tilespmem:s28], [sflag:$0x1], $0x80, s4, s22, $0xb8;
	[tilespmem:$0x1DC00] =	vst v63  }
0x11e: {  	s20 =	sadd.s32 $0xC00, s1;
	s2 =	sadd.s32 $0x1, s2  }
0x11f: {  	[spmem:s3] =	stream.indirect.scatter.add.f32 [tilespmem:s24], [sflag:$0x2], $0x80, s20, s22, $0xb8;
	[tilespmem:$0x1DC00] =	vst v63  }
0x120: {  	p0 =	sne.s32 s2, $0x5;
	_ =	swait.ge [sflag:s25], $0x2800  }
.Ltmp1:
0x121: {  	[sflag:s25] =	ssyncset.done $0x0;
	(pc) =	sbr.rel @p0 .LBB2_3-.Ltmp1, $4  }
0x122: {  	[sflag:s25] =	ssyncadd.s32 $0xFFFFD800  }
0x123: {  	_ =	swait.ge [sflag:s26], $0x2800  }
0x124: {  	[sflag:s26] =	ssyncset.done $0x0  }
0x125: {  	[sflag:s26] =	ssyncadd.s32 $0xFFFFD800  }
0x126: {  	s30 =	sadd.s32 $0x1, s30  }
0x127: {  	p0 =	sne.s32 s30, $0x32  }
.Ltmp2:
0x128: {  	_ = 	snop;
	(pc) =	sbr.rel @p0 .LBB2_2-.Ltmp2, $1  }
0x129: {  	_ =	sdelay $0x3  }
0x12a: {  	[bflag:$0x0] =	sbarrier.arrive $0xFFFF  }
0x12b: {  	s1 =	rddreg [dreg:$0x8]  }
0x12c: {  	[hbm:s1], [sflag:s10] =	dma.local [spmem:s17], $0x2780  }
0x12d: {  	s29 =	sadd.s32 $0x1, s29;
	_ =	swait.ge [sflag:s18], $0x2780  }
0x12e: {  	p0 =	sne.s32 s29, s16;
	[sflag:s18] =	ssyncset.done $0x0  }
.Ltmp3:
0x12f: {  	s30 =	rddreg [dreg:$0x9];
	[sflag:s18] =	ssyncadd.s32 $0xFFFFD880;
	(pc) =	sbr.rel @p0 .LBB2_1-.Ltmp3, $4  }
0x130: {  	[hbm:s30], [sflag:s10] =	dma.local [spmem:s19], $0x280  }
0x131: {  	_ =	swait.ge [sflag:s18], $0x280  }
0x132: {  	[sflag:s18] =	ssyncset.done $0x0  }
0x133: {  	[sflag:s18] =	ssyncadd.s32 $0xFFFFFD80  }
0x134: {  	_ =	sfence.sel $0x180000  }
0x135: {  	[bflag:$0x0] =	sbarrier.arrive $0xFFFF  }
0x136: {  	_ =	strace $0x90000047  }
0x137: {  	s0 =	stileid.u32;
	[bflag:$0x2] =	sbarrier.arrive $0xFFFF  }
0x138: {  	p0 =	sne.s32 s0, $0x0;
	s0 =	rddreg [dreg:$0x4]  }
0x139: {  	s0 =	sadd.s32 @!p0 $0x100000, s0  }
0x13a: {  	[sflag:s0] =	ssyncadd.tile.s32 @!p0 $0x1;
	_ =	shalt  }
.Lfunc_end2:
_tile_overlayer_lowered:
.L_overlay_start_2:
0x13b: {  	(tag) =	ssettag $0x2  }
0x13c: {  	s0 =	rddreg [dreg:$0x0];
	s2 =	stileid.u32  }
0x13d: {  	s1 =	rddreg [dreg:$0x1];
	p0 =	sne.s32 s2, $0x0  }
0x13e: {  	s3 =	rddreg [dreg:$0x2];
	[bflag:$0x3] =	sbarrier.arrive $0xFFFF;
	s2 =	simm.s32 @!p0 $0x1C03  }
0x13f: {  	[timem:s3], [sflag:s2] =	dma.local @!p0 [hbm:s0], s1  }
0x140: {  	s0 =	simm.s32 @!p0 $0x3  }
0x141: {  	_ =	swait.ge @!p0 [sflag:s0], s1  }
0x142: {  	s1 =	ssub.s32 @!p0 $0x0, s1;
	[sflag:s0] =	ssyncset.done @!p0 $0x0  }
0x143: {  	[sflag:s0] =	ssyncadd.s32 @!p0 s1  }
0x144: {  	[bflag:$0x3] =	sbarrier.arrive $0xFFFF  }
0x145: {  	_ =	shalt  }

</sc_bundles>
